<compile_context>
chip_gen: v7x
topology: tpu7x:2x2x1
jax: 0.10.2.dev20260603
libtpu: 0.0.44.dev20260713+nightly
codegen_flags: <defaults>
</compile_context>

<pallas_src>
import functools

import jax
import jax.numpy as jnp
from jax import lax
from jax.experimental import pallas as pl
from jax.experimental.pallas import tpu as pltpu
from jax.experimental.pallas import tpu_sc as plsc

HID = 128
CDIM = 128
LAT = 64
MER = 64
NCH = 4
T = 20000
B = 2
TP = 2000
NT = T // TP
NCELL = LAT * MER

_CENTERS = ((0.25, 0.25, 0.25), (-0.25, -0.25, -0.25),
            (-0.25, 0.25, 0.25), (0.25, -0.25, 0.25))
_PI = 3.1415927410125732



def _block0_body(p_ref, w1, b1, w0, b0, wf1, bf1, ws, net_out, max_out):
    t = pl.program_id(1)
    x = p_ref[0]
    net = jnp.dot(x, w1[...], preferred_element_type=jnp.float32) + b1[...]
    h = jnp.dot(jnp.maximum(net, 0.0), w0[...],
                preferred_element_type=jnp.float32) + b0[...]
    dx = jnp.dot(jnp.maximum(h, 0.0), wf1[...],
                 preferred_element_type=jnp.float32) + bf1[...]
    out = jnp.dot(net, ws[...], preferred_element_type=jnp.float32) + dx
    net_out[0] = out
    tile_max = jnp.max(out, axis=0, keepdims=True)
    prev = jnp.where(t == 0, jnp.full((1, HID), -jnp.inf, jnp.float32),
                     max_out[0])
    max_out[0] = jnp.maximum(prev, tile_max)


def _blockn_body(net_ref, pool_ref, w0, b0, wf1, bf1, ws, net_out, max_out):
    t = pl.program_id(1)
    x1 = net_ref[0]
    pooled = jnp.broadcast_to(pool_ref[0], x1.shape)
    x = jnp.concatenate([x1, pooled], axis=1)
    h = jnp.dot(jnp.maximum(x, 0.0), w0[...],
                preferred_element_type=jnp.float32) + b0[...]
    dx = jnp.dot(jnp.maximum(h, 0.0), wf1[...],
                 preferred_element_type=jnp.float32) + bf1[...]
    out = jnp.dot(x, ws[...], preferred_element_type=jnp.float32) + dx
    net_out[0] = out
    if max_out is not None:
        tile_max = jnp.max(out, axis=0, keepdims=True)
        prev = jnp.where(t == 0, jnp.full((1, HID), -jnp.inf, jnp.float32),
                         max_out[0])
        max_out[0] = jnp.maximum(prev, tile_max)


def _last_body(nr, pr, w0, b0, wf1, bf1, ws, no):
    _blockn_body(nr, pr, w0, b0, wf1, bf1, ws, no, None)


def _wspec(shape):
    return pl.BlockSpec(shape, lambda b, t: (0,) * len(shape))


def _pointnet(p, P):
    grid = (B, NT)
    net_spec = pl.BlockSpec((1, TP, HID), lambda b, t: (b, t, 0))
    max_spec = pl.BlockSpec((1, 1, HID), lambda b, t: (b, 0, 0))
    net0, max0 = pl.pallas_call(
        _block0_body,
        grid=grid,
        in_specs=[
            pl.BlockSpec((1, TP, 3), lambda b, t: (b, t, 0)),
            _wspec((3, 2 * HID)), _wspec((1, 2 * HID)),
            _wspec((2 * HID, HID)), _wspec((1, HID)),
            _wspec((HID, HID)), _wspec((1, HID)),
            _wspec((2 * HID, HID)),
        ],
        out_specs=[net_spec, max_spec],
        out_shape=[jax.ShapeDtypeStruct((B, T, HID), jnp.float32),
                   jax.ShapeDtypeStruct((B, 1, HID), jnp.float32)],
    )(p, P['fc_pos_W'], P['fc_pos_b'][None],
      P['b0_fc0_W'], P['b0_fc0_b'][None],
      P['b0_fc1_W'], P['b0_fc1_b'][None], P['b0_sc_W'])

    net, mx = net0, max0
    for b in range(1, 5):
        last = b == 4
        outs = [jax.ShapeDtypeStruct((B, T, HID), jnp.float32)]
        ospecs = [net_spec]
        if not last:
            outs.append(jax.ShapeDtypeStruct((B, 1, HID), jnp.float32))
            ospecs.append(max_spec)
        res = pl.pallas_call(
            _last_body if last else _blockn_body,
            grid=grid,
            in_specs=[
                net_spec, max_spec,
                _wspec((2 * HID, HID)), _wspec((1, HID)),
                _wspec((HID, HID)), _wspec((1, HID)),
                _wspec((2 * HID, HID)),
            ],
            out_specs=ospecs,
            out_shape=outs,
        )(net, mx, P['b%d_fc0_W' % b], P['b%d_fc0_b' % b][None],
          P['b%d_fc1_W' % b], P['b%d_fc1_b' % b][None], P['b%d_sc_W' % b])
        if last:
            net = res[0]
        else:
            net, mx = res
    return net



def _bin_body(p_ref, cell_ref, rad_ref):
    x = p_ref[:, :, 0]
    y = p_ref[:, :, 1]
    z = p_ref[:, :, 2]
    rad_ref[0] = jnp.sqrt(x * x + y * y + z * z)
    dim_merid = 360.0 / MER
    dim_lat = 180.0 / LAT
    for l in range(NCH):
        cx, cy, cz = _CENTERS[l]
        xv = x - cx
        yv = y - cy
        zv = z - cz
        lati = 90.0 - jnp.arctan2(zv, jnp.sqrt(xv * xv + yv * yv)) * 180.0 / _PI
        meri = (360.0 + jnp.arctan2(yv, xv) * 180.0 / _PI) % 360.0
        y_grid = jnp.floor(lati / dim_lat)
        x_grid = jnp.floor(meri / dim_merid)
        cell = (x_grid + MER * y_grid).astype(jnp.int32)
        for b in range(B):
            cell_ref[0, b * NCH + l] = cell[b]


def _binning(p):
    cell, rad = pl.pallas_call(
        _bin_body,
        grid=(NT,),
        in_specs=[pl.BlockSpec((B, TP, 3), lambda t: (0, t, 0))],
        out_specs=[pl.BlockSpec((1, B * NCH, TP), lambda t: (t, 0, 0)),
                   pl.BlockSpec((1, B, TP), lambda t: (t, 0, 0))],
        out_shape=[jax.ShapeDtypeStruct((NT, B * NCH, TP), jnp.int32),
                   jax.ShapeDtypeStruct((NT, B, TP), jnp.float32)],
    )(p)
    return cell, rad



_SC_MESH = dict(core_axis_name="c", subcore_axis_name="s",
                num_cores=2, num_subcores=16)
OCAP = 2080
CPTS = 1024
NWAVE = 2
CPT = NCELL // (4 * NWAVE)
GC = 32


def _sc_stats_body(cell_hbm, rad_hbm, hmean_hbm, hmax_hbm,
                   cnt_a, sum_a, max_a, cells, rads, orel, orval,
                   hmean_s, hmax_s):
    wid = lax.axis_index("s") * 2 + lax.axis_index("c")
    tl = wid // 4
    sub = wid % 4
    b = tl // NCH
    c0 = sub * CPTS
    iota16 = lax.iota(jnp.int32, 16)
    zero16 = jnp.zeros((16,), jnp.float32)
    lane0 = iota16 == 0

    def zst(i, _):
        cnt_a[pl.ds(i * 16, 16)] = zero16
        sum_a[pl.ds(i * 16, 16)] = zero16
        max_a[pl.ds(i * 16, 16)] = zero16
        return 0
    lax.fori_loop(0, (CPTS + 16) // 16, zst, 0)

    def chunk_body(m, _):
        pltpu.sync_copy(cell_hbm.at[pl.ds((m * 8 + tl) * TP, TP)], cells)
        pltpu.sync_copy(rad_hbm.at[pl.ds((m * 2 + b) * TP, TP)], rads)

        def comp(j, cur):
            v = cells[pl.ds(j * 16, 16)]
            rel = v - c0
            msk = (rel >= 0) & (rel < CPTS)
            pc = plsc.cumsum(msk.astype(jnp.int32))
            dst = cur + pc - 1
            plsc.store_scatter(orel, [dst], rel, mask=msk)
            plsc.store_scatter(orval, [dst], rads[pl.ds(j * 16, 16)],
                               mask=msk)
            return cur + pc[15]
        cnt = lax.fori_loop(0, TP // 16, comp, 0)

        def pt_body(i, _):
            lc = orel[pl.ds(i, 16)][0]
            rv = orval[pl.ds(i, 16)][0]
            rvv = jnp.full((16,), rv, jnp.float32)
            c = cnt_a[pl.ds(lc, 16)]
            cnt_a[pl.ds(lc, 16)] = c + jnp.where(lane0, jnp.float32(1.0),
                                                 jnp.float32(0.0))
            sm = sum_a[pl.ds(lc, 16)]
            sum_a[pl.ds(lc, 16)] = sm + jnp.where(lane0, rvv,
                                                  jnp.float32(0.0))
            mx = max_a[pl.ds(lc, 16)]
            max_a[pl.ds(lc, 16)] = jnp.maximum(
                mx, jnp.where(lane0, rvv, jnp.full((16,), -jnp.inf,
                                                   jnp.float32)))
            return 0
        lax.fori_loop(0, cnt, pt_body, 0)
        return 0
    lax.fori_loop(0, NT, chunk_body, 0)

    def ep(g, _):
        cnt16 = cnt_a[pl.ds(g * 16, 16)]
        sum16 = sum_a[pl.ds(g * 16, 16)]
        max16 = max_a[pl.ds(g * 16, 16)]
        hmean_s[pl.ds(g * 16, 16)] = sum16 / jnp.maximum(cnt16, 1.0)
        hmax_s[pl.ds(g * 16, 16)] = max16
        return 0
    lax.fori_loop(0, CPTS // 16, ep, 0)

    pltpu.sync_copy(hmean_s, hmean_hbm.at[pl.ds(tl * NCELL + c0, CPTS)])
    pltpu.sync_copy(hmax_s, hmax_hbm.at[pl.ds(tl * NCELL + c0, CPTS)])


def _sc_nmax_body(cell_hbm, net_hbm, nmax_hbm,
                  acc, cells, oidx, orel, rows, sem):
    wid = lax.axis_index("s") * 2 + lax.axis_index("c")
    tl = wid // 4
    sub = wid % 4
    b = tl // NCH
    c0 = sub * CPTS
    iota16 = lax.iota(jnp.int32, 16)
    zero16 = jnp.zeros((16,), jnp.float32)
    zero16i = jnp.zeros((16,), jnp.int32)
    for w in range(NWAVE):
        c0 = (w * 4 + sub) * CPT

        def zacc(i, _):
            acc[pl.ds(i * 16, 16)] = zero16
            return 0
        lax.fori_loop(0, CPT * HID // 16, zacc, 0)

        def chunk_body(m, _):
            pltpu.sync_copy(cell_hbm.at[pl.ds((m * 8 + tl) * TP, TP)], cells)
            base = b * T + m * TP

            def comp(j, cur):
                v = cells[pl.ds(j * 16, 16)]
                rel = v - c0
                msk = (rel >= 0) & (rel < CPT)
                pc = plsc.cumsum(msk.astype(jnp.int32))
                dst = cur + pc - 1
                plsc.store_scatter(oidx, [dst],
                                   iota16 + (base + j * 16), mask=msk)
                plsc.store_scatter(orel, [dst], rel, mask=msk)
                return cur + pc[15]
            cnt = lax.fori_loop(0, TP // 16, comp, 0)

            for j in range(GC // 16):
                plsc.store_scatter(oidx, [cnt + j * 16 + iota16],
                                   zero16i + base)

            nsub = (cnt + GC - 1) // GC

            def fire(k):
                pltpu.async_copy(
                    net_hbm.at[oidx.at[pl.ds(k * GC, GC)]],
                    rows.at[pl.ds((k % 2) * GC, GC)], sem)

            def drain(k):
                pltpu.make_async_copy(
                    net_hbm.at[oidx.at[pl.ds(k * GC, GC)]],
                    rows.at[pl.ds((k % 2) * GC, GC)], sem).wait()

            @pl.when(nsub > 0)
            def _():
                fire(0)

            def sub_body(k, _):
                @pl.when(k + 1 < nsub)
                def _():
                    fire(k + 1)
                drain(k)
                npts = jnp.minimum(GC, cnt - k * GC)
                rb = (k % 2) * GC

                def pt_body(i, _):
                    lc = orel[pl.ds(k * GC + i, 16)][0]
                    off = lc * HID
                    for f in range(HID // 16):
                        a = acc[pl.ds(off + f * 16, 16)]
                        r = rows[rb + i, pl.ds(f * 16, 16)]
                        acc[pl.ds(off + f * 16, 16)] = jnp.maximum(a, r)
                    return 0
                lax.fori_loop(0, npts, pt_body, 0)
                return 0
            lax.fori_loop(0, nsub, sub_body, 0)
            return 0
        lax.fori_loop(0, NT, chunk_body, 0)

        pltpu.sync_copy(acc, nmax_hbm.at[pl.ds((tl * NCELL + c0) * HID,
                                               CPT * HID)])


def _scatter(cell3, rad3, net):
    netflat = net.reshape(B * T, HID)
    cellf = cell3.reshape(NT * B * NCH * TP)
    radf = rad3.reshape(NT * B * TP)
    stats_kern = pl.kernel(
        _sc_stats_body,
        out_type=[
            jax.ShapeDtypeStruct((B * NCH * NCELL,), jnp.float32),
            jax.ShapeDtypeStruct((B * NCH * NCELL,), jnp.float32),
        ],
        mesh=plsc.VectorSubcoreMesh(**_SC_MESH),
        compiler_params=pltpu.CompilerParams(needs_layout_passes=False),
        scratch_types=[
            pltpu.VMEM((CPTS + 16,), jnp.float32),
            pltpu.VMEM((CPTS + 16,), jnp.float32),
            pltpu.VMEM((CPTS + 16,), jnp.float32),
            pltpu.VMEM((TP,), jnp.int32),
            pltpu.VMEM((TP,), jnp.float32),
            pltpu.VMEM((OCAP,), jnp.int32),
            pltpu.VMEM((OCAP,), jnp.float32),
            pltpu.VMEM((CPTS,), jnp.float32),
            pltpu.VMEM((CPTS,), jnp.float32),
        ],
    )
    hmean, hmax = stats_kern(cellf, radf)
    nmax_kern = pl.kernel(
        _sc_nmax_body,
        out_type=jax.ShapeDtypeStruct((B * NCH * NCELL * HID,), jnp.float32),
        mesh=plsc.VectorSubcoreMesh(**_SC_MESH),
        compiler_params=pltpu.CompilerParams(needs_layout_passes=False),
        scratch_types=[
            pltpu.VMEM((CPT * HID,), jnp.float32),
            pltpu.VMEM((TP,), jnp.int32),
            pltpu.VMEM((OCAP,), jnp.int32),
            pltpu.VMEM((OCAP,), jnp.int32),
            pltpu.VMEM((2 * GC, HID), jnp.float32),
            pltpu.SemaphoreType.DMA,
        ],
    )
    nmax = nmax_kern(cellf, netflat)
    return (nmax.reshape(B * NCH, NCELL, HID),
            hmean.reshape(B * NCH, NCELL), hmax.reshape(B * NCH, NCELL))



def _conv3(xp_ref, x, w_ref, b_ref, H, W, relu=True):
    Cin = x.shape[-1]
    Co = w_ref.shape[-1]
    xp_ref[...] = jnp.zeros((H + 2, W + 2, Cin), jnp.float32)
    xp_ref[1:H + 1, 1:W + 1, :] = x
    acc = jnp.broadcast_to(b_ref[0], (H * W, Co))
    for dh in range(3):
        for dw in range(3):
            patch = xp_ref[dh:dh + H, dw:dw + W, :].reshape(H * W, Cin)
            acc = acc + jnp.dot(patch, w_ref[dh, dw],
                                preferred_element_type=jnp.float32)
    out = acc.reshape(H, W, Co)
    return jnp.maximum(out, 0.0) if relu else out


def _unet_body(f_ref, w1, b1, w2, b2, w3, b3, w4, b4, w5, b5, w6, b6,
               out_ref, xp1, xp2, xp3, xp4, xp5):
    x = f_ref[0]
    h = _conv3(xp1, x, w1, b1, 64, 64)
    h = _conv3(xp2, h, w2, b2, 64, 64)
    skip = h
    d = jnp.max(h.reshape(32, 2, 64, 64), axis=1)
    d = jnp.max(d.reshape(32, 32, 2, 64), axis=2)
    d = _conv3(xp3, d, w3, b3, 32, 32)
    d = _conv3(xp4, d, w4, b4, 32, 32)
    u = jnp.broadcast_to(d.reshape(32, 1, 32, 128),
                         (32, 2, 32, 128)).reshape(64, 32, 128)
    u = jnp.broadcast_to(u.reshape(64, 32, 1, 128),
                         (64, 32, 2, 128)).reshape(64, 64, 128)
    u = jnp.concatenate([u, skip], axis=2)
    u = _conv3(xp5, u, w5, b5, 64, 64)
    out = jnp.dot(u.reshape(64 * 64, 64), w6[0, 0],
                  preferred_element_type=jnp.float32) + b6[0]
    out_ref[0] = out.reshape(64, 64, CDIM)


def _unet(feat, P):
    def ws(shape):
        return pl.BlockSpec(shape, lambda i: (0,) * len(shape))
    return pl.pallas_call(
        _unet_body,
        grid=(B * NCH,),
        in_specs=[
            pl.BlockSpec((1, 64, 64, HID + 3), lambda i: (i, 0, 0, 0)),
            ws((3, 3, HID + 3, 64)), ws((1, 64)),
            ws((3, 3, 64, 64)), ws((1, 64)),
            ws((3, 3, 64, 128)), ws((1, 128)),
            ws((3, 3, 128, 128)), ws((1, 128)),
            ws((3, 3, 192, 64)), ws((1, 64)),
            ws((1, 1, 64, CDIM)), ws((1, CDIM)),
        ],
        out_specs=pl.BlockSpec((1, 64, 64, CDIM), lambda i: (i, 0, 0, 0)),
        out_shape=jax.ShapeDtypeStruct((B * NCH, 64, 64, CDIM), jnp.float32),
        scratch_shapes=[
            pltpu.VMEM((66, 66, HID + 3), jnp.float32),
            pltpu.VMEM((66, 66, 64), jnp.float32),
            pltpu.VMEM((34, 34, 64), jnp.float32),
            pltpu.VMEM((34, 34, 128), jnp.float32),
            pltpu.VMEM((66, 66, 192), jnp.float32),
        ],
    )(feat, P['u1_W'], P['u1_b'][None], P['u2_W'], P['u2_b'][None],
      P['u3_W'], P['u3_b'][None], P['u4_W'], P['u4_b'][None],
      P['u5_W'], P['u5_b'][None], P['u6_W'], P['u6_b'][None])



def kernel(p, params):
    net = _pointnet(p, params)
    cell, rad = _binning(p)
    nmax, hmean, hmax = _scatter(cell, rad, net)
    feat = jnp.concatenate([
        nmax,
        jnp.zeros((B * NCH, NCELL, 1), jnp.float32),
        hmean[..., None],
        hmax[..., None],
    ], axis=2).reshape(B * NCH, LAT, MER, HID + 3)
    c = _unet(feat, params)
    c = c.reshape(B, NCH, LAT, MER, CDIM)
    centers = jnp.array(_CENTERS, dtype=jnp.float32)
    sphere_centers = jnp.broadcast_to(centers[None], (B, NCH, 3))
    return c, sphere_centers

# --- scband reference (transcript-rebuilt; emitter-appended) ---
"""Pipeline reference for scband-resnet-const-multi-sphere-pointnet-63788854280405 (READ-ONLY COPY).

The authoritative reference and input builder live on the scoring server;
editing this copy changes nothing except your own understanding.
"""

import jax, jax.numpy as jnp
import numpy as np

HID = 128
CDIM = 128
LAT = 64
MER = 64
NCH = 4


def _init_params(key):
    P = {}
    def nrm(k, shape, scale):
        return jax.random.normal(jax.random.fold_in(key, k), shape, dtype=jnp.float32) * scale
    i = 0
    P['fc_pos_W'] = nrm(i, (3, 2 * HID), 0.3); i += 1
    P['fc_pos_b'] = jnp.zeros((2 * HID,), jnp.float32)
    for b in range(5):
        P['b%d_fc0_W' % b] = nrm(i, (2 * HID, HID), (2.0 / (2 * HID)) ** 0.5); i += 1
        P['b%d_fc0_b' % b] = jnp.zeros((HID,), jnp.float32)
        P['b%d_fc1_W' % b] = nrm(i, (HID, HID), (2.0 / HID) ** 0.5); i += 1
        P['b%d_fc1_b' % b] = jnp.zeros((HID,), jnp.float32)
        P['b%d_sc_W' % b] = nrm(i, (2 * HID, HID), (1.0 / (2 * HID)) ** 0.5); i += 1
    cin = HID + 3
    P['u1_W'] = nrm(i, (3, 3, cin, 64), (2.0 / (9 * cin)) ** 0.5); i += 1
    P['u1_b'] = jnp.zeros((64,), jnp.float32)
    P['u2_W'] = nrm(i, (3, 3, 64, 64), (2.0 / (9 * 64)) ** 0.5); i += 1
    P['u2_b'] = jnp.zeros((64,), jnp.float32)
    P['u3_W'] = nrm(i, (3, 3, 64, 128), (2.0 / (9 * 64)) ** 0.5); i += 1
    P['u3_b'] = jnp.zeros((128,), jnp.float32)
    P['u4_W'] = nrm(i, (3, 3, 128, 128), (2.0 / (9 * 128)) ** 0.5); i += 1
    P['u4_b'] = jnp.zeros((128,), jnp.float32)
    P['u5_W'] = nrm(i, (3, 3, 192, 64), (2.0 / (9 * 192)) ** 0.5); i += 1
    P['u5_b'] = jnp.zeros((64,), jnp.float32)
    P['u6_W'] = nrm(i, (1, 1, 64, CDIM), (1.0 / 64) ** 0.5); i += 1
    P['u6_b'] = jnp.zeros((CDIM,), jnp.float32)
    return P


def setup_inputs(seed: int = 0):
    key = jax.random.key(seed)
    p = jax.random.normal(jax.random.fold_in(key, 100), (2, 20000, 3), dtype=jnp.float32)
    params = _init_params(key)
    return {"p": p, "params": params}


def _resnet_block(x, w0, b0, w1, b1, ws):
    net = jnp.maximum(x, 0.0) @ w0 + b0
    dx = jnp.maximum(net, 0.0) @ w1 + b1
    return x @ ws + dx


def _conv(x, w, b):
    y = jax.lax.conv_general_dilated(x, w, (1, 1), 'SAME', dimension_numbers=('NHWC', 'HWIO', 'NHWC'))
    return y + b


def _unet(x, P):
    h = jax.nn.relu(_conv(x, P['u1_W'], P['u1_b']))
    h = jax.nn.relu(_conv(h, P['u2_W'], P['u2_b']))
    skip = h
    d = jax.lax.reduce_window(h, -jnp.inf, jax.lax.max, (1, 2, 2, 1), (1, 2, 2, 1), 'VALID')
    d = jax.nn.relu(_conv(d, P['u3_W'], P['u3_b']))
    d = jax.nn.relu(_conv(d, P['u4_W'], P['u4_b']))
    u = jnp.repeat(jnp.repeat(d, 2, axis=1), 2, axis=2)
    u = jnp.concatenate([u, skip], axis=3)
    u = jax.nn.relu(_conv(u, P['u5_W'], P['u5_b']))
    return _conv(u, P['u6_W'], P['u6_b'])


def _forward(p, P):
    B, T, D = p.shape
    H, W = LAT, MER
    pi = 3.1415927410125732
    net = p @ P['fc_pos_W'] + P['fc_pos_b']
    net = _resnet_block(net, P['b0_fc0_W'], P['b0_fc0_b'], P['b0_fc1_W'], P['b0_fc1_b'], P['b0_sc_W'])
    for b in range(1, 5):
        pooled = jnp.broadcast_to(jnp.max(net, axis=1, keepdims=True), net.shape)
        net = jnp.concatenate([net, pooled], axis=2)
        net = _resnet_block(net, P['b%d_fc0_W' % b], P['b%d_fc0_b' % b], P['b%d_fc1_W' % b], P['b%d_fc1_b' % b], P['b%d_sc_W' % b])
    centers = jnp.array([[0.25, 0.25, 0.25], [-0.25, -0.25, -0.25], [-0.25, 0.25, 0.25], [0.25, -0.25, 0.25]], dtype=jnp.float32)
    sphere_centers = jnp.broadcast_to(centers[None], (B, NCH, 3))
    radios = jnp.linalg.norm(p, axis=2)[..., None]
    dim_merid = 360.0 / W
    dim_lat = 180.0 / H
    def smax(vals, idx):
        return jnp.zeros((H * W, vals.shape[-1]), vals.dtype).at[idx].max(vals)
    def smin(vals, idx):
        return jnp.zeros((H * W, vals.shape[-1]), vals.dtype).at[idx].min(vals)
    def sadd(vals, idx):
        return jnp.zeros((H * W, vals.shape[-1]), vals.dtype).at[idx].add(vals)
    def scount(idx):
        return jnp.zeros((H * W,), jnp.float32).at[idx].add(1.0)
    feats = []
    for l in range(NCH):
        x_v = p[:, :, 0] - centers[l, 0]
        y_v = p[:, :, 1] - centers[l, 1]
        z_v = p[:, :, 2] - centers[l, 2]
        latitudes = 90.0 - jnp.arctan2(z_v, jnp.sqrt(x_v ** 2 + y_v ** 2)) * 180.0 / pi
        meridians = (360.0 + jnp.arctan2(y_v, x_v) * 180.0 / pi) % 360.0
        y_grid = jnp.floor(latitudes / dim_lat)
        x_grid = jnp.floor(meridians / dim_merid)
        cell = (x_grid + W * y_grid).astype(jnp.int32)
        hmax = jax.vmap(smax)(radios, cell)
        hmin = jax.vmap(smin)(radios, cell)
        sums = jax.vmap(sadd)(radios, cell)
        counts = jax.vmap(scount)(cell)
        hmean = sums / jnp.maximum(counts, 1.0)[..., None]
        nmax = jax.vmap(smax)(net, cell)
        feat = jnp.concatenate([nmax.reshape(B, H, W, HID),
                                hmin.reshape(B, H, W, 1),
                                hmean.reshape(B, H, W, 1),
                                hmax.reshape(B, H, W, 1)], axis=3)
        feats.append(feat)
    c = jnp.stack(feats, axis=1)
    c = c.reshape(B * NCH, H, W, HID + 3)
    c = _unet(c, P)
    c = c.reshape(B, NCH, H, W, CDIM)
    return c, sphere_centers


def reference(p, params):
    return _forward(p, params)

if __name__ == "__main__":
    import jax
    _d = setup_inputs()
    print(jax.jit(kernel)(*tuple(_d.values())))

</pallas_src>

<mosaic_0001>
#map = affine_map<(d0, d1) -> (0)>
module attributes {stable_mosaic.version = 14 : i64} {
  func.func @_sc_stats_body(%arg0: i32, %arg1: i32, %arg2: memref<160000xi32, #tpu.memory_space<hbm>>, %arg3: memref<40000xf32, #tpu.memory_space<hbm>>, %arg4: memref<32768xf32, #tpu.memory_space<hbm>>, %arg5: memref<32768xf32, #tpu.memory_space<hbm>>, %arg6: memref<1040xf32, #tpu.memory_space<vmem>>, %arg7: memref<1040xf32, #tpu.memory_space<vmem>>, %arg8: memref<1040xf32, #tpu.memory_space<vmem>>, %arg9: memref<2000xi32, #tpu.memory_space<vmem>>, %arg10: memref<2000xf32, #tpu.memory_space<vmem>>, %arg11: memref<2080xi32, #tpu.memory_space<vmem>>, %arg12: memref<2080xf32, #tpu.memory_space<vmem>>, %arg13: memref<1024xf32, #tpu.memory_space<vmem>>, %arg14: memref<1024xf32, #tpu.memory_space<vmem>>) attributes {dimension_semantics = [#tpu.dimension_semantics<core_parallel>, #tpu.dimension_semantics<subcore_parallel>], iteration_bounds = array<i64: 2, 16>, scalar_prefetch = 0 : i64, scratch_operands = 9 : i64, tpu.core_type = #tpu.core_type<sc_vector_subcore>, window_params = [{transform_indices = #map}, {transform_indices = #map}, {transform_indices = #map}, {transform_indices = #map}]} {
    %mul3A = arith.constant 2 : i32
    %mul3A_0 = arith.muli %arg1, %mul3A : i32
    %add3A = arith.addi %mul3A_0, %arg0 : i32
    %jit3A = arith.constant 4 : i32
    %div3A = arith.divsi %add3A, %jit3A : i32
    %sign3A = arith.constant 0 : i32
    %sign3A_1 = arith.cmpi sgt, %add3A, %sign3A : i32
    %sign3A_2 = arith.extui %sign3A_1 : i1 to i32
    %sign3A_3 = arith.constant 0 : i32
    %sign3A_4 = arith.cmpi slt, %add3A, %sign3A_3 : i32
    %sign3A_5 = arith.extui %sign3A_4 : i1 to i32
    %sign3A_6 = arith.subi %sign3A_2, %sign3A_5 : i32
    %sign3A_7 = arith.constant 0 : i32
    %sign3A_8 = arith.cmpi sgt, %jit3A, %sign3A_7 : i32
    %sign3A_9 = arith.extui %sign3A_8 : i1 to i32
    %sign3A_10 = arith.constant 0 : i32
    %sign3A_11 = arith.cmpi slt, %jit3A, %sign3A_10 : i32
    %sign3A_12 = arith.extui %sign3A_11 : i1 to i32
    %sign3A_13 = arith.subi %sign3A_9, %sign3A_12 : i32
    %ne3A = arith.cmpi ne, %sign3A_6, %sign3A_13 : i32
    %rem3A = arith.remsi %add3A, %jit3A : i32
    %ne3A_14 = arith.constant 0 : i32
    %ne3A_15 = arith.cmpi ne, %rem3A, %ne3A_14 : i32
    %and3A = arith.andi %ne3A, %ne3A_15 : i1
    %sub3A = arith.constant 1 : i32
    %sub3A_16 = arith.subi %div3A, %sub3A : i32
    %select_n3A = arith.select %and3A, %sub3A_16, %div3A : i32
    %jit3A_17 = arith.constant 4 : i32
    %eq3A = arith.constant 0 : i32
    %eq3A_18 = arith.cmpi eq, %jit3A_17, %eq3A : i32
    %jit3A_19 = arith.constant 1 : i32
    %select_n3A_20 = arith.select %eq3A_18, %jit3A_19, %jit3A_17 : i32
    %rem3A_21 = arith.remsi %add3A, %select_n3A_20 : i32
    %ne3A_22 = arith.constant 0 : i32
    %ne3A_23 = arith.cmpi ne, %rem3A_21, %ne3A_22 : i32
    %lt3A = arith.constant 0 : i32
    %lt3A_24 = arith.cmpi slt, %rem3A_21, %lt3A : i32
    %lt3A_25 = arith.constant 0 : i32
    %lt3A_26 = arith.cmpi slt, %select_n3A_20, %lt3A_25 : i32
    %ne3A_27 = arith.xori %lt3A_24, %lt3A_26 : i1
    %and3A_28 = arith.andi %ne3A_27, %ne3A_23 : i1
    %add3A_29 = arith.addi %rem3A_21, %select_n3A_20 : i32
    %select_n3A_30 = arith.select %and3A_28, %add3A_29, %rem3A_21 : i32
    %jit3A_31 = arith.constant 4 : i32
    %div3A_32 = arith.divsi %select_n3A, %jit3A_31 : i32
    %sign3A_33 = arith.constant 0 : i32
    %sign3A_34 = arith.cmpi sgt, %select_n3A, %sign3A_33 : i32
    %sign3A_35 = arith.extui %sign3A_34 : i1 to i32
    %sign3A_36 = arith.constant 0 : i32
    %sign3A_37 = arith.cmpi slt, %select_n3A, %sign3A_36 : i32
    %sign3A_38 = arith.extui %sign3A_37 : i1 to i32
    %sign3A_39 = arith.subi %sign3A_35, %sign3A_38 : i32
    %sign3A_40 = arith.constant 0 : i32
    %sign3A_41 = arith.cmpi sgt, %jit3A_31, %sign3A_40 : i32
    %sign3A_42 = arith.extui %sign3A_41 : i1 to i32
    %sign3A_43 = arith.constant 0 : i32
    %sign3A_44 = arith.cmpi slt, %jit3A_31, %sign3A_43 : i32
    %sign3A_45 = arith.extui %sign3A_44 : i1 to i32
    %sign3A_46 = arith.subi %sign3A_42, %sign3A_45 : i32
    %ne3A_47 = arith.cmpi ne, %sign3A_39, %sign3A_46 : i32
    %rem3A_48 = arith.remsi %select_n3A, %jit3A_31 : i32
    %ne3A_49 = arith.constant 0 : i32
    %ne3A_50 = arith.cmpi ne, %rem3A_48, %ne3A_49 : i32
    %and3A_51 = arith.andi %ne3A_47, %ne3A_50 : i1
    %sub3A_52 = arith.constant 1 : i32
    %sub3A_53 = arith.subi %div3A_32, %sub3A_52 : i32
    %select_n3A_54 = arith.select %and3A_51, %sub3A_53, %div3A_32 : i32
    %mul3A_55 = arith.constant 1024 : i32
    %mul3A_56 = arith.muli %select_n3A_30, %mul3A_55 : i32
    %iota3A = tpu.iota {dimensions = array<i32: 0>} : vector<16xi32>
    %broadcast_in_dim3A = arith.constant 0.000000e+00 : f32
    %broadcast_in_dim3A_57 = vector.broadcast %broadcast_in_dim3A : f32 to vector<16xf32>
    %eq3A_58 = arith.constant 0 : i32
    %eq3A_59 = vector.broadcast %eq3A_58 : i32 to vector<16xi32>
    %eq3A_60 = arith.cmpi eq, %iota3A, %eq3A_59 : vector<16xi32>
    %scan3A = arith.constant 0 : i32
    %scan3A_61 = arith.constant 0 : i32
    %scan3A_62 = arith.constant 65 : i32
    %scan3A_63 = arith.addi %scan3A_61, %scan3A_62 : i32
    %scan3A_64 = arith.constant 1 : i32
    %scan3A_65 = scf.for %scan3A_87 = %scan3A_61 to %scan3A_63 step %scan3A_64 iter_args(%scan3A_88 = %scan3A) -> (i32)  : i32 {
      %mul3A_89 = arith.constant 16 : i32
      %mul3A_90 = arith.muli %scan3A_87, %mul3A_89 : i32
      %swap3A = arith.index_cast %mul3A_90 : i32 to index
      %swap3A_91 = tpu.vector_load %arg6[%swap3A] {strides = array<i32>} : memref<1040xf32, #tpu.memory_space<vmem>>, vector<16xf32>,
      tpu.vector_store %arg6[%swap3A], %broadcast_in_dim3A_57 {strides = array<i32>} : memref<1040xf32, #tpu.memory_space<vmem>>, vector<16xf32>,
      %mul3A_92 = arith.constant 16 : i32
      %mul3A_93 = arith.muli %scan3A_87, %mul3A_92 : i32
      %swap3A_94 = arith.index_cast %mul3A_93 : i32 to index
      %swap3A_95 = tpu.vector_load %arg7[%swap3A_94] {strides = array<i32>} : memref<1040xf32, #tpu.memory_space<vmem>>, vector<16xf32>,
      tpu.vector_store %arg7[%swap3A_94], %broadcast_in_dim3A_57 {strides = array<i32>} : memref<1040xf32, #tpu.memory_space<vmem>>, vector<16xf32>,
      %mul3A_96 = arith.constant 16 : i32
      %mul3A_97 = arith.muli %scan3A_87, %mul3A_96 : i32
      %swap3A_98 = arith.index_cast %mul3A_97 : i32 to index
      %swap3A_99 = tpu.vector_load %arg8[%swap3A_98] {strides = array<i32>} : memref<1040xf32, #tpu.memory_space<vmem>>, vector<16xf32>,
      tpu.vector_store %arg8[%swap3A_98], %broadcast_in_dim3A_57 {strides = array<i32>} : memref<1040xf32, #tpu.memory_space<vmem>>, vector<16xf32>,
      %scan3A_100 = arith.constant 0 : i32
      scf.yield %scan3A_100 : i32
    }
    %scan3A_66 = arith.constant 65 : i32
    %scan3A_67 = arith.constant 0 : i32
    %scan3A_68 = arith.constant 0 : i32
    %scan3A_69 = arith.constant 10 : i32
    %scan3A_70 = arith.addi %scan3A_68, %scan3A_69 : i32
    %scan3A_71 = arith.constant 1 : i32
    %scan3A_72 = scf.for %scan3A_87 = %scan3A_68 to %scan3A_70 step %scan3A_71 iter_args(%scan3A_88 = %scan3A_67) -> (i32)  : i32 {
      %mul3A_89 = arith.constant 8 : i32
      %mul3A_90 = arith.muli %scan3A_87, %mul3A_89 : i32
      %add3A_91 = arith.addi %mul3A_90, %select_n3A : i32
      %mul3A_92 = arith.constant 2000 : i32
      %mul3A_93 = arith.muli %add3A_91, %mul3A_92 : i32
      "tpu.region"() ({
        %run_scoped3A = tpu.sem_alloc : memref<!tpu.dma_semaphore, #tpu.memory_space<semaphore_mem>>
        %dma_start3A = tpu.memref_slice %arg2[%mul3A_93] : memref<160000xi32, #tpu.memory_space<hbm>> -> memref<2000xi32, #tpu.memory_space<hbm>>
        %dma_start3A_118 = tpu.memref_slice %arg2[%mul3A_93] : memref<160000xi32, #tpu.memory_space<hbm>> -> memref<2000xi32, #tpu.memory_space<hbm>>
        tpu.enqueue_dma source(%dma_start3A_118 : memref<2000xi32, #tpu.memory_space<hbm>>) target(%arg9 : memref<2000xi32, #tpu.memory_space<vmem>>) target_semaphore(%run_scoped3A : memref<!tpu.dma_semaphore, #tpu.memory_space<semaphore_mem>>)
        %dma_wait3A = tpu.memref_slice %arg2[%mul3A_93] : memref<160000xi32, #tpu.memory_space<hbm>> -> memref<2000xi32, #tpu.memory_space<hbm>>
        %dma_wait3A_119 = tpu.memref_slice %arg2[%mul3A_93] : memref<160000xi32, #tpu.memory_space<hbm>> -> memref<2000xi32, #tpu.memory_space<hbm>>
        tpu.wait_dma2 semaphore(%run_scoped3A : memref<!tpu.dma_semaphore, #tpu.memory_space<semaphore_mem>>) src(%dma_wait3A_119 : memref<2000xi32, #tpu.memory_space<hbm>>) dst(%arg9 : memref<2000xi32, #tpu.memory_space<vmem>>)
        tpu.yield
      }) : () -> ()
      %mul3A_94 = arith.constant 2 : i32
      %mul3A_95 = arith.muli %scan3A_87, %mul3A_94 : i32
      %add3A_96 = arith.addi %mul3A_95, %select_n3A_54 : i32
      %mul3A_97 = arith.constant 2000 : i32
      %mul3A_98 = arith.muli %add3A_96, %mul3A_97 : i32
      "tpu.region"() ({
        %run_scoped3A = tpu.sem_alloc : memref<!tpu.dma_semaphore, #tpu.memory_space<semaphore_mem>>
        %dma_start3A = tpu.memref_slice %arg3[%mul3A_98] : memref<40000xf32, #tpu.memory_space<hbm>> -> memref<2000xf32, #tpu.memory_space<hbm>>
        %dma_start3A_118 = tpu.memref_slice %arg3[%mul3A_98] : memref<40000xf32, #tpu.memory_space<hbm>> -> memref<2000xf32, #tpu.memory_space<hbm>>
        tpu.enqueue_dma source(%dma_start3A_118 : memref<2000xf32, #tpu.memory_space<hbm>>) target(%arg10 : memref<2000xf32, #tpu.memory_space<vmem>>) target_semaphore(%run_scoped3A : memref<!tpu.dma_semaphore, #tpu.memory_space<semaphore_mem>>)
        %dma_wait3A = tpu.memref_slice %arg3[%mul3A_98] : memref<40000xf32, #tpu.memory_space<hbm>> -> memref<2000xf32, #tpu.memory_space<hbm>>
        %dma_wait3A_119 = tpu.memref_slice %arg3[%mul3A_98] : memref<40000xf32, #tpu.memory_space<hbm>> -> memref<2000xf32, #tpu.memory_space<hbm>>
        tpu.wait_dma2 semaphore(%run_scoped3A : memref<!tpu.dma_semaphore, #tpu.memory_space<semaphore_mem>>) src(%dma_wait3A_119 : memref<2000xf32, #tpu.memory_space<hbm>>) dst(%arg10 : memref<2000xf32, #tpu.memory_space<vmem>>)
        tpu.yield
      }) : () -> ()
      %scan3A_99 = arith.constant 0 : i32
      %scan3A_100 = arith.constant 0 : i32
      %scan3A_101 = arith.constant 125 : i32
      %scan3A_102 = arith.addi %scan3A_100, %scan3A_101 : i32
      %scan3A_103 = arith.constant 1 : i32
      %scan3A_104 = scf.for %scan3A_118 = %scan3A_100 to %scan3A_102 step %scan3A_103 iter_args(%scan3A_119 = %scan3A_99) -> (i32)  : i32 {
        %mul3A_120 = arith.constant 16 : i32
        %mul3A_121 = arith.muli %scan3A_118, %mul3A_120 : i32
        %get3A = arith.index_cast %mul3A_121 : i32 to index
        %get3A_122 = tpu.vector_load %arg9[%get3A] {strides = array<i32>} : memref<2000xi32, #tpu.memory_space<vmem>>, vector<16xi32>,
        %sub3A_123 = vector.broadcast %mul3A_56 : i32 to vector<16xi32>
        %sub3A_124 = arith.subi %get3A_122, %sub3A_123 : vector<16xi32>
        %ge3A = arith.constant 0 : i32
        %ge3A_125 = vector.broadcast %ge3A : i32 to vector<16xi32>
        %ge3A_126 = arith.cmpi sge, %sub3A_124, %ge3A_125 : vector<16xi32>
        %lt3A_127 = arith.constant 1024 : i32
        %lt3A_128 = vector.broadcast %lt3A_127 : i32 to vector<16xi32>
        %lt3A_129 = arith.cmpi slt, %sub3A_124, %lt3A_128 : vector<16xi32>
        %and3A_130 = arith.andi %ge3A_126, %lt3A_129 : vector<16xi1>
        %convert_element_type3A = arith.extui %and3A_130 : vector<16xi1> to vector<16xi32>
        %broadcast_in_dim3A_131 = arith.constant true
        %broadcast_in_dim3A_132 = vector.broadcast %broadcast_in_dim3A_131 : i1 to vector<16xi1>
        %masked_cumsum3A = tpu.scan <sum>, %convert_element_type3A masked %broadcast_in_dim3A_132 : vector<16xi32>, vector<16xi1> -> vector<16xi32>
        %add3A_133 = vector.broadcast %scan3A_119 : i32 to vector<16xi32>
        %add3A_134 = arith.addi %add3A_133, %masked_cumsum3A : vector<16xi32>
        %sub3A_135 = arith.constant 1 : i32
        %sub3A_136 = vector.broadcast %sub3A_135 : i32 to vector<16xi32>
        %sub3A_137 = arith.subi %add3A_134, %sub3A_136 : vector<16xi32>
        tpu.vector_store_idx %arg11[%sub3A_137], %sub3A_124 masked %and3A_130 : memref<2080xi32, #tpu.memory_space<vmem>>[vector<16xi32>], vector<16xi32>, vector<16xi1>
        %mul3A_138 = arith.constant 16 : i32
        %mul3A_139 = arith.muli %scan3A_118, %mul3A_138 : i32
        %get3A_140 = arith.index_cast %mul3A_139 : i32 to index
        %get3A_141 = tpu.vector_load %arg10[%get3A_140] {strides = array<i32>} : memref<2000xf32, #tpu.memory_space<vmem>>, vector<16xf32>,
        tpu.vector_store_idx %arg12[%sub3A_137], %get3A_141 masked %and3A_130 : memref<2080xf32, #tpu.memory_space<vmem>>[vector<16xi32>], vector<16xf32>, vector<16xi1>
        %slice3A = vector.extract_strided_slice %masked_cumsum3A {offsets = [15], sizes = [1], strides = [1]} : vector<16xi32> to vector<1xi32>
        %squeeze3A = vector.extract %slice3A[0] : i32 from vector<1xi32>
        %add3A_142 = arith.addi %scan3A_119, %squeeze3A : i32
        scf.yield %add3A_142 : i32
      }
      %scan3A_105 = arith.constant 125 : i32
      %while3A = arith.constant 0 : i32
      %while3A_106 = arith.constant 0 : i32
      %while3A_107 = arith.subi %scan3A_104, %while3A : i32
      %while3A_108 = arith.addi %while3A, %while3A_107 : i32
      %while3A_109 = arith.constant 1 : i32
      %while3A_110 = arith.divsi %while3A_107, %while3A_109 : i32
      %while3A_111 = arith.muli %while3A_110, %while3A_109 : i32
      %while3A_112 = arith.addi %while3A, %while3A_111 : i32
      %while3A_113 = arith.constant 1 : i32
      %while3A_114 = scf.for %while3A_118 = %while3A to %while3A_112 step %while3A_113 iter_args(%while3A_119 = %while3A_106) -> (i32)  : i32 {
        %get3A = arith.index_cast %while3A_118 : i32 to index
        %get3A_120 = tpu.vector_load %arg11[%get3A] {strides = array<i32>} : memref<2080xi32, #tpu.memory_space<vmem>>, vector<16xi32>,
        %slice3A = vector.extract_strided_slice %get3A_120 {offsets = [0], sizes = [1], strides = [1]} : vector<16xi32> to vector<1xi32>
        %squeeze3A = vector.extract %slice3A[0] : i32 from vector<1xi32>
        %get3A_121 = arith.index_cast %while3A_118 : i32 to index
        %get3A_122 = tpu.vector_load %arg12[%get3A_121] {strides = array<i32>} : memref<2080xf32, #tpu.memory_space<vmem>>, vector<16xf32>,
        %slice3A_123 = vector.extract_strided_slice %get3A_122 {offsets = [0], sizes = [1], strides = [1]} : vector<16xf32> to vector<1xf32>
        %squeeze3A_124 = vector.extract %slice3A_123[0] : f32 from vector<1xf32>
        %broadcast_in_dim3A_125 = vector.broadcast %squeeze3A_124 : f32 to vector<16xf32>
        %get3A_126 = arith.index_cast %squeeze3A : i32 to index
        %get3A_127 = tpu.vector_load %arg6[%get3A_126] {strides = array<i32>} : memref<1040xf32, #tpu.memory_space<vmem>>, vector<16xf32>,
        %jit3A_128 = arith.constant 1.000000e+00 : f32
        %jit3A_129 = arith.constant 0.000000e+00 : f32
        %broadcast_in_dim3A_130 = vector.broadcast %jit3A_128 : f32 to vector<16xf32>
        %broadcast_in_dim3A_131 = vector.broadcast %jit3A_129 : f32 to vector<16xf32>
        %select_n3A_132 = arith.select %eq3A_60, %broadcast_in_dim3A_130, %broadcast_in_dim3A_131 : vector<16xi1>, vector<16xf32>
        %add3A_133 = arith.addf %get3A_127, %select_n3A_132 : vector<16xf32>
        %swap3A = arith.index_cast %squeeze3A : i32 to index
        %swap3A_134 = tpu.vector_load %arg6[%swap3A] {strides = array<i32>} : memref<1040xf32, #tpu.memory_space<vmem>>, vector<16xf32>,
        tpu.vector_store %arg6[%swap3A], %add3A_133 {strides = array<i32>} : memref<1040xf32, #tpu.memory_space<vmem>>, vector<16xf32>,
        %get3A_135 = arith.index_cast %squeeze3A : i32 to index
        %get3A_136 = tpu.vector_load %arg7[%get3A_135] {strides = array<i32>} : memref<1040xf32, #tpu.memory_space<vmem>>, vector<16xf32>,
        %jit3A_137 = arith.constant 0.000000e+00 : f32
        %broadcast_in_dim3A_138 = vector.broadcast %jit3A_137 : f32 to vector<16xf32>
        %select_n3A_139 = arith.select %eq3A_60, %broadcast_in_dim3A_125, %broadcast_in_dim3A_138 : vector<16xi1>, vector<16xf32>
        %add3A_140 = arith.addf %get3A_136, %select_n3A_139 : vector<16xf32>
        %swap3A_141 = arith.index_cast %squeeze3A : i32 to index
        %swap3A_142 = tpu.vector_load %arg7[%swap3A_141] {strides = array<i32>} : memref<1040xf32, #tpu.memory_space<vmem>>, vector<16xf32>,
        tpu.vector_store %arg7[%swap3A_141], %add3A_140 {strides = array<i32>} : memref<1040xf32, #tpu.memory_space<vmem>>, vector<16xf32>,
        %get3A_143 = arith.index_cast %squeeze3A : i32 to index
        %get3A_144 = tpu.vector_load %arg8[%get3A_143] {strides = array<i32>} : memref<1040xf32, #tpu.memory_space<vmem>>, vector<16xf32>,
        %broadcast_in_dim3A_145 = arith.constant 0xFF800000 : f32
        %broadcast_in_dim3A_146 = vector.broadcast %broadcast_in_dim3A_145 : f32 to vector<16xf32>
        %select_n3A_147 = arith.select %eq3A_60, %broadcast_in_dim3A_125, %broadcast_in_dim3A_146 : vector<16xi1>, vector<16xf32>
        %max3A = arith.maximumf %get3A_144, %select_n3A_147 : vector<16xf32>
        %swap3A_148 = arith.index_cast %squeeze3A : i32 to index
        %swap3A_149 = tpu.vector_load %arg8[%swap3A_148] {strides = array<i32>} : memref<1040xf32, #tpu.memory_space<vmem>>, vector<16xf32>,
        tpu.vector_store %arg8[%swap3A_148], %max3A {strides = array<i32>} : memref<1040xf32, #tpu.memory_space<vmem>>, vector<16xf32>,
        %while3A_150 = arith.constant 0 : i32
        scf.yield %while3A_150 : i32
      }
      %while3A_115 = arith.constant 1 : i32
      %while3A_116 = scf.for %while3A_118 = %while3A_112 to %while3A_108 step %while3A_115 iter_args(%while3A_119 = %while3A_114) -> (i32)  : i32 {
        %get3A = arith.index_cast %while3A_118 : i32 to index
        %get3A_120 = tpu.vector_load %arg11[%get3A] {strides = array<i32>} : memref<2080xi32, #tpu.memory_space<vmem>>, vector<16xi32>,
        %slice3A = vector.extract_strided_slice %get3A_120 {offsets = [0], sizes = [1], strides = [1]} : vector<16xi32> to vector<1xi32>
        %squeeze3A = vector.extract %slice3A[0] : i32 from vector<1xi32>
        %get3A_121 = arith.index_cast %while3A_118 : i32 to index
        %get3A_122 = tpu.vector_load %arg12[%get3A_121] {strides = array<i32>} : memref<2080xf32, #tpu.memory_space<vmem>>, vector<16xf32>,
        %slice3A_123 = vector.extract_strided_slice %get3A_122 {offsets = [0], sizes = [1], strides = [1]} : vector<16xf32> to vector<1xf32>
        %squeeze3A_124 = vector.extract %slice3A_123[0] : f32 from vector<1xf32>
        %broadcast_in_dim3A_125 = vector.broadcast %squeeze3A_124 : f32 to vector<16xf32>
        %get3A_126 = arith.index_cast %squeeze3A : i32 to index
        %get3A_127 = tpu.vector_load %arg6[%get3A_126] {strides = array<i32>} : memref<1040xf32, #tpu.memory_space<vmem>>, vector<16xf32>,
        %jit3A_128 = arith.constant 1.000000e+00 : f32
        %jit3A_129 = arith.constant 0.000000e+00 : f32
        %broadcast_in_dim3A_130 = vector.broadcast %jit3A_128 : f32 to vector<16xf32>
        %broadcast_in_dim3A_131 = vector.broadcast %jit3A_129 : f32 to vector<16xf32>
        %select_n3A_132 = arith.select %eq3A_60, %broadcast_in_dim3A_130, %broadcast_in_dim3A_131 : vector<16xi1>, vector<16xf32>
        %add3A_133 = arith.addf %get3A_127, %select_n3A_132 : vector<16xf32>
        %swap3A = arith.index_cast %squeeze3A : i32 to index
        %swap3A_134 = tpu.vector_load %arg6[%swap3A] {strides = array<i32>} : memref<1040xf32, #tpu.memory_space<vmem>>, vector<16xf32>,
        tpu.vector_store %arg6[%swap3A], %add3A_133 {strides = array<i32>} : memref<1040xf32, #tpu.memory_space<vmem>>, vector<16xf32>,
        %get3A_135 = arith.index_cast %squeeze3A : i32 to index
        %get3A_136 = tpu.vector_load %arg7[%get3A_135] {strides = array<i32>} : memref<1040xf32, #tpu.memory_space<vmem>>, vector<16xf32>,
        %jit3A_137 = arith.constant 0.000000e+00 : f32
        %broadcast_in_dim3A_138 = vector.broadcast %jit3A_137 : f32 to vector<16xf32>
        %select_n3A_139 = arith.select %eq3A_60, %broadcast_in_dim3A_125, %broadcast_in_dim3A_138 : vector<16xi1>, vector<16xf32>
        %add3A_140 = arith.addf %get3A_136, %select_n3A_139 : vector<16xf32>
        %swap3A_141 = arith.index_cast %squeeze3A : i32 to index
        %swap3A_142 = tpu.vector_load %arg7[%swap3A_141] {strides = array<i32>} : memref<1040xf32, #tpu.memory_space<vmem>>, vector<16xf32>,
        tpu.vector_store %arg7[%swap3A_141], %add3A_140 {strides = array<i32>} : memref<1040xf32, #tpu.memory_space<vmem>>, vector<16xf32>,
        %get3A_143 = arith.index_cast %squeeze3A : i32 to index
        %get3A_144 = tpu.vector_load %arg8[%get3A_143] {strides = array<i32>} : memref<1040xf32, #tpu.memory_space<vmem>>, vector<16xf32>,
        %broadcast_in_dim3A_145 = arith.constant 0xFF800000 : f32
        %broadcast_in_dim3A_146 = vector.broadcast %broadcast_in_dim3A_145 : f32 to vector<16xf32>
        %select_n3A_147 = arith.select %eq3A_60, %broadcast_in_dim3A_125, %broadcast_in_dim3A_146 : vector<16xi1>, vector<16xf32>
        %max3A = arith.maximumf %get3A_144, %select_n3A_147 : vector<16xf32>
        %swap3A_148 = arith.index_cast %squeeze3A : i32 to index
        %swap3A_149 = tpu.vector_load %arg8[%swap3A_148] {strides = array<i32>} : memref<1040xf32, #tpu.memory_space<vmem>>, vector<16xf32>,
        tpu.vector_store %arg8[%swap3A_148], %max3A {strides = array<i32>} : memref<1040xf32, #tpu.memory_space<vmem>>, vector<16xf32>,
        %while3A_150 = arith.constant 0 : i32
        scf.yield %while3A_150 : i32
      }
      %scan3A_117 = arith.constant 0 : i32
      scf.yield %scan3A_117 : i32
    }
    %scan3A_73 = arith.constant 10 : i32
    %scan3A_74 = arith.constant 0 : i32
    %scan3A_75 = arith.constant 0 : i32
    %scan3A_76 = arith.constant 64 : i32
    %scan3A_77 = arith.addi %scan3A_75, %scan3A_76 : i32
    %scan3A_78 = arith.constant 1 : i32
    %scan3A_79 = scf.for %scan3A_87 = %scan3A_75 to %scan3A_77 step %scan3A_78 iter_args(%scan3A_88 = %scan3A_74) -> (i32)  : i32 {
      %mul3A_89 = arith.constant 16 : i32
      %mul3A_90 = arith.muli %scan3A_87, %mul3A_89 : i32
      %get3A = arith.index_cast %mul3A_90 : i32 to index
      %get3A_91 = tpu.vector_load %arg6[%get3A] {strides = array<i32>} : memref<1040xf32, #tpu.memory_space<vmem>>, vector<16xf32>,
      %mul3A_92 = arith.constant 16 : i32
      %mul3A_93 = arith.muli %scan3A_87, %mul3A_92 : i32
      %get3A_94 = arith.index_cast %mul3A_93 : i32 to index
      %get3A_95 = tpu.vector_load %arg7[%get3A_94] {strides = array<i32>} : memref<1040xf32, #tpu.memory_space<vmem>>, vector<16xf32>,
      %mul3A_96 = arith.constant 16 : i32
      %mul3A_97 = arith.muli %scan3A_87, %mul3A_96 : i32
      %get3A_98 = arith.index_cast %mul3A_97 : i32 to index
      %get3A_99 = tpu.vector_load %arg8[%get3A_98] {strides = array<i32>} : memref<1040xf32, #tpu.memory_space<vmem>>, vector<16xf32>,
      %max3A = arith.constant 1.000000e+00 : f32
      %max3A_100 = vector.broadcast %max3A : f32 to vector<16xf32>
      %max3A_101 = arith.maximumf %get3A_91, %max3A_100 : vector<16xf32>
      %div3A_102 = arith.divf %get3A_95, %max3A_101 : vector<16xf32>
      %mul3A_103 = arith.constant 16 : i32
      %mul3A_104 = arith.muli %scan3A_87, %mul3A_103 : i32
      %swap3A = arith.index_cast %mul3A_104 : i32 to index
      %swap3A_105 = tpu.vector_load %arg13[%swap3A] {strides = array<i32>} : memref<1024xf32, #tpu.memory_space<vmem>>, vector<16xf32>,
      tpu.vector_store %arg13[%swap3A], %div3A_102 {strides = array<i32>} : memref<1024xf32, #tpu.memory_space<vmem>>, vector<16xf32>,
      %mul3A_106 = arith.constant 16 : i32
      %mul3A_107 = arith.muli %scan3A_87, %mul3A_106 : i32
      %swap3A_108 = arith.index_cast %mul3A_107 : i32 to index
      %swap3A_109 = tpu.vector_load %arg14[%swap3A_108] {strides = array<i32>} : memref<1024xf32, #tpu.memory_space<vmem>>, vector<16xf32>,
      tpu.vector_store %arg14[%swap3A_108], %get3A_99 {strides = array<i32>} : memref<1024xf32, #tpu.memory_space<vmem>>, vector<16xf32>,
      %scan3A_110 = arith.constant 0 : i32
      scf.yield %scan3A_110 : i32
    }
    %scan3A_80 = arith.constant 64 : i32
    %mul3A_81 = arith.constant 4096 : i32
    %mul3A_82 = arith.muli %select_n3A, %mul3A_81 : i32
    %add3A_83 = arith.addi %mul3A_82, %mul3A_56 : i32
    "tpu.region"() ({
      %run_scoped3A = tpu.sem_alloc : memref<!tpu.dma_semaphore, #tpu.memory_space<semaphore_mem>>
      %dma_start3A = tpu.memref_slice %arg4[%add3A_83] : memref<32768xf32, #tpu.memory_space<hbm>> -> memref<1024xf32, #tpu.memory_space<hbm>>
      %dma_start3A_87 = tpu.memref_slice %arg4[%add3A_83] : memref<32768xf32, #tpu.memory_space<hbm>> -> memref<1024xf32, #tpu.memory_space<hbm>>
      tpu.enqueue_dma source(%arg13 : memref<1024xf32, #tpu.memory_space<vmem>>) target(%dma_start3A_87 : memref<1024xf32, #tpu.memory_space<hbm>>) target_semaphore(%run_scoped3A : memref<!tpu.dma_semaphore, #tpu.memory_space<semaphore_mem>>)
      %dma_wait3A = tpu.memref_slice %arg4[%add3A_83] : memref<32768xf32, #tpu.memory_space<hbm>> -> memref<1024xf32, #tpu.memory_space<hbm>>
      %dma_wait3A_88 = tpu.memref_slice %arg4[%add3A_83] : memref<32768xf32, #tpu.memory_space<hbm>> -> memref<1024xf32, #tpu.memory_space<hbm>>
      tpu.wait_dma2 semaphore(%run_scoped3A : memref<!tpu.dma_semaphore, #tpu.memory_space<semaphore_mem>>) src(%arg13 : memref<1024xf32, #tpu.memory_space<vmem>>) dst(%dma_wait3A_88 : memref<1024xf32, #tpu.memory_space<hbm>>)
      tpu.yield
    }) : () -> ()
    %mul3A_84 = arith.constant 4096 : i32
    %mul3A_85 = arith.muli %select_n3A, %mul3A_84 : i32
    %add3A_86 = arith.addi %mul3A_85, %mul3A_56 : i32
    "tpu.region"() ({
      %run_scoped3A = tpu.sem_alloc : memref<!tpu.dma_semaphore, #tpu.memory_space<semaphore_mem>>
      %dma_start3A = tpu.memref_slice %arg5[%add3A_86] : memref<32768xf32, #tpu.memory_space<hbm>> -> memref<1024xf32, #tpu.memory_space<hbm>>
      %dma_start3A_87 = tpu.memref_slice %arg5[%add3A_86] : memref<32768xf32, #tpu.memory_space<hbm>> -> memref<1024xf32, #tpu.memory_space<hbm>>
      tpu.enqueue_dma source(%arg14 : memref<1024xf32, #tpu.memory_space<vmem>>) target(%dma_start3A_87 : memref<1024xf32, #tpu.memory_space<hbm>>) target_semaphore(%run_scoped3A : memref<!tpu.dma_semaphore, #tpu.memory_space<semaphore_mem>>)
      %dma_wait3A = tpu.memref_slice %arg5[%add3A_86] : memref<32768xf32, #tpu.memory_space<hbm>> -> memref<1024xf32, #tpu.memory_space<hbm>>
      %dma_wait3A_88 = tpu.memref_slice %arg5[%add3A_86] : memref<32768xf32, #tpu.memory_space<hbm>> -> memref<1024xf32, #tpu.memory_space<hbm>>
      tpu.wait_dma2 semaphore(%run_scoped3A : memref<!tpu.dma_semaphore, #tpu.memory_space<semaphore_mem>>) src(%arg14 : memref<1024xf32, #tpu.memory_space<vmem>>) dst(%dma_wait3A_88 : memref<1024xf32, #tpu.memory_space<hbm>>)
      tpu.yield
    }) : () -> ()
    return
  }
}

#map = affine_map<(d0, d1) -> (0)>
#map1 = affine_map<(d0, d1) -> (0, 0)>
module attributes {stable_mosaic.version = 14 : i64} {
  func.func @_sc_nmax_body(%arg0: i32, %arg1: i32, %arg2: memref<160000xi32, #tpu.memory_space<hbm>>, %arg3: memref<40000x128xf32, #tpu.memory_space<hbm>>, %arg4: memref<4194304xf32, #tpu.memory_space<hbm>>, %arg5: memref<65536xf32, #tpu.memory_space<vmem>>, %arg6: memref<2000xi32, #tpu.memory_space<vmem>>, %arg7: memref<2080xi32, #tpu.memory_space<vmem>>, %arg8: memref<2080xi32, #tpu.memory_space<vmem>>, %arg9: memref<64x128xf32, #tpu.memory_space<vmem>>, %arg10: memref<!tpu.dma_semaphore, #tpu.memory_space<semaphore_mem>>) attributes {dimension_semantics = [#tpu.dimension_semantics<core_parallel>, #tpu.dimension_semantics<subcore_parallel>], iteration_bounds = array<i64: 2, 16>, scalar_prefetch = 0 : i64, scratch_operands = 6 : i64, tpu.core_type = #tpu.core_type<sc_vector_subcore>, window_params = [{transform_indices = #map}, {transform_indices = #map1}, {transform_indices = #map}]} {
    %mul3A = arith.constant 2 : i32
    %mul3A_0 = arith.muli %arg1, %mul3A : i32
    %add3A = arith.addi %mul3A_0, %arg0 : i32
    %jit3A = arith.constant 4 : i32
    %div3A = arith.divsi %add3A, %jit3A : i32
    %sign3A = arith.constant 0 : i32
    %sign3A_1 = arith.cmpi sgt, %add3A, %sign3A : i32
    %sign3A_2 = arith.extui %sign3A_1 : i1 to i32
    %sign3A_3 = arith.constant 0 : i32
    %sign3A_4 = arith.cmpi slt, %add3A, %sign3A_3 : i32
    %sign3A_5 = arith.extui %sign3A_4 : i1 to i32
    %sign3A_6 = arith.subi %sign3A_2, %sign3A_5 : i32
    %sign3A_7 = arith.constant 0 : i32
    %sign3A_8 = arith.cmpi sgt, %jit3A, %sign3A_7 : i32
    %sign3A_9 = arith.extui %sign3A_8 : i1 to i32
    %sign3A_10 = arith.constant 0 : i32
    %sign3A_11 = arith.cmpi slt, %jit3A, %sign3A_10 : i32
    %sign3A_12 = arith.extui %sign3A_11 : i1 to i32
    %sign3A_13 = arith.subi %sign3A_9, %sign3A_12 : i32
    %ne3A = arith.cmpi ne, %sign3A_6, %sign3A_13 : i32
    %rem3A = arith.remsi %add3A, %jit3A : i32
    %ne3A_14 = arith.constant 0 : i32
    %ne3A_15 = arith.cmpi ne, %rem3A, %ne3A_14 : i32
    %and3A = arith.andi %ne3A, %ne3A_15 : i1
    %sub3A = arith.constant 1 : i32
    %sub3A_16 = arith.subi %div3A, %sub3A : i32
    %select_n3A = arith.select %and3A, %sub3A_16, %div3A : i32
    %jit3A_17 = arith.constant 4 : i32
    %eq3A = arith.constant 0 : i32
    %eq3A_18 = arith.cmpi eq, %jit3A_17, %eq3A : i32
    %jit3A_19 = arith.constant 1 : i32
    %select_n3A_20 = arith.select %eq3A_18, %jit3A_19, %jit3A_17 : i32
    %rem3A_21 = arith.remsi %add3A, %select_n3A_20 : i32
    %ne3A_22 = arith.constant 0 : i32
    %ne3A_23 = arith.cmpi ne, %rem3A_21, %ne3A_22 : i32
    %lt3A = arith.constant 0 : i32
    %lt3A_24 = arith.cmpi slt, %rem3A_21, %lt3A : i32
    %lt3A_25 = arith.constant 0 : i32
    %lt3A_26 = arith.cmpi slt, %select_n3A_20, %lt3A_25 : i32
    %ne3A_27 = arith.xori %lt3A_24, %lt3A_26 : i1
    %and3A_28 = arith.andi %ne3A_27, %ne3A_23 : i1
    %add3A_29 = arith.addi %rem3A_21, %select_n3A_20 : i32
    %select_n3A_30 = arith.select %and3A_28, %add3A_29, %rem3A_21 : i32
    %jit3A_31 = arith.constant 4 : i32
    %div3A_32 = arith.divsi %select_n3A, %jit3A_31 : i32
    %sign3A_33 = arith.constant 0 : i32
    %sign3A_34 = arith.cmpi sgt, %select_n3A, %sign3A_33 : i32
    %sign3A_35 = arith.extui %sign3A_34 : i1 to i32
    %sign3A_36 = arith.constant 0 : i32
    %sign3A_37 = arith.cmpi slt, %select_n3A, %sign3A_36 : i32
    %sign3A_38 = arith.extui %sign3A_37 : i1 to i32
    %sign3A_39 = arith.subi %sign3A_35, %sign3A_38 : i32
    %sign3A_40 = arith.constant 0 : i32
    %sign3A_41 = arith.cmpi sgt, %jit3A_31, %sign3A_40 : i32
    %sign3A_42 = arith.extui %sign3A_41 : i1 to i32
    %sign3A_43 = arith.constant 0 : i32
    %sign3A_44 = arith.cmpi slt, %jit3A_31, %sign3A_43 : i32
    %sign3A_45 = arith.extui %sign3A_44 : i1 to i32
    %sign3A_46 = arith.subi %sign3A_42, %sign3A_45 : i32
    %ne3A_47 = arith.cmpi ne, %sign3A_39, %sign3A_46 : i32
    %rem3A_48 = arith.remsi %select_n3A, %jit3A_31 : i32
    %ne3A_49 = arith.constant 0 : i32
    %ne3A_50 = arith.cmpi ne, %rem3A_48, %ne3A_49 : i32
    %and3A_51 = arith.andi %ne3A_47, %ne3A_50 : i1
    %sub3A_52 = arith.constant 1 : i32
    %sub3A_53 = arith.subi %div3A_32, %sub3A_52 : i32
    %select_n3A_54 = arith.select %and3A_51, %sub3A_53, %div3A_32 : i32
    %mul3A_55 = arith.constant 1024 : i32
    %mul3A_56 = arith.muli %select_n3A_30, %mul3A_55 : i32
    %iota3A = tpu.iota {dimensions = array<i32: 0>} : vector<16xi32>
    %broadcast_in_dim3A = arith.constant 0.000000e+00 : f32
    %broadcast_in_dim3A_57 = vector.broadcast %broadcast_in_dim3A : f32 to vector<16xf32>
    %broadcast_in_dim3A_58 = arith.constant 0 : i32
    %broadcast_in_dim3A_59 = vector.broadcast %broadcast_in_dim3A_58 : i32 to vector<16xi32>
    %add3A_60 = arith.constant 0 : i32
    %add3A_61 = arith.addi %add3A_60, %select_n3A_30 : i32
    %mul3A_62 = arith.constant 512 : i32
    %mul3A_63 = arith.muli %add3A_61, %mul3A_62 : i32
    %scan3A = arith.constant 0 : i32
    %scan3A_64 = arith.constant 0 : i32
    %scan3A_65 = arith.constant 4096 : i32
    %scan3A_66 = arith.addi %scan3A_64, %scan3A_65 : i32
    %scan3A_67 = arith.constant 1 : i32
    %scan3A_68 = scf.for %scan3A_105 = %scan3A_64 to %scan3A_66 step %scan3A_67 iter_args(%scan3A_106 = %scan3A) -> (i32)  : i32 {
      %mul3A_107 = arith.constant 16 : i32
      %mul3A_108 = arith.muli %scan3A_105, %mul3A_107 : i32
      %swap3A = arith.index_cast %mul3A_108 : i32 to index
      %swap3A_109 = tpu.vector_load %arg5[%swap3A] {strides = array<i32>} : memref<65536xf32, #tpu.memory_space<vmem>>, vector<16xf32>,
      tpu.vector_store %arg5[%swap3A], %broadcast_in_dim3A_57 {strides = array<i32>} : memref<65536xf32, #tpu.memory_space<vmem>>, vector<16xf32>,
      %scan3A_110 = arith.constant 0 : i32
      scf.yield %scan3A_110 : i32
    }
    %scan3A_69 = arith.constant 4096 : i32
    %scan3A_70 = arith.constant 0 : i32
    %scan3A_71 = arith.constant 0 : i32
    %scan3A_72 = arith.constant 10 : i32
    %scan3A_73 = arith.addi %scan3A_71, %scan3A_72 : i32
    %scan3A_74 = arith.constant 1 : i32
    %scan3A_75 = scf.for %scan3A_105 = %scan3A_71 to %scan3A_73 step %scan3A_74 iter_args(%scan3A_106 = %scan3A_70) -> (i32)  : i32 {
      %mul3A_107 = arith.constant 8 : i32
      %mul3A_108 = arith.muli %scan3A_105, %mul3A_107 : i32
      %add3A_109 = arith.addi %mul3A_108, %select_n3A : i32
      %mul3A_110 = arith.constant 2000 : i32
      %mul3A_111 = arith.muli %add3A_109, %mul3A_110 : i32
      "tpu.region"() ({
        %run_scoped3A = tpu.sem_alloc : memref<!tpu.dma_semaphore, #tpu.memory_space<semaphore_mem>>
        %dma_start3A = tpu.memref_slice %arg2[%mul3A_111] : memref<160000xi32, #tpu.memory_space<hbm>> -> memref<2000xi32, #tpu.memory_space<hbm>>
        %dma_start3A_178 = tpu.memref_slice %arg2[%mul3A_111] : memref<160000xi32, #tpu.memory_space<hbm>> -> memref<2000xi32, #tpu.memory_space<hbm>>
        tpu.enqueue_dma source(%dma_start3A_178 : memref<2000xi32, #tpu.memory_space<hbm>>) target(%arg6 : memref<2000xi32, #tpu.memory_space<vmem>>) target_semaphore(%run_scoped3A : memref<!tpu.dma_semaphore, #tpu.memory_space<semaphore_mem>>)
        %dma_wait3A = tpu.memref_slice %arg2[%mul3A_111] : memref<160000xi32, #tpu.memory_space<hbm>> -> memref<2000xi32, #tpu.memory_space<hbm>>
        %dma_wait3A_179 = tpu.memref_slice %arg2[%mul3A_111] : memref<160000xi32, #tpu.memory_space<hbm>> -> memref<2000xi32, #tpu.memory_space<hbm>>
        tpu.wait_dma2 semaphore(%run_scoped3A : memref<!tpu.dma_semaphore, #tpu.memory_space<semaphore_mem>>) src(%dma_wait3A_179 : memref<2000xi32, #tpu.memory_space<hbm>>) dst(%arg6 : memref<2000xi32, #tpu.memory_space<vmem>>)
        tpu.yield
      }) : () -> ()
      %mul3A_112 = arith.constant 20000 : i32
      %mul3A_113 = arith.muli %select_n3A_54, %mul3A_112 : i32
      %mul3A_114 = arith.constant 2000 : i32
      %mul3A_115 = arith.muli %scan3A_105, %mul3A_114 : i32
      %add3A_116 = arith.addi %mul3A_113, %mul3A_115 : i32
      %scan3A_117 = arith.constant 0 : i32
      %scan3A_118 = arith.constant 0 : i32
      %scan3A_119 = arith.constant 125 : i32
      %scan3A_120 = arith.addi %scan3A_118, %scan3A_119 : i32
      %scan3A_121 = arith.constant 1 : i32
      %scan3A_122 = scf.for %scan3A_178 = %scan3A_118 to %scan3A_120 step %scan3A_121 iter_args(%scan3A_179 = %scan3A_117) -> (i32)  : i32 {
        %mul3A_180 = arith.constant 16 : i32
        %mul3A_181 = arith.muli %scan3A_178, %mul3A_180 : i32
        %get3A = arith.index_cast %mul3A_181 : i32 to index
        %get3A_182 = tpu.vector_load %arg6[%get3A] {strides = array<i32>} : memref<2000xi32, #tpu.memory_space<vmem>>, vector<16xi32>,
        %sub3A_183 = vector.broadcast %mul3A_63 : i32 to vector<16xi32>
        %sub3A_184 = arith.subi %get3A_182, %sub3A_183 : vector<16xi32>
        %ge3A = arith.constant 0 : i32
        %ge3A_185 = vector.broadcast %ge3A : i32 to vector<16xi32>
        %ge3A_186 = arith.cmpi sge, %sub3A_184, %ge3A_185 : vector<16xi32>
        %lt3A_187 = arith.constant 512 : i32
        %lt3A_188 = vector.broadcast %lt3A_187 : i32 to vector<16xi32>
        %lt3A_189 = arith.cmpi slt, %sub3A_184, %lt3A_188 : vector<16xi32>
        %and3A_190 = arith.andi %ge3A_186, %lt3A_189 : vector<16xi1>
        %convert_element_type3A_191 = arith.extui %and3A_190 : vector<16xi1> to vector<16xi32>
        %broadcast_in_dim3A_192 = arith.constant true
        %broadcast_in_dim3A_193 = vector.broadcast %broadcast_in_dim3A_192 : i1 to vector<16xi1>
        %masked_cumsum3A = tpu.scan <sum>, %convert_element_type3A_191 masked %broadcast_in_dim3A_193 : vector<16xi32>, vector<16xi1> -> vector<16xi32>
        %add3A_194 = vector.broadcast %scan3A_179 : i32 to vector<16xi32>
        %add3A_195 = arith.addi %add3A_194, %masked_cumsum3A : vector<16xi32>
        %sub3A_196 = arith.constant 1 : i32
        %sub3A_197 = vector.broadcast %sub3A_196 : i32 to vector<16xi32>
        %sub3A_198 = arith.subi %add3A_195, %sub3A_197 : vector<16xi32>
        %mul3A_199 = arith.constant 16 : i32
        %mul3A_200 = arith.muli %scan3A_178, %mul3A_199 : i32
        %add3A_201 = arith.addi %add3A_116, %mul3A_200 : i32
        %add3A_202 = vector.broadcast %add3A_201 : i32 to vector<16xi32>
        %add3A_203 = arith.addi %iota3A, %add3A_202 : vector<16xi32>
        tpu.vector_store_idx %arg7[%sub3A_198], %add3A_203 masked %and3A_190 : memref<2080xi32, #tpu.memory_space<vmem>>[vector<16xi32>], vector<16xi32>, vector<16xi1>
        tpu.vector_store_idx %arg8[%sub3A_198], %sub3A_184 masked %and3A_190 : memref<2080xi32, #tpu.memory_space<vmem>>[vector<16xi32>], vector<16xi32>, vector<16xi1>
        %slice3A = vector.extract_strided_slice %masked_cumsum3A {offsets = [15], sizes = [1], strides = [1]} : vector<16xi32> to vector<1xi32>
        %squeeze3A = vector.extract %slice3A[0] : i32 from vector<1xi32>
        %add3A_204 = arith.addi %scan3A_179, %squeeze3A : i32
        scf.yield %add3A_204 : i32
      }
      %scan3A_123 = arith.constant 125 : i32
      %add3A_124 = arith.constant 0 : i32
      %add3A_125 = arith.addi %scan3A_122, %add3A_124 : i32
      %add3A_126 = vector.broadcast %add3A_125 : i32 to vector<16xi32>
      %add3A_127 = arith.addi %add3A_126, %iota3A : vector<16xi32>
      %add3A_128 = vector.broadcast %add3A_116 : i32 to vector<16xi32>
      %add3A_129 = arith.addi %broadcast_in_dim3A_59, %add3A_128 : vector<16xi32>
      tpu.vector_store_idx %arg7[%add3A_127], %add3A_129 : memref<2080xi32, #tpu.memory_space<vmem>>[vector<16xi32>], vector<16xi32>,
      %add3A_130 = arith.constant 16 : i32
      %add3A_131 = arith.addi %scan3A_122, %add3A_130 : i32
      %add3A_132 = vector.broadcast %add3A_131 : i32 to vector<16xi32>
      %add3A_133 = arith.addi %add3A_132, %iota3A : vector<16xi32>
      %add3A_134 = vector.broadcast %add3A_116 : i32 to vector<16xi32>
      %add3A_135 = arith.addi %broadcast_in_dim3A_59, %add3A_134 : vector<16xi32>
      tpu.vector_store_idx %arg7[%add3A_133], %add3A_135 : memref<2080xi32, #tpu.memory_space<vmem>>[vector<16xi32>], vector<16xi32>,
      %add3A_136 = arith.constant 32 : i32
      %add3A_137 = arith.addi %scan3A_122, %add3A_136 : i32
      %sub3A_138 = arith.constant 1 : i32
      %sub3A_139 = arith.subi %add3A_137, %sub3A_138 : i32
      %jit3A_140 = arith.constant 32 : i32
      %div3A_141 = arith.divsi %sub3A_139, %jit3A_140 : i32
      %sign3A_142 = arith.constant 0 : i32
      %sign3A_143 = arith.cmpi sgt, %sub3A_139, %sign3A_142 : i32
      %sign3A_144 = arith.extui %sign3A_143 : i1 to i32
      %sign3A_145 = arith.constant 0 : i32
      %sign3A_146 = arith.cmpi slt, %sub3A_139, %sign3A_145 : i32
      %sign3A_147 = arith.extui %sign3A_146 : i1 to i32
      %sign3A_148 = arith.subi %sign3A_144, %sign3A_147 : i32
      %sign3A_149 = arith.constant 0 : i32
      %sign3A_150 = arith.cmpi sgt, %jit3A_140, %sign3A_149 : i32
      %sign3A_151 = arith.extui %sign3A_150 : i1 to i32
      %sign3A_152 = arith.constant 0 : i32
      %sign3A_153 = arith.cmpi slt, %jit3A_140, %sign3A_152 : i32
      %sign3A_154 = arith.extui %sign3A_153 : i1 to i32
      %sign3A_155 = arith.subi %sign3A_151, %sign3A_154 : i32
      %ne3A_156 = arith.cmpi ne, %sign3A_148, %sign3A_155 : i32
      %rem3A_157 = arith.remsi %sub3A_139, %jit3A_140 : i32
      %ne3A_158 = arith.constant 0 : i32
      %ne3A_159 = arith.cmpi ne, %rem3A_157, %ne3A_158 : i32
      %and3A_160 = arith.andi %ne3A_156, %ne3A_159 : i1
      %sub3A_161 = arith.constant 1 : i32
      %sub3A_162 = arith.subi %div3A_141, %sub3A_161 : i32
      %select_n3A_163 = arith.select %and3A_160, %sub3A_162, %div3A_141 : i32
      %gt3A = arith.constant 0 : i32
      %gt3A_164 = arith.cmpi sgt, %select_n3A_163, %gt3A : i32
      %convert_element_type3A = arith.extui %gt3A_164 : i1 to i32
      %cond3A = arith.constant 0 : i32
      %cond3A_165 = arith.cmpi ne, %convert_element_type3A, %cond3A : i32
      scf.if %cond3A_165 {
        %dma_start3A = arith.constant 0 : i32
        %dma_start3A_178 = arith.constant 0 : i32
        %dma_start3A_179 = tpu.memref_slice %arg9[%dma_start3A, %dma_start3A_178] : memref<64x128xf32, #tpu.memory_space<vmem>> -> memref<32x128xf32, #tpu.memory_space<vmem>>
        %dma_start3A_180 = arith.constant 0 : i32
        %dma_start3A_181 = tpu.memref_slice %arg7[%dma_start3A_180] : memref<2080xi32, #tpu.memory_space<vmem>> -> memref<32xi32, #tpu.memory_space<vmem>>
        %dma_start3A_182 = arith.constant 0 : i32
        %dma_start3A_183 = arith.constant 0 : i32
        %dma_start3A_184 = tpu.memref_slice %arg3[%dma_start3A_182, %dma_start3A_183] : memref<40000x128xf32, #tpu.memory_space<hbm>> -> memref<40000x128xf32, #tpu.memory_space<hbm>>
        tpu.enqueue_indirect_dma source(%dma_start3A_184 : memref<40000x128xf32, #tpu.memory_space<hbm>>) target(%dma_start3A_179 : memref<32x128xf32, #tpu.memory_space<vmem>>) offsets(%dma_start3A_181 : memref<32xi32, #tpu.memory_space<vmem>>) semaphore(%arg10 : memref<!tpu.dma_semaphore, #tpu.memory_space<semaphore_mem>>)
      } else {
      }
      %while3A = arith.constant 0 : i32
      %while3A_166 = arith.constant 0 : i32
      %while3A_167 = arith.subi %select_n3A_163, %while3A : i32
      %while3A_168 = arith.addi %while3A, %while3A_167 : i32
      %while3A_169 = arith.constant 1 : i32
      %while3A_170 = arith.divsi %while3A_167, %while3A_169 : i32
      %while3A_171 = arith.muli %while3A_170, %while3A_169 : i32
      %while3A_172 = arith.addi %while3A, %while3A_171 : i32
      %while3A_173 = arith.constant 1 : i32
      %while3A_174 = scf.for %while3A_178 = %while3A to %while3A_172 step %while3A_173 iter_args(%while3A_179 = %while3A_166) -> (i32)  : i32 {
        %add3A_180 = arith.constant 1 : i32
        %add3A_181 = arith.addi %while3A_178, %add3A_180 : i32
        %lt3A_182 = arith.cmpi slt, %add3A_181, %select_n3A_163 : i32
        %convert_element_type3A_183 = arith.extui %lt3A_182 : i1 to i32
        %cond3A_184 = arith.constant 0 : i32
        %cond3A_185 = arith.cmpi ne, %convert_element_type3A_183, %cond3A_184 : i32
        scf.if %cond3A_185 {
          %add3A_246 = arith.constant 1 : i32
          %add3A_247 = arith.addi %while3A_178, %add3A_246 : i32
          %mul3A_248 = arith.constant 32 : i32
          %mul3A_249 = arith.muli %add3A_247, %mul3A_248 : i32
          %jit3A_250 = arith.constant 2 : i32
          %eq3A_251 = arith.constant 0 : i32
          %eq3A_252 = arith.cmpi eq, %jit3A_250, %eq3A_251 : i32
          %jit3A_253 = arith.constant 1 : i32
          %select_n3A_254 = arith.select %eq3A_252, %jit3A_253, %jit3A_250 : i32
          %rem3A_255 = arith.remsi %add3A_247, %select_n3A_254 : i32
          %ne3A_256 = arith.constant 0 : i32
          %ne3A_257 = arith.cmpi ne, %rem3A_255, %ne3A_256 : i32
          %lt3A_258 = arith.constant 0 : i32
          %lt3A_259 = arith.cmpi slt, %rem3A_255, %lt3A_258 : i32
          %lt3A_260 = arith.constant 0 : i32
          %lt3A_261 = arith.cmpi slt, %select_n3A_254, %lt3A_260 : i32
          %ne3A_262 = arith.xori %lt3A_259, %lt3A_261 : i1
          %and3A_263 = arith.andi %ne3A_262, %ne3A_257 : i1
          %add3A_264 = arith.addi %rem3A_255, %select_n3A_254 : i32
          %select_n3A_265 = arith.select %and3A_263, %add3A_264, %rem3A_255 : i32
          %mul3A_266 = arith.constant 32 : i32
          %mul3A_267 = arith.muli %select_n3A_265, %mul3A_266 : i32
          %dma_start3A = arith.constant 0 : i32
          %dma_start3A_268 = tpu.memref_slice %arg9[%mul3A_267, %dma_start3A] : memref<64x128xf32, #tpu.memory_space<vmem>> -> memref<32x128xf32, #tpu.memory_space<vmem>>
          %dma_start3A_269 = tpu.memref_slice %arg7[%mul3A_249] : memref<2080xi32, #tpu.memory_space<vmem>> -> memref<32xi32, #tpu.memory_space<vmem>>
          %dma_start3A_270 = arith.constant 0 : i32
          %dma_start3A_271 = arith.constant 0 : i32
          %dma_start3A_272 = tpu.memref_slice %arg3[%dma_start3A_270, %dma_start3A_271] : memref<40000x128xf32, #tpu.memory_space<hbm>> -> memref<40000x128xf32, #tpu.memory_space<hbm>>
          tpu.enqueue_indirect_dma source(%dma_start3A_272 : memref<40000x128xf32, #tpu.memory_space<hbm>>) target(%dma_start3A_268 : memref<32x128xf32, #tpu.memory_space<vmem>>) offsets(%dma_start3A_269 : memref<32xi32, #tpu.memory_space<vmem>>) semaphore(%arg10 : memref<!tpu.dma_semaphore, #tpu.memory_space<semaphore_mem>>)
        } else {
        }
        %mul3A_186 = arith.constant 32 : i32
        %mul3A_187 = arith.muli %while3A_178, %mul3A_186 : i32
        %jit3A_188 = arith.constant 2 : i32
        %eq3A_189 = arith.constant 0 : i32
        %eq3A_190 = arith.cmpi eq, %jit3A_188, %eq3A_189 : i32
        %jit3A_191 = arith.constant 1 : i32
        %select_n3A_192 = arith.select %eq3A_190, %jit3A_191, %jit3A_188 : i32
        %rem3A_193 = arith.remsi %while3A_178, %select_n3A_192 : i32
        %ne3A_194 = arith.constant 0 : i32
        %ne3A_195 = arith.cmpi ne, %rem3A_193, %ne3A_194 : i32
        %lt3A_196 = arith.constant 0 : i32
        %lt3A_197 = arith.cmpi slt, %rem3A_193, %lt3A_196 : i32
        %lt3A_198 = arith.constant 0 : i32
        %lt3A_199 = arith.cmpi slt, %select_n3A_192, %lt3A_198 : i32
        %ne3A_200 = arith.xori %lt3A_197, %lt3A_199 : i1
        %and3A_201 = arith.andi %ne3A_200, %ne3A_195 : i1
        %add3A_202 = arith.addi %rem3A_193, %select_n3A_192 : i32
        %select_n3A_203 = arith.select %and3A_201, %add3A_202, %rem3A_193 : i32
        %mul3A_204 = arith.constant 32 : i32
        %mul3A_205 = arith.muli %select_n3A_203, %mul3A_204 : i32
        %dma_wait3A = arith.constant 0 : i32
        %dma_wait3A_206 = tpu.memref_slice %arg9[%mul3A_205, %dma_wait3A] : memref<64x128xf32, #tpu.memory_space<vmem>> -> memref<32x128xf32, #tpu.memory_space<vmem>>
        %dma_wait3A_207 = tpu.memref_slice %arg7[%mul3A_187] : memref<2080xi32, #tpu.memory_space<vmem>> -> memref<32xi32, #tpu.memory_space<vmem>>
        %dma_wait3A_208 = arith.constant 0 : i32
        %dma_wait3A_209 = arith.constant 0 : i32
        %dma_wait3A_210 = tpu.memref_slice %arg3[%dma_wait3A_208, %dma_wait3A_209] : memref<40000x128xf32, #tpu.memory_space<hbm>> -> memref<40000x128xf32, #tpu.memory_space<hbm>>
        tpu.wait_indirect_dma semaphore(%arg10 : memref<!tpu.dma_semaphore, #tpu.memory_space<semaphore_mem>>) src(%dma_wait3A_210 : memref<40000x128xf32, #tpu.memory_space<hbm>>) dst(%dma_wait3A_206 : memref<32x128xf32, #tpu.memory_space<vmem>>)
        %mul3A_211 = arith.constant 32 : i32
        %mul3A_212 = arith.muli %while3A_178, %mul3A_211 : i32
        %sub3A_213 = arith.subi %scan3A_122, %mul3A_212 : i32
        %min3A = arith.constant 32 : i32
        %min3A_214 = arith.minsi %min3A, %sub3A_213 : i32
        %jit3A_215 = arith.constant 2 : i32
        %eq3A_216 = arith.constant 0 : i32
        %eq3A_217 = arith.cmpi eq, %jit3A_215, %eq3A_216 : i32
        %jit3A_218 = arith.constant 1 : i32
        %select_n3A_219 = arith.select %eq3A_217, %jit3A_218, %jit3A_215 : i32
        %rem3A_220 = arith.remsi %while3A_178, %select_n3A_219 : i32
        %ne3A_221 = arith.constant 0 : i32
        %ne3A_222 = arith.cmpi ne, %rem3A_220, %ne3A_221 : i32
        %lt3A_223 = arith.constant 0 : i32
        %lt3A_224 = arith.cmpi slt, %rem3A_220, %lt3A_223 : i32
        %lt3A_225 = arith.constant 0 : i32
        %lt3A_226 = arith.cmpi slt, %select_n3A_219, %lt3A_225 : i32
        %ne3A_227 = arith.xori %lt3A_224, %lt3A_226 : i1
        %and3A_228 = arith.andi %ne3A_227, %ne3A_222 : i1
        %add3A_229 = arith.addi %rem3A_220, %select_n3A_219 : i32
        %select_n3A_230 = arith.select %and3A_228, %add3A_229, %rem3A_220 : i32
        %mul3A_231 = arith.constant 32 : i32
        %mul3A_232 = arith.muli %select_n3A_230, %mul3A_231 : i32
        %while3A_233 = arith.constant 0 : i32
        %while3A_234 = arith.constant 0 : i32
        %while3A_235 = arith.subi %min3A_214, %while3A_233 : i32
        %while3A_236 = arith.addi %while3A_233, %while3A_235 : i32
        %while3A_237 = arith.constant 1 : i32
        %while3A_238 = arith.divsi %while3A_235, %while3A_237 : i32
        %while3A_239 = arith.muli %while3A_238, %while3A_237 : i32
        %while3A_240 = arith.addi %while3A_233, %while3A_239 : i32
        %while3A_241 = arith.constant 1 : i32
        %while3A_242 = scf.for %while3A_246 = %while3A_233 to %while3A_240 step %while3A_241 iter_args(%while3A_247 = %while3A_234) -> (i32)  : i32 {
          %mul3A_248 = arith.constant 32 : i32
          %mul3A_249 = arith.muli %while3A_178, %mul3A_248 : i32
          %add3A_250 = arith.addi %mul3A_249, %while3A_246 : i32
          %get3A = arith.index_cast %add3A_250 : i32 to index
          %get3A_251 = tpu.vector_load %arg8[%get3A] {strides = array<i32>} : memref<2080xi32, #tpu.memory_space<vmem>>, vector<16xi32>,
          %slice3A = vector.extract_strided_slice %get3A_251 {offsets = [0], sizes = [1], strides = [1]} : vector<16xi32> to vector<1xi32>
          %squeeze3A = vector.extract %slice3A[0] : i32 from vector<1xi32>
          %mul3A_252 = arith.constant 128 : i32
          %mul3A_253 = arith.muli %squeeze3A, %mul3A_252 : i32
          %add3A_254 = arith.constant 0 : i32
          %add3A_255 = arith.addi %mul3A_253, %add3A_254 : i32
          %get3A_256 = arith.index_cast %add3A_255 : i32 to index
          %get3A_257 = tpu.vector_load %arg5[%get3A_256] {strides = array<i32>} : memref<65536xf32, #tpu.memory_space<vmem>>, vector<16xf32>,
          %add3A_258 = arith.addi %mul3A_232, %while3A_246 : i32
          %get3A_259 = arith.index_cast %add3A_258 : i32 to index
          %get3A_260 = arith.constant 0 : index
          %get3A_261 = tpu.vector_load %arg9[%get3A_259, %get3A_260] {strides = array<i32>} : memref<64x128xf32, #tpu.memory_space<vmem>>, vector<16xf32>,
          %max3A = arith.maximumf %get3A_257, %get3A_261 : vector<16xf32>
          %add3A_262 = arith.constant 0 : i32
          %add3A_263 = arith.addi %mul3A_253, %add3A_262 : i32
          %swap3A = arith.index_cast %add3A_263 : i32 to index
          %swap3A_264 = tpu.vector_load %arg5[%swap3A] {strides = array<i32>} : memref<65536xf32, #tpu.memory_space<vmem>>, vector<16xf32>,
          tpu.vector_store %arg5[%swap3A], %max3A {strides = array<i32>} : memref<65536xf32, #tpu.memory_space<vmem>>, vector<16xf32>,
          %add3A_265 = arith.constant 16 : i32
          %add3A_266 = arith.addi %mul3A_253, %add3A_265 : i32
          %get3A_267 = arith.index_cast %add3A_266 : i32 to index
          %get3A_268 = tpu.vector_load %arg5[%get3A_267] {strides = array<i32>} : memref<65536xf32, #tpu.memory_space<vmem>>, vector<16xf32>,
          %add3A_269 = arith.addi %mul3A_232, %while3A_246 : i32
          %get3A_270 = arith.index_cast %add3A_269 : i32 to index
          %get3A_271 = arith.constant 16 : index
          %get3A_272 = tpu.vector_load %arg9[%get3A_270, %get3A_271] {strides = array<i32>} : memref<64x128xf32, #tpu.memory_space<vmem>>, vector<16xf32>,
          %max3A_273 = arith.maximumf %get3A_268, %get3A_272 : vector<16xf32>
          %add3A_274 = arith.constant 16 : i32
          %add3A_275 = arith.addi %mul3A_253, %add3A_274 : i32
          %swap3A_276 = arith.index_cast %add3A_275 : i32 to index
          %swap3A_277 = tpu.vector_load %arg5[%swap3A_276] {strides = array<i32>} : memref<65536xf32, #tpu.memory_space<vmem>>, vector<16xf32>,
          tpu.vector_store %arg5[%swap3A_276], %max3A_273 {strides = array<i32>} : memref<65536xf32, #tpu.memory_space<vmem>>, vector<16xf32>,
          %add3A_278 = arith.constant 32 : i32
          %add3A_279 = arith.addi %mul3A_253, %add3A_278 : i32
          %get3A_280 = arith.index_cast %add3A_279 : i32 to index
          %get3A_281 = tpu.vector_load %arg5[%get3A_280] {strides = array<i32>} : memref<65536xf32, #tpu.memory_space<vmem>>, vector<16xf32>,
          %add3A_282 = arith.addi %mul3A_232, %while3A_246 : i32
          %get3A_283 = arith.index_cast %add3A_282 : i32 to index
          %get3A_284 = arith.constant 32 : index
          %get3A_285 = tpu.vector_load %arg9[%get3A_283, %get3A_284] {strides = array<i32>} : memref<64x128xf32, #tpu.memory_space<vmem>>, vector<16xf32>,
          %max3A_286 = arith.maximumf %get3A_281, %get3A_285 : vector<16xf32>
          %add3A_287 = arith.constant 32 : i32
          %add3A_288 = arith.addi %mul3A_253, %add3A_287 : i32
          %swap3A_289 = arith.index_cast %add3A_288 : i32 to index
          %swap3A_290 = tpu.vector_load %arg5[%swap3A_289] {strides = array<i32>} : memref<65536xf32, #tpu.memory_space<vmem>>, vector<16xf32>,
          tpu.vector_store %arg5[%swap3A_289], %max3A_286 {strides = array<i32>} : memref<65536xf32, #tpu.memory_space<vmem>>, vector<16xf32>,
          %add3A_291 = arith.constant 48 : i32
          %add3A_292 = arith.addi %mul3A_253, %add3A_291 : i32
          %get3A_293 = arith.index_cast %add3A_292 : i32 to index
          %get3A_294 = tpu.vector_load %arg5[%get3A_293] {strides = array<i32>} : memref<65536xf32, #tpu.memory_space<vmem>>, vector<16xf32>,
          %add3A_295 = arith.addi %mul3A_232, %while3A_246 : i32
          %get3A_296 = arith.index_cast %add3A_295 : i32 to index
          %get3A_297 = arith.constant 48 : index
          %get3A_298 = tpu.vector_load %arg9[%get3A_296, %get3A_297] {strides = array<i32>} : memref<64x128xf32, #tpu.memory_space<vmem>>, vector<16xf32>,
          %max3A_299 = arith.maximumf %get3A_294, %get3A_298 : vector<16xf32>
          %add3A_300 = arith.constant 48 : i32
          %add3A_301 = arith.addi %mul3A_253, %add3A_300 : i32
          %swap3A_302 = arith.index_cast %add3A_301 : i32 to index
          %swap3A_303 = tpu.vector_load %arg5[%swap3A_302] {strides = array<i32>} : memref<65536xf32, #tpu.memory_space<vmem>>, vector<16xf32>,
          tpu.vector_store %arg5[%swap3A_302], %max3A_299 {strides = array<i32>} : memref<65536xf32, #tpu.memory_space<vmem>>, vector<16xf32>,
          %add3A_304 = arith.constant 64 : i32
          %add3A_305 = arith.addi %mul3A_253, %add3A_304 : i32
          %get3A_306 = arith.index_cast %add3A_305 : i32 to index
          %get3A_307 = tpu.vector_load %arg5[%get3A_306] {strides = array<i32>} : memref<65536xf32, #tpu.memory_space<vmem>>, vector<16xf32>,
          %add3A_308 = arith.addi %mul3A_232, %while3A_246 : i32
          %get3A_309 = arith.index_cast %add3A_308 : i32 to index
          %get3A_310 = arith.constant 64 : index
          %get3A_311 = tpu.vector_load %arg9[%get3A_309, %get3A_310] {strides = array<i32>} : memref<64x128xf32, #tpu.memory_space<vmem>>, vector<16xf32>,
          %max3A_312 = arith.maximumf %get3A_307, %get3A_311 : vector<16xf32>
          %add3A_313 = arith.constant 64 : i32
          %add3A_314 = arith.addi %mul3A_253, %add3A_313 : i32
          %swap3A_315 = arith.index_cast %add3A_314 : i32 to index
          %swap3A_316 = tpu.vector_load %arg5[%swap3A_315] {strides = array<i32>} : memref<65536xf32, #tpu.memory_space<vmem>>, vector<16xf32>,
          tpu.vector_store %arg5[%swap3A_315], %max3A_312 {strides = array<i32>} : memref<65536xf32, #tpu.memory_space<vmem>>, vector<16xf32>,
          %add3A_317 = arith.constant 80 : i32
          %add3A_318 = arith.addi %mul3A_253, %add3A_317 : i32
          %get3A_319 = arith.index_cast %add3A_318 : i32 to index
          %get3A_320 = tpu.vector_load %arg5[%get3A_319] {strides = array<i32>} : memref<65536xf32, #tpu.memory_space<vmem>>, vector<16xf32>,
          %add3A_321 = arith.addi %mul3A_232, %while3A_246 : i32
          %get3A_322 = arith.index_cast %add3A_321 : i32 to index
          %get3A_323 = arith.constant 80 : index
          %get3A_324 = tpu.vector_load %arg9[%get3A_322, %get3A_323] {strides = array<i32>} : memref<64x128xf32, #tpu.memory_space<vmem>>, vector<16xf32>,
          %max3A_325 = arith.maximumf %get3A_320, %get3A_324 : vector<16xf32>
          %add3A_326 = arith.constant 80 : i32
          %add3A_327 = arith.addi %mul3A_253, %add3A_326 : i32
          %swap3A_328 = arith.index_cast %add3A_327 : i32 to index
          %swap3A_329 = tpu.vector_load %arg5[%swap3A_328] {strides = array<i32>} : memref<65536xf32, #tpu.memory_space<vmem>>, vector<16xf32>,
          tpu.vector_store %arg5[%swap3A_328], %max3A_325 {strides = array<i32>} : memref<65536xf32, #tpu.memory_space<vmem>>, vector<16xf32>,
          %add3A_330 = arith.constant 96 : i32
          %add3A_331 = arith.addi %mul3A_253, %add3A_330 : i32
          %get3A_332 = arith.index_cast %add3A_331 : i32 to index
          %get3A_333 = tpu.vector_load %arg5[%get3A_332] {strides = array<i32>} : memref<65536xf32, #tpu.memory_space<vmem>>, vector<16xf32>,
          %add3A_334 = arith.addi %mul3A_232, %while3A_246 : i32
          %get3A_335 = arith.index_cast %add3A_334 : i32 to index
          %get3A_336 = arith.constant 96 : index
          %get3A_337 = tpu.vector_load %arg9[%get3A_335, %get3A_336] {strides = array<i32>} : memref<64x128xf32, #tpu.memory_space<vmem>>, vector<16xf32>,
          %max3A_338 = arith.maximumf %get3A_333, %get3A_337 : vector<16xf32>
          %add3A_339 = arith.constant 96 : i32
          %add3A_340 = arith.addi %mul3A_253, %add3A_339 : i32
          %swap3A_341 = arith.index_cast %add3A_340 : i32 to index
          %swap3A_342 = tpu.vector_load %arg5[%swap3A_341] {strides = array<i32>} : memref<65536xf32, #tpu.memory_space<vmem>>, vector<16xf32>,
          tpu.vector_store %arg5[%swap3A_341], %max3A_338 {strides = array<i32>} : memref<65536xf32, #tpu.memory_space<vmem>>, vector<16xf32>,
          %add3A_343 = arith.constant 112 : i32
          %add3A_344 = arith.addi %mul3A_253, %add3A_343 : i32
          %get3A_345 = arith.index_cast %add3A_344 : i32 to index
          %get3A_346 = tpu.vector_load %arg5[%get3A_345] {strides = array<i32>} : memref<65536xf32, #tpu.memory_space<vmem>>, vector<16xf32>,
          %add3A_347 = arith.addi %mul3A_232, %while3A_246 : i32
          %get3A_348 = arith.index_cast %add3A_347 : i32 to index
          %get3A_349 = arith.constant 112 : index
          %get3A_350 = tpu.vector_load %arg9[%get3A_348, %get3A_349] {strides = array<i32>} : memref<64x128xf32, #tpu.memory_space<vmem>>, vector<16xf32>,
          %max3A_351 = arith.maximumf %get3A_346, %get3A_350 : vector<16xf32>
          %add3A_352 = arith.constant 112 : i32
          %add3A_353 = arith.addi %mul3A_253, %add3A_352 : i32
          %swap3A_354 = arith.index_cast %add3A_353 : i32 to index
          %swap3A_355 = tpu.vector_load %arg5[%swap3A_354] {strides = array<i32>} : memref<65536xf32, #tpu.memory_space<vmem>>, vector<16xf32>,
          tpu.vector_store %arg5[%swap3A_354], %max3A_351 {strides = array<i32>} : memref<65536xf32, #tpu.memory_space<vmem>>, vector<16xf32>,
          %while3A_356 = arith.constant 0 : i32
          scf.yield %while3A_356 : i32
        }
        %while3A_243 = arith.constant 1 : i32
        %while3A_244 = scf.for %while3A_246 = %while3A_240 to %while3A_236 step %while3A_243 iter_args(%while3A_247 = %while3A_242) -> (i32)  : i32 {
          %mul3A_248 = arith.constant 32 : i32
          %mul3A_249 = arith.muli %while3A_178, %mul3A_248 : i32
          %add3A_250 = arith.addi %mul3A_249, %while3A_246 : i32
          %get3A = arith.index_cast %add3A_250 : i32 to index
          %get3A_251 = tpu.vector_load %arg8[%get3A] {strides = array<i32>} : memref<2080xi32, #tpu.memory_space<vmem>>, vector<16xi32>,
          %slice3A = vector.extract_strided_slice %get3A_251 {offsets = [0], sizes = [1], strides = [1]} : vector<16xi32> to vector<1xi32>
          %squeeze3A = vector.extract %slice3A[0] : i32 from vector<1xi32>
          %mul3A_252 = arith.constant 128 : i32
          %mul3A_253 = arith.muli %squeeze3A, %mul3A_252 : i32
          %add3A_254 = arith.constant 0 : i32
          %add3A_255 = arith.addi %mul3A_253, %add3A_254 : i32
          %get3A_256 = arith.index_cast %add3A_255 : i32 to index
          %get3A_257 = tpu.vector_load %arg5[%get3A_256] {strides = array<i32>} : memref<65536xf32, #tpu.memory_space<vmem>>, vector<16xf32>,
          %add3A_258 = arith.addi %mul3A_232, %while3A_246 : i32
          %get3A_259 = arith.index_cast %add3A_258 : i32 to index
          %get3A_260 = arith.constant 0 : index
          %get3A_261 = tpu.vector_load %arg9[%get3A_259, %get3A_260] {strides = array<i32>} : memref<64x128xf32, #tpu.memory_space<vmem>>, vector<16xf32>,
          %max3A = arith.maximumf %get3A_257, %get3A_261 : vector<16xf32>
          %add3A_262 = arith.constant 0 : i32
          %add3A_263 = arith.addi %mul3A_253, %add3A_262 : i32
          %swap3A = arith.index_cast %add3A_263 : i32 to index
          %swap3A_264 = tpu.vector_load %arg5[%swap3A] {strides = array<i32>} : memref<65536xf32, #tpu.memory_space<vmem>>, vector<16xf32>,
          tpu.vector_store %arg5[%swap3A], %max3A {strides = array<i32>} : memref<65536xf32, #tpu.memory_space<vmem>>, vector<16xf32>,
          %add3A_265 = arith.constant 16 : i32
          %add3A_266 = arith.addi %mul3A_253, %add3A_265 : i32
          %get3A_267 = arith.index_cast %add3A_266 : i32 to index
          %get3A_268 = tpu.vector_load %arg5[%get3A_267] {strides = array<i32>} : memref<65536xf32, #tpu.memory_space<vmem>>, vector<16xf32>,
          %add3A_269 = arith.addi %mul3A_232, %while3A_246 : i32
          %get3A_270 = arith.index_cast %add3A_269 : i32 to index
          %get3A_271 = arith.constant 16 : index
          %get3A_272 = tpu.vector_load %arg9[%get3A_270, %get3A_271] {strides = array<i32>} : memref<64x128xf32, #tpu.memory_space<vmem>>, vector<16xf32>,
          %max3A_273 = arith.maximumf %get3A_268, %get3A_272 : vector<16xf32>
          %add3A_274 = arith.constant 16 : i32
          %add3A_275 = arith.addi %mul3A_253, %add3A_274 : i32
          %swap3A_276 = arith.index_cast %add3A_275 : i32 to index
          %swap3A_277 = tpu.vector_load %arg5[%swap3A_276] {strides = array<i32>} : memref<65536xf32, #tpu.memory_space<vmem>>, vector<16xf32>,
          tpu.vector_store %arg5[%swap3A_276], %max3A_273 {strides = array<i32>} : memref<65536xf32, #tpu.memory_space<vmem>>, vector<16xf32>,
          %add3A_278 = arith.constant 32 : i32
          %add3A_279 = arith.addi %mul3A_253, %add3A_278 : i32
          %get3A_280 = arith.index_cast %add3A_279 : i32 to index
          %get3A_281 = tpu.vector_load %arg5[%get3A_280] {strides = array<i32>} : memref<65536xf32, #tpu.memory_space<vmem>>, vector<16xf32>,
          %add3A_282 = arith.addi %mul3A_232, %while3A_246 : i32
          %get3A_283 = arith.index_cast %add3A_282 : i32 to index
          %get3A_284 = arith.constant 32 : index
          %get3A_285 = tpu.vector_load %arg9[%get3A_283, %get3A_284] {strides = array<i32>} : memref<64x128xf32, #tpu.memory_space<vmem>>, vector<16xf32>,
          %max3A_286 = arith.maximumf %get3A_281, %get3A_285 : vector<16xf32>
          %add3A_287 = arith.constant 32 : i32
          %add3A_288 = arith.addi %mul3A_253, %add3A_287 : i32
          %swap3A_289 = arith.index_cast %add3A_288 : i32 to index
          %swap3A_290 = tpu.vector_load %arg5[%swap3A_289] {strides = array<i32>} : memref<65536xf32, #tpu.memory_space<vmem>>, vector<16xf32>,
          tpu.vector_store %arg5[%swap3A_289], %max3A_286 {strides = array<i32>} : memref<65536xf32, #tpu.memory_space<vmem>>, vector<16xf32>,
          %add3A_291 = arith.constant 48 : i32
          %add3A_292 = arith.addi %mul3A_253, %add3A_291 : i32
          %get3A_293 = arith.index_cast %add3A_292 : i32 to index
          %get3A_294 = tpu.vector_load %arg5[%get3A_293] {strides = array<i32>} : memref<65536xf32, #tpu.memory_space<vmem>>, vector<16xf32>,
          %add3A_295 = arith.addi %mul3A_232, %while3A_246 : i32
          %get3A_296 = arith.index_cast %add3A_295 : i32 to index
          %get3A_297 = arith.constant 48 : index
          %get3A_298 = tpu.vector_load %arg9[%get3A_296, %get3A_297] {strides = array<i32>} : memref<64x128xf32, #tpu.memory_space<vmem>>, vector<16xf32>,
          %max3A_299 = arith.maximumf %get3A_294, %get3A_298 : vector<16xf32>
          %add3A_300 = arith.constant 48 : i32
          %add3A_301 = arith.addi %mul3A_253, %add3A_300 : i32
          %swap3A_302 = arith.index_cast %add3A_301 : i32 to index
          %swap3A_303 = tpu.vector_load %arg5[%swap3A_302] {strides = array<i32>} : memref<65536xf32, #tpu.memory_space<vmem>>, vector<16xf32>,
          tpu.vector_store %arg5[%swap3A_302], %max3A_299 {strides = array<i32>} : memref<65536xf32, #tpu.memory_space<vmem>>, vector<16xf32>,
          %add3A_304 = arith.constant 64 : i32
          %add3A_305 = arith.addi %mul3A_253, %add3A_304 : i32
          %get3A_306 = arith.index_cast %add3A_305 : i32 to index
          %get3A_307 = tpu.vector_load %arg5[%get3A_306] {strides = array<i32>} : memref<65536xf32, #tpu.memory_space<vmem>>, vector<16xf32>,
          %add3A_308 = arith.addi %mul3A_232, %while3A_246 : i32
          %get3A_309 = arith.index_cast %add3A_308 : i32 to index
          %get3A_310 = arith.constant 64 : index
          %get3A_311 = tpu.vector_load %arg9[%get3A_309, %get3A_310] {strides = array<i32>} : memref<64x128xf32, #tpu.memory_space<vmem>>, vector<16xf32>,
          %max3A_312 = arith.maximumf %get3A_307, %get3A_311 : vector<16xf32>
          %add3A_313 = arith.constant 64 : i32
          %add3A_314 = arith.addi %mul3A_253, %add3A_313 : i32
          %swap3A_315 = arith.index_cast %add3A_314 : i32 to index
          %swap3A_316 = tpu.vector_load %arg5[%swap3A_315] {strides = array<i32>} : memref<65536xf32, #tpu.memory_space<vmem>>, vector<16xf32>,
          tpu.vector_store %arg5[%swap3A_315], %max3A_312 {strides = array<i32>} : memref<65536xf32, #tpu.memory_space<vmem>>, vector<16xf32>,
          %add3A_317 = arith.constant 80 : i32
          %add3A_318 = arith.addi %mul3A_253, %add3A_317 : i32
          %get3A_319 = arith.index_cast %add3A_318 : i32 to index
          %get3A_320 = tpu.vector_load %arg5[%get3A_319] {strides = array<i32>} : memref<65536xf32, #tpu.memory_space<vmem>>, vector<16xf32>,
          %add3A_321 = arith.addi %mul3A_232, %while3A_246 : i32
          %get3A_322 = arith.index_cast %add3A_321 : i32 to index
          %get3A_323 = arith.constant 80 : index
          %get3A_324 = tpu.vector_load %arg9[%get3A_322, %get3A_323] {strides = array<i32>} : memref<64x128xf32, #tpu.memory_space<vmem>>, vector<16xf32>,
          %max3A_325 = arith.maximumf %get3A_320, %get3A_324 : vector<16xf32>
          %add3A_326 = arith.constant 80 : i32
          %add3A_327 = arith.addi %mul3A_253, %add3A_326 : i32
          %swap3A_328 = arith.index_cast %add3A_327 : i32 to index
          %swap3A_329 = tpu.vector_load %arg5[%swap3A_328] {strides = array<i32>} : memref<65536xf32, #tpu.memory_space<vmem>>, vector<16xf32>,
          tpu.vector_store %arg5[%swap3A_328], %max3A_325 {strides = array<i32>} : memref<65536xf32, #tpu.memory_space<vmem>>, vector<16xf32>,
          %add3A_330 = arith.constant 96 : i32
          %add3A_331 = arith.addi %mul3A_253, %add3A_330 : i32
          %get3A_332 = arith.index_cast %add3A_331 : i32 to index
          %get3A_333 = tpu.vector_load %arg5[%get3A_332] {strides = array<i32>} : memref<65536xf32, #tpu.memory_space<vmem>>, vector<16xf32>,
          %add3A_334 = arith.addi %mul3A_232, %while3A_246 : i32
          %get3A_335 = arith.index_cast %add3A_334 : i32 to index
          %get3A_336 = arith.constant 96 : index
          %get3A_337 = tpu.vector_load %arg9[%get3A_335, %get3A_336] {strides = array<i32>} : memref<64x128xf32, #tpu.memory_space<vmem>>, vector<16xf32>,
          %max3A_338 = arith.maximumf %get3A_333, %get3A_337 : vector<16xf32>
          %add3A_339 = arith.constant 96 : i32
          %add3A_340 = arith.addi %mul3A_253, %add3A_339 : i32
          %swap3A_341 = arith.index_cast %add3A_340 : i32 to index
          %swap3A_342 = tpu.vector_load %arg5[%swap3A_341] {strides = array<i32>} : memref<65536xf32, #tpu.memory_space<vmem>>, vector<16xf32>,
          tpu.vector_store %arg5[%swap3A_341], %max3A_338 {strides = array<i32>} : memref<65536xf32, #tpu.memory_space<vmem>>, vector<16xf32>,
          %add3A_343 = arith.constant 112 : i32
          %add3A_344 = arith.addi %mul3A_253, %add3A_343 : i32
          %get3A_345 = arith.index_cast %add3A_344 : i32 to index
          %get3A_346 = tpu.vector_load %arg5[%get3A_345] {strides = array<i32>} : memref<65536xf32, #tpu.memory_space<vmem>>, vector<16xf32>,
          %add3A_347 = arith.addi %mul3A_232, %while3A_246 : i32
          %get3A_348 = arith.index_cast %add3A_347 : i32 to index
          %get3A_349 = arith.constant 112 : index
          %get3A_350 = tpu.vector_load %arg9[%get3A_348, %get3A_349] {strides = array<i32>} : memref<64x128xf32, #tpu.memory_space<vmem>>, vector<16xf32>,
          %max3A_351 = arith.maximumf %get3A_346, %get3A_350 : vector<16xf32>
          %add3A_352 = arith.constant 112 : i32
          %add3A_353 = arith.addi %mul3A_253, %add3A_352 : i32
          %swap3A_354 = arith.index_cast %add3A_353 : i32 to index
          %swap3A_355 = tpu.vector_load %arg5[%swap3A_354] {strides = array<i32>} : memref<65536xf32, #tpu.memory_space<vmem>>, vector<16xf32>,
          tpu.vector_store %arg5[%swap3A_354], %max3A_351 {strides = array<i32>} : memref<65536xf32, #tpu.memory_space<vmem>>, vector<16xf32>,
          %while3A_356 = arith.constant 0 : i32
          scf.yield %while3A_356 : i32
        }
        %while3A_245 = arith.constant 0 : i32
        scf.yield %while3A_245 : i32
      }
      %while3A_175 = arith.constant 1 : i32
      %while3A_176 = scf.for %while3A_178 = %while3A_172 to %while3A_168 step %while3A_175 iter_args(%while3A_179 = %while3A_174) -> (i32)  : i32 {
        %add3A_180 = arith.constant 1 : i32
        %add3A_181 = arith.addi %while3A_178, %add3A_180 : i32
        %lt3A_182 = arith.cmpi slt, %add3A_181, %select_n3A_163 : i32
        %convert_element_type3A_183 = arith.extui %lt3A_182 : i1 to i32
        %cond3A_184 = arith.constant 0 : i32
        %cond3A_185 = arith.cmpi ne, %convert_element_type3A_183, %cond3A_184 : i32
        scf.if %cond3A_185 {
          %add3A_246 = arith.constant 1 : i32
          %add3A_247 = arith.addi %while3A_178, %add3A_246 : i32
          %mul3A_248 = arith.constant 32 : i32
          %mul3A_249 = arith.muli %add3A_247, %mul3A_248 : i32
          %jit3A_250 = arith.constant 2 : i32
          %eq3A_251 = arith.constant 0 : i32
          %eq3A_252 = arith.cmpi eq, %jit3A_250, %eq3A_251 : i32
          %jit3A_253 = arith.constant 1 : i32
          %select_n3A_254 = arith.select %eq3A_252, %jit3A_253, %jit3A_250 : i32
          %rem3A_255 = arith.remsi %add3A_247, %select_n3A_254 : i32
          %ne3A_256 = arith.constant 0 : i32
          %ne3A_257 = arith.cmpi ne, %rem3A_255, %ne3A_256 : i32
          %lt3A_258 = arith.constant 0 : i32
          %lt3A_259 = arith.cmpi slt, %rem3A_255, %lt3A_258 : i32
          %lt3A_260 = arith.constant 0 : i32
          %lt3A_261 = arith.cmpi slt, %select_n3A_254, %lt3A_260 : i32
          %ne3A_262 = arith.xori %lt3A_259, %lt3A_261 : i1
          %and3A_263 = arith.andi %ne3A_262, %ne3A_257 : i1
          %add3A_264 = arith.addi %rem3A_255, %select_n3A_254 : i32
          %select_n3A_265 = arith.select %and3A_263, %add3A_264, %rem3A_255 : i32
          %mul3A_266 = arith.constant 32 : i32
          %mul3A_267 = arith.muli %select_n3A_265, %mul3A_266 : i32
          %dma_start3A = arith.constant 0 : i32
          %dma_start3A_268 = tpu.memref_slice %arg9[%mul3A_267, %dma_start3A] : memref<64x128xf32, #tpu.memory_space<vmem>> -> memref<32x128xf32, #tpu.memory_space<vmem>>
          %dma_start3A_269 = tpu.memref_slice %arg7[%mul3A_249] : memref<2080xi32, #tpu.memory_space<vmem>> -> memref<32xi32, #tpu.memory_space<vmem>>
          %dma_start3A_270 = arith.constant 0 : i32
          %dma_start3A_271 = arith.constant 0 : i32
          %dma_start3A_272 = tpu.memref_slice %arg3[%dma_start3A_270, %dma_start3A_271] : memref<40000x128xf32, #tpu.memory_space<hbm>> -> memref<40000x128xf32, #tpu.memory_space<hbm>>
          tpu.enqueue_indirect_dma source(%dma_start3A_272 : memref<40000x128xf32, #tpu.memory_space<hbm>>) target(%dma_start3A_268 : memref<32x128xf32, #tpu.memory_space<vmem>>) offsets(%dma_start3A_269 : memref<32xi32, #tpu.memory_space<vmem>>) semaphore(%arg10 : memref<!tpu.dma_semaphore, #tpu.memory_space<semaphore_mem>>)
        } else {
        }
        %mul3A_186 = arith.constant 32 : i32
        %mul3A_187 = arith.muli %while3A_178, %mul3A_186 : i32
        %jit3A_188 = arith.constant 2 : i32
        %eq3A_189 = arith.constant 0 : i32
        %eq3A_190 = arith.cmpi eq, %jit3A_188, %eq3A_189 : i32
        %jit3A_191 = arith.constant 1 : i32
        %select_n3A_192 = arith.select %eq3A_190, %jit3A_191, %jit3A_188 : i32
        %rem3A_193 = arith.remsi %while3A_178, %select_n3A_192 : i32
        %ne3A_194 = arith.constant 0 : i32
        %ne3A_195 = arith.cmpi ne, %rem3A_193, %ne3A_194 : i32
        %lt3A_196 = arith.constant 0 : i32
        %lt3A_197 = arith.cmpi slt, %rem3A_193, %lt3A_196 : i32
        %lt3A_198 = arith.constant 0 : i32
        %lt3A_199 = arith.cmpi slt, %select_n3A_192, %lt3A_198 : i32
        %ne3A_200 = arith.xori %lt3A_197, %lt3A_199 : i1
        %and3A_201 = arith.andi %ne3A_200, %ne3A_195 : i1
        %add3A_202 = arith.addi %rem3A_193, %select_n3A_192 : i32
        %select_n3A_203 = arith.select %and3A_201, %add3A_202, %rem3A_193 : i32
        %mul3A_204 = arith.constant 32 : i32
        %mul3A_205 = arith.muli %select_n3A_203, %mul3A_204 : i32
        %dma_wait3A = arith.constant 0 : i32
        %dma_wait3A_206 = tpu.memref_slice %arg9[%mul3A_205, %dma_wait3A] : memref<64x128xf32, #tpu.memory_space<vmem>> -> memref<32x128xf32, #tpu.memory_space<vmem>>
        %dma_wait3A_207 = tpu.memref_slice %arg7[%mul3A_187] : memref<2080xi32, #tpu.memory_space<vmem>> -> memref<32xi32, #tpu.memory_space<vmem>>
        %dma_wait3A_208 = arith.constant 0 : i32
        %dma_wait3A_209 = arith.constant 0 : i32
        %dma_wait3A_210 = tpu.memref_slice %arg3[%dma_wait3A_208, %dma_wait3A_209] : memref<40000x128xf32, #tpu.memory_space<hbm>> -> memref<40000x128xf32, #tpu.memory_space<hbm>>
        tpu.wait_indirect_dma semaphore(%arg10 : memref<!tpu.dma_semaphore, #tpu.memory_space<semaphore_mem>>) src(%dma_wait3A_210 : memref<40000x128xf32, #tpu.memory_space<hbm>>) dst(%dma_wait3A_206 : memref<32x128xf32, #tpu.memory_space<vmem>>)
        %mul3A_211 = arith.constant 32 : i32
        %mul3A_212 = arith.muli %while3A_178, %mul3A_211 : i32
        %sub3A_213 = arith.subi %scan3A_122, %mul3A_212 : i32
        %min3A = arith.constant 32 : i32
        %min3A_214 = arith.minsi %min3A, %sub3A_213 : i32
        %jit3A_215 = arith.constant 2 : i32
        %eq3A_216 = arith.constant 0 : i32
        %eq3A_217 = arith.cmpi eq, %jit3A_215, %eq3A_216 : i32
        %jit3A_218 = arith.constant 1 : i32
        %select_n3A_219 = arith.select %eq3A_217, %jit3A_218, %jit3A_215 : i32
        %rem3A_220 = arith.remsi %while3A_178, %select_n3A_219 : i32
        %ne3A_221 = arith.constant 0 : i32
        %ne3A_222 = arith.cmpi ne, %rem3A_220, %ne3A_221 : i32
        %lt3A_223 = arith.constant 0 : i32
        %lt3A_224 = arith.cmpi slt, %rem3A_220, %lt3A_223 : i32
        %lt3A_225 = arith.constant 0 : i32
        %lt3A_226 = arith.cmpi slt, %select_n3A_219, %lt3A_225 : i32
        %ne3A_227 = arith.xori %lt3A_224, %lt3A_226 : i1
        %and3A_228 = arith.andi %ne3A_227, %ne3A_222 : i1
        %add3A_229 = arith.addi %rem3A_220, %select_n3A_219 : i32
        %select_n3A_230 = arith.select %and3A_228, %add3A_229, %rem3A_220 : i32
        %mul3A_231 = arith.constant 32 : i32
        %mul3A_232 = arith.muli %select_n3A_230, %mul3A_231 : i32
        %while3A_233 = arith.constant 0 : i32
        %while3A_234 = arith.constant 0 : i32
        %while3A_235 = arith.subi %min3A_214, %while3A_233 : i32
        %while3A_236 = arith.addi %while3A_233, %while3A_235 : i32
        %while3A_237 = arith.constant 1 : i32
        %while3A_238 = arith.divsi %while3A_235, %while3A_237 : i32
        %while3A_239 = arith.muli %while3A_238, %while3A_237 : i32
        %while3A_240 = arith.addi %while3A_233, %while3A_239 : i32
        %while3A_241 = arith.constant 1 : i32
        %while3A_242 = scf.for %while3A_246 = %while3A_233 to %while3A_240 step %while3A_241 iter_args(%while3A_247 = %while3A_234) -> (i32)  : i32 {
          %mul3A_248 = arith.constant 32 : i32
          %mul3A_249 = arith.muli %while3A_178, %mul3A_248 : i32
          %add3A_250 = arith.addi %mul3A_249, %while3A_246 : i32
          %get3A = arith.index_cast %add3A_250 : i32 to index
          %get3A_251 = tpu.vector_load %arg8[%get3A] {strides = array<i32>} : memref<2080xi32, #tpu.memory_space<vmem>>, vector<16xi32>,
          %slice3A = vector.extract_strided_slice %get3A_251 {offsets = [0], sizes = [1], strides = [1]} : vector<16xi32> to vector<1xi32>
          %squeeze3A = vector.extract %slice3A[0] : i32 from vector<1xi32>
          %mul3A_252 = arith.constant 128 : i32
          %mul3A_253 = arith.muli %squeeze3A, %mul3A_252 : i32
          %add3A_254 = arith.constant 0 : i32
          %add3A_255 = arith.addi %mul3A_253, %add3A_254 : i32
          %get3A_256 = arith.index_cast %add3A_255 : i32 to index
          %get3A_257 = tpu.vector_load %arg5[%get3A_256] {strides = array<i32>} : memref<65536xf32, #tpu.memory_space<vmem>>, vector<16xf32>,
          %add3A_258 = arith.addi %mul3A_232, %while3A_246 : i32
          %get3A_259 = arith.index_cast %add3A_258 : i32 to index
          %get3A_260 = arith.constant 0 : index
          %get3A_261 = tpu.vector_load %arg9[%get3A_259, %get3A_260] {strides = array<i32>} : memref<64x128xf32, #tpu.memory_space<vmem>>, vector<16xf32>,
          %max3A = arith.maximumf %get3A_257, %get3A_261 : vector<16xf32>
          %add3A_262 = arith.constant 0 : i32
          %add3A_263 = arith.addi %mul3A_253, %add3A_262 : i32
          %swap3A = arith.index_cast %add3A_263 : i32 to index
          %swap3A_264 = tpu.vector_load %arg5[%swap3A] {strides = array<i32>} : memref<65536xf32, #tpu.memory_space<vmem>>, vector<16xf32>,
          tpu.vector_store %arg5[%swap3A], %max3A {strides = array<i32>} : memref<65536xf32, #tpu.memory_space<vmem>>, vector<16xf32>,
          %add3A_265 = arith.constant 16 : i32
          %add3A_266 = arith.addi %mul3A_253, %add3A_265 : i32
          %get3A_267 = arith.index_cast %add3A_266 : i32 to index
          %get3A_268 = tpu.vector_load %arg5[%get3A_267] {strides = array<i32>} : memref<65536xf32, #tpu.memory_space<vmem>>, vector<16xf32>,
          %add3A_269 = arith.addi %mul3A_232, %while3A_246 : i32
          %get3A_270 = arith.index_cast %add3A_269 : i32 to index
          %get3A_271 = arith.constant 16 : index
          %get3A_272 = tpu.vector_load %arg9[%get3A_270, %get3A_271] {strides = array<i32>} : memref<64x128xf32, #tpu.memory_space<vmem>>, vector<16xf32>,
          %max3A_273 = arith.maximumf %get3A_268, %get3A_272 : vector<16xf32>
          %add3A_274 = arith.constant 16 : i32
          %add3A_275 = arith.addi %mul3A_253, %add3A_274 : i32
          %swap3A_276 = arith.index_cast %add3A_275 : i32 to index
          %swap3A_277 = tpu.vector_load %arg5[%swap3A_276] {strides = array<i32>} : memref<65536xf32, #tpu.memory_space<vmem>>, vector<16xf32>,
          tpu.vector_store %arg5[%swap3A_276], %max3A_273 {strides = array<i32>} : memref<65536xf32, #tpu.memory_space<vmem>>, vector<16xf32>,
          %add3A_278 = arith.constant 32 : i32
          %add3A_279 = arith.addi %mul3A_253, %add3A_278 : i32
          %get3A_280 = arith.index_cast %add3A_279 : i32 to index
          %get3A_281 = tpu.vector_load %arg5[%get3A_280] {strides = array<i32>} : memref<65536xf32, #tpu.memory_space<vmem>>, vector<16xf32>,
          %add3A_282 = arith.addi %mul3A_232, %while3A_246 : i32
          %get3A_283 = arith.index_cast %add3A_282 : i32 to index
          %get3A_284 = arith.constant 32 : index
          %get3A_285 = tpu.vector_load %arg9[%get3A_283, %get3A_284] {strides = array<i32>} : memref<64x128xf32, #tpu.memory_space<vmem>>, vector<16xf32>,
          %max3A_286 = arith.maximumf %get3A_281, %get3A_285 : vector<16xf32>
          %add3A_287 = arith.constant 32 : i32
          %add3A_288 = arith.addi %mul3A_253, %add3A_287 : i32
          %swap3A_289 = arith.index_cast %add3A_288 : i32 to index
          %swap3A_290 = tpu.vector_load %arg5[%swap3A_289] {strides = array<i32>} : memref<65536xf32, #tpu.memory_space<vmem>>, vector<16xf32>,
          tpu.vector_store %arg5[%swap3A_289], %max3A_286 {strides = array<i32>} : memref<65536xf32, #tpu.memory_space<vmem>>, vector<16xf32>,
          %add3A_291 = arith.constant 48 : i32
          %add3A_292 = arith.addi %mul3A_253, %add3A_291 : i32
          %get3A_293 = arith.index_cast %add3A_292 : i32 to index
          %get3A_294 = tpu.vector_load %arg5[%get3A_293] {strides = array<i32>} : memref<65536xf32, #tpu.memory_space<vmem>>, vector<16xf32>,
          %add3A_295 = arith.addi %mul3A_232, %while3A_246 : i32
          %get3A_296 = arith.index_cast %add3A_295 : i32 to index
          %get3A_297 = arith.constant 48 : index
          %get3A_298 = tpu.vector_load %arg9[%get3A_296, %get3A_297] {strides = array<i32>} : memref<64x128xf32, #tpu.memory_space<vmem>>, vector<16xf32>,
          %max3A_299 = arith.maximumf %get3A_294, %get3A_298 : vector<16xf32>
          %add3A_300 = arith.constant 48 : i32
          %add3A_301 = arith.addi %mul3A_253, %add3A_300 : i32
          %swap3A_302 = arith.index_cast %add3A_301 : i32 to index
          %swap3A_303 = tpu.vector_load %arg5[%swap3A_302] {strides = array<i32>} : memref<65536xf32, #tpu.memory_space<vmem>>, vector<16xf32>,
          tpu.vector_store %arg5[%swap3A_302], %max3A_299 {strides = array<i32>} : memref<65536xf32, #tpu.memory_space<vmem>>, vector<16xf32>,
          %add3A_304 = arith.constant 64 : i32
          %add3A_305 = arith.addi %mul3A_253, %add3A_304 : i32
          %get3A_306 = arith.index_cast %add3A_305 : i32 to index
          %get3A_307 = tpu.vector_load %arg5[%get3A_306] {strides = array<i32>} : memref<65536xf32, #tpu.memory_space<vmem>>, vector<16xf32>,
          %add3A_308 = arith.addi %mul3A_232, %while3A_246 : i32
          %get3A_309 = arith.index_cast %add3A_308 : i32 to index
          %get3A_310 = arith.constant 64 : index
          %get3A_311 = tpu.vector_load %arg9[%get3A_309, %get3A_310] {strides = array<i32>} : memref<64x128xf32, #tpu.memory_space<vmem>>, vector<16xf32>,
          %max3A_312 = arith.maximumf %get3A_307, %get3A_311 : vector<16xf32>
          %add3A_313 = arith.constant 64 : i32
          %add3A_314 = arith.addi %mul3A_253, %add3A_313 : i32
          %swap3A_315 = arith.index_cast %add3A_314 : i32 to index
          %swap3A_316 = tpu.vector_load %arg5[%swap3A_315] {strides = array<i32>} : memref<65536xf32, #tpu.memory_space<vmem>>, vector<16xf32>,
          tpu.vector_store %arg5[%swap3A_315], %max3A_312 {strides = array<i32>} : memref<65536xf32, #tpu.memory_space<vmem>>, vector<16xf32>,
          %add3A_317 = arith.constant 80 : i32
          %add3A_318 = arith.addi %mul3A_253, %add3A_317 : i32
          %get3A_319 = arith.index_cast %add3A_318 : i32 to index
          %get3A_320 = tpu.vector_load %arg5[%get3A_319] {strides = array<i32>} : memref<65536xf32, #tpu.memory_space<vmem>>, vector<16xf32>,
          %add3A_321 = arith.addi %mul3A_232, %while3A_246 : i32
          %get3A_322 = arith.index_cast %add3A_321 : i32 to index
          %get3A_323 = arith.constant 80 : index
          %get3A_324 = tpu.vector_load %arg9[%get3A_322, %get3A_323] {strides = array<i32>} : memref<64x128xf32, #tpu.memory_space<vmem>>, vector<16xf32>,
          %max3A_325 = arith.maximumf %get3A_320, %get3A_324 : vector<16xf32>
          %add3A_326 = arith.constant 80 : i32
          %add3A_327 = arith.addi %mul3A_253, %add3A_326 : i32
          %swap3A_328 = arith.index_cast %add3A_327 : i32 to index
          %swap3A_329 = tpu.vector_load %arg5[%swap3A_328] {strides = array<i32>} : memref<65536xf32, #tpu.memory_space<vmem>>, vector<16xf32>,
          tpu.vector_store %arg5[%swap3A_328], %max3A_325 {strides = array<i32>} : memref<65536xf32, #tpu.memory_space<vmem>>, vector<16xf32>,
          %add3A_330 = arith.constant 96 : i32
          %add3A_331 = arith.addi %mul3A_253, %add3A_330 : i32
          %get3A_332 = arith.index_cast %add3A_331 : i32 to index
          %get3A_333 = tpu.vector_load %arg5[%get3A_332] {strides = array<i32>} : memref<65536xf32, #tpu.memory_space<vmem>>, vector<16xf32>,
          %add3A_334 = arith.addi %mul3A_232, %while3A_246 : i32
          %get3A_335 = arith.index_cast %add3A_334 : i32 to index
          %get3A_336 = arith.constant 96 : index
          %get3A_337 = tpu.vector_load %arg9[%get3A_335, %get3A_336] {strides = array<i32>} : memref<64x128xf32, #tpu.memory_space<vmem>>, vector<16xf32>,
          %max3A_338 = arith.maximumf %get3A_333, %get3A_337 : vector<16xf32>
          %add3A_339 = arith.constant 96 : i32
          %add3A_340 = arith.addi %mul3A_253, %add3A_339 : i32
          %swap3A_341 = arith.index_cast %add3A_340 : i32 to index
          %swap3A_342 = tpu.vector_load %arg5[%swap3A_341] {strides = array<i32>} : memref<65536xf32, #tpu.memory_space<vmem>>, vector<16xf32>,
          tpu.vector_store %arg5[%swap3A_341], %max3A_338 {strides = array<i32>} : memref<65536xf32, #tpu.memory_space<vmem>>, vector<16xf32>,
          %add3A_343 = arith.constant 112 : i32
          %add3A_344 = arith.addi %mul3A_253, %add3A_343 : i32
          %get3A_345 = arith.index_cast %add3A_344 : i32 to index
          %get3A_346 = tpu.vector_load %arg5[%get3A_345] {strides = array<i32>} : memref<65536xf32, #tpu.memory_space<vmem>>, vector<16xf32>,
          %add3A_347 = arith.addi %mul3A_232, %while3A_246 : i32
          %get3A_348 = arith.index_cast %add3A_347 : i32 to index
          %get3A_349 = arith.constant 112 : index
          %get3A_350 = tpu.vector_load %arg9[%get3A_348, %get3A_349] {strides = array<i32>} : memref<64x128xf32, #tpu.memory_space<vmem>>, vector<16xf32>,
          %max3A_351 = arith.maximumf %get3A_346, %get3A_350 : vector<16xf32>
          %add3A_352 = arith.constant 112 : i32
          %add3A_353 = arith.addi %mul3A_253, %add3A_352 : i32
          %swap3A_354 = arith.index_cast %add3A_353 : i32 to index
          %swap3A_355 = tpu.vector_load %arg5[%swap3A_354] {strides = array<i32>} : memref<65536xf32, #tpu.memory_space<vmem>>, vector<16xf32>,
          tpu.vector_store %arg5[%swap3A_354], %max3A_351 {strides = array<i32>} : memref<65536xf32, #tpu.memory_space<vmem>>, vector<16xf32>,
          %while3A_356 = arith.constant 0 : i32
          scf.yield %while3A_356 : i32
        }
        %while3A_243 = arith.constant 1 : i32
        %while3A_244 = scf.for %while3A_246 = %while3A_240 to %while3A_236 step %while3A_243 iter_args(%while3A_247 = %while3A_242) -> (i32)  : i32 {
          %mul3A_248 = arith.constant 32 : i32
          %mul3A_249 = arith.muli %while3A_178, %mul3A_248 : i32
          %add3A_250 = arith.addi %mul3A_249, %while3A_246 : i32
          %get3A = arith.index_cast %add3A_250 : i32 to index
          %get3A_251 = tpu.vector_load %arg8[%get3A] {strides = array<i32>} : memref<2080xi32, #tpu.memory_space<vmem>>, vector<16xi32>,
          %slice3A = vector.extract_strided_slice %get3A_251 {offsets = [0], sizes = [1], strides = [1]} : vector<16xi32> to vector<1xi32>
          %squeeze3A = vector.extract %slice3A[0] : i32 from vector<1xi32>
          %mul3A_252 = arith.constant 128 : i32
          %mul3A_253 = arith.muli %squeeze3A, %mul3A_252 : i32
          %add3A_254 = arith.constant 0 : i32
          %add3A_255 = arith.addi %mul3A_253, %add3A_254 : i32
          %get3A_256 = arith.index_cast %add3A_255 : i32 to index
          %get3A_257 = tpu.vector_load %arg5[%get3A_256] {strides = array<i32>} : memref<65536xf32, #tpu.memory_space<vmem>>, vector<16xf32>,
          %add3A_258 = arith.addi %mul3A_232, %while3A_246 : i32
          %get3A_259 = arith.index_cast %add3A_258 : i32 to index
          %get3A_260 = arith.constant 0 : index
          %get3A_261 = tpu.vector_load %arg9[%get3A_259, %get3A_260] {strides = array<i32>} : memref<64x128xf32, #tpu.memory_space<vmem>>, vector<16xf32>,
          %max3A = arith.maximumf %get3A_257, %get3A_261 : vector<16xf32>
          %add3A_262 = arith.constant 0 : i32
          %add3A_263 = arith.addi %mul3A_253, %add3A_262 : i32
          %swap3A = arith.index_cast %add3A_263 : i32 to index
          %swap3A_264 = tpu.vector_load %arg5[%swap3A] {strides = array<i32>} : memref<65536xf32, #tpu.memory_space<vmem>>, vector<16xf32>,
          tpu.vector_store %arg5[%swap3A], %max3A {strides = array<i32>} : memref<65536xf32, #tpu.memory_space<vmem>>, vector<16xf32>,
          %add3A_265 = arith.constant 16 : i32
          %add3A_266 = arith.addi %mul3A_253, %add3A_265 : i32
          %get3A_267 = arith.index_cast %add3A_266 : i32 to index
          %get3A_268 = tpu.vector_load %arg5[%get3A_267] {strides = array<i32>} : memref<65536xf32, #tpu.memory_space<vmem>>, vector<16xf32>,
          %add3A_269 = arith.addi %mul3A_232, %while3A_246 : i32
          %get3A_270 = arith.index_cast %add3A_269 : i32 to index
          %get3A_271 = arith.constant 16 : index
          %get3A_272 = tpu.vector_load %arg9[%get3A_270, %get3A_271] {strides = array<i32>} : memref<64x128xf32, #tpu.memory_space<vmem>>, vector<16xf32>,
          %max3A_273 = arith.maximumf %get3A_268, %get3A_272 : vector<16xf32>
          %add3A_274 = arith.constant 16 : i32
          %add3A_275 = arith.addi %mul3A_253, %add3A_274 : i32
          %swap3A_276 = arith.index_cast %add3A_275 : i32 to index
          %swap3A_277 = tpu.vector_load %arg5[%swap3A_276] {strides = array<i32>} : memref<65536xf32, #tpu.memory_space<vmem>>, vector<16xf32>,
          tpu.vector_store %arg5[%swap3A_276], %max3A_273 {strides = array<i32>} : memref<65536xf32, #tpu.memory_space<vmem>>, vector<16xf32>,
          %add3A_278 = arith.constant 32 : i32
          %add3A_279 = arith.addi %mul3A_253, %add3A_278 : i32
          %get3A_280 = arith.index_cast %add3A_279 : i32 to index
          %get3A_281 = tpu.vector_load %arg5[%get3A_280] {strides = array<i32>} : memref<65536xf32, #tpu.memory_space<vmem>>, vector<16xf32>,
          %add3A_282 = arith.addi %mul3A_232, %while3A_246 : i32
          %get3A_283 = arith.index_cast %add3A_282 : i32 to index
          %get3A_284 = arith.constant 32 : index
          %get3A_285 = tpu.vector_load %arg9[%get3A_283, %get3A_284] {strides = array<i32>} : memref<64x128xf32, #tpu.memory_space<vmem>>, vector<16xf32>,
          %max3A_286 = arith.maximumf %get3A_281, %get3A_285 : vector<16xf32>
          %add3A_287 = arith.constant 32 : i32
          %add3A_288 = arith.addi %mul3A_253, %add3A_287 : i32
          %swap3A_289 = arith.index_cast %add3A_288 : i32 to index
          %swap3A_290 = tpu.vector_load %arg5[%swap3A_289] {strides = array<i32>} : memref<65536xf32, #tpu.memory_space<vmem>>, vector<16xf32>,
          tpu.vector_store %arg5[%swap3A_289], %max3A_286 {strides = array<i32>} : memref<65536xf32, #tpu.memory_space<vmem>>, vector<16xf32>,
          %add3A_291 = arith.constant 48 : i32
          %add3A_292 = arith.addi %mul3A_253, %add3A_291 : i32
          %get3A_293 = arith.index_cast %add3A_292 : i32 to index
          %get3A_294 = tpu.vector_load %arg5[%get3A_293] {strides = array<i32>} : memref<65536xf32, #tpu.memory_space<vmem>>, vector<16xf32>,
          %add3A_295 = arith.addi %mul3A_232, %while3A_246 : i32
          %get3A_296 = arith.index_cast %add3A_295 : i32 to index
          %get3A_297 = arith.constant 48 : index
          %get3A_298 = tpu.vector_load %arg9[%get3A_296, %get3A_297] {strides = array<i32>} : memref<64x128xf32, #tpu.memory_space<vmem>>, vector<16xf32>,
          %max3A_299 = arith.maximumf %get3A_294, %get3A_298 : vector<16xf32>
          %add3A_300 = arith.constant 48 : i32
          %add3A_301 = arith.addi %mul3A_253, %add3A_300 : i32
          %swap3A_302 = arith.index_cast %add3A_301 : i32 to index
          %swap3A_303 = tpu.vector_load %arg5[%swap3A_302] {strides = array<i32>} : memref<65536xf32, #tpu.memory_space<vmem>>, vector<16xf32>,
          tpu.vector_store %arg5[%swap3A_302], %max3A_299 {strides = array<i32>} : memref<65536xf32, #tpu.memory_space<vmem>>, vector<16xf32>,
          %add3A_304 = arith.constant 64 : i32
          %add3A_305 = arith.addi %mul3A_253, %add3A_304 : i32
          %get3A_306 = arith.index_cast %add3A_305 : i32 to index
          %get3A_307 = tpu.vector_load %arg5[%get3A_306] {strides = array<i32>} : memref<65536xf32, #tpu.memory_space<vmem>>, vector<16xf32>,
          %add3A_308 = arith.addi %mul3A_232, %while3A_246 : i32
          %get3A_309 = arith.index_cast %add3A_308 : i32 to index
          %get3A_310 = arith.constant 64 : index
          %get3A_311 = tpu.vector_load %arg9[%get3A_309, %get3A_310] {strides = array<i32>} : memref<64x128xf32, #tpu.memory_space<vmem>>, vector<16xf32>,
          %max3A_312 = arith.maximumf %get3A_307, %get3A_311 : vector<16xf32>
          %add3A_313 = arith.constant 64 : i32
          %add3A_314 = arith.addi %mul3A_253, %add3A_313 : i32
          %swap3A_315 = arith.index_cast %add3A_314 : i32 to index
          %swap3A_316 = tpu.vector_load %arg5[%swap3A_315] {strides = array<i32>} : memref<65536xf32, #tpu.memory_space<vmem>>, vector<16xf32>,
          tpu.vector_store %arg5[%swap3A_315], %max3A_312 {strides = array<i32>} : memref<65536xf32, #tpu.memory_space<vmem>>, vector<16xf32>,
          %add3A_317 = arith.constant 80 : i32
          %add3A_318 = arith.addi %mul3A_253, %add3A_317 : i32
          %get3A_319 = arith.index_cast %add3A_318 : i32 to index
          %get3A_320 = tpu.vector_load %arg5[%get3A_319] {strides = array<i32>} : memref<65536xf32, #tpu.memory_space<vmem>>, vector<16xf32>,
          %add3A_321 = arith.addi %mul3A_232, %while3A_246 : i32
          %get3A_322 = arith.index_cast %add3A_321 : i32 to index
          %get3A_323 = arith.constant 80 : index
          %get3A_324 = tpu.vector_load %arg9[%get3A_322, %get3A_323] {strides = array<i32>} : memref<64x128xf32, #tpu.memory_space<vmem>>, vector<16xf32>,
          %max3A_325 = arith.maximumf %get3A_320, %get3A_324 : vector<16xf32>
          %add3A_326 = arith.constant 80 : i32
          %add3A_327 = arith.addi %mul3A_253, %add3A_326 : i32
          %swap3A_328 = arith.index_cast %add3A_327 : i32 to index
          %swap3A_329 = tpu.vector_load %arg5[%swap3A_328] {strides = array<i32>} : memref<65536xf32, #tpu.memory_space<vmem>>, vector<16xf32>,
          tpu.vector_store %arg5[%swap3A_328], %max3A_325 {strides = array<i32>} : memref<65536xf32, #tpu.memory_space<vmem>>, vector<16xf32>,
          %add3A_330 = arith.constant 96 : i32
          %add3A_331 = arith.addi %mul3A_253, %add3A_330 : i32
          %get3A_332 = arith.index_cast %add3A_331 : i32 to index
          %get3A_333 = tpu.vector_load %arg5[%get3A_332] {strides = array<i32>} : memref<65536xf32, #tpu.memory_space<vmem>>, vector<16xf32>,
          %add3A_334 = arith.addi %mul3A_232, %while3A_246 : i32
          %get3A_335 = arith.index_cast %add3A_334 : i32 to index
          %get3A_336 = arith.constant 96 : index
          %get3A_337 = tpu.vector_load %arg9[%get3A_335, %get3A_336] {strides = array<i32>} : memref<64x128xf32, #tpu.memory_space<vmem>>, vector<16xf32>,
          %max3A_338 = arith.maximumf %get3A_333, %get3A_337 : vector<16xf32>
          %add3A_339 = arith.constant 96 : i32
          %add3A_340 = arith.addi %mul3A_253, %add3A_339 : i32
          %swap3A_341 = arith.index_cast %add3A_340 : i32 to index
          %swap3A_342 = tpu.vector_load %arg5[%swap3A_341] {strides = array<i32>} : memref<65536xf32, #tpu.memory_space<vmem>>, vector<16xf32>,
          tpu.vector_store %arg5[%swap3A_341], %max3A_338 {strides = array<i32>} : memref<65536xf32, #tpu.memory_space<vmem>>, vector<16xf32>,
          %add3A_343 = arith.constant 112 : i32
          %add3A_344 = arith.addi %mul3A_253, %add3A_343 : i32
          %get3A_345 = arith.index_cast %add3A_344 : i32 to index
          %get3A_346 = tpu.vector_load %arg5[%get3A_345] {strides = array<i32>} : memref<65536xf32, #tpu.memory_space<vmem>>, vector<16xf32>,
          %add3A_347 = arith.addi %mul3A_232, %while3A_246 : i32
          %get3A_348 = arith.index_cast %add3A_347 : i32 to index
          %get3A_349 = arith.constant 112 : index
          %get3A_350 = tpu.vector_load %arg9[%get3A_348, %get3A_349] {strides = array<i32>} : memref<64x128xf32, #tpu.memory_space<vmem>>, vector<16xf32>,
          %max3A_351 = arith.maximumf %get3A_346, %get3A_350 : vector<16xf32>
          %add3A_352 = arith.constant 112 : i32
          %add3A_353 = arith.addi %mul3A_253, %add3A_352 : i32
          %swap3A_354 = arith.index_cast %add3A_353 : i32 to index
          %swap3A_355 = tpu.vector_load %arg5[%swap3A_354] {strides = array<i32>} : memref<65536xf32, #tpu.memory_space<vmem>>, vector<16xf32>,
          tpu.vector_store %arg5[%swap3A_354], %max3A_351 {strides = array<i32>} : memref<65536xf32, #tpu.memory_space<vmem>>, vector<16xf32>,
          %while3A_356 = arith.constant 0 : i32
          scf.yield %while3A_356 : i32
        }
        %while3A_245 = arith.constant 0 : i32
        scf.yield %while3A_245 : i32
      }
      %scan3A_177 = arith.constant 0 : i32
      scf.yield %scan3A_177 : i32
    }
    %scan3A_76 = arith.constant 10 : i32
    %mul3A_77 = arith.constant 4096 : i32
    %mul3A_78 = arith.muli %select_n3A, %mul3A_77 : i32
    %add3A_79 = arith.addi %mul3A_78, %mul3A_63 : i32
    %mul3A_80 = arith.constant 128 : i32
    %mul3A_81 = arith.muli %add3A_79, %mul3A_80 : i32
    "tpu.region"() ({
      %run_scoped3A = tpu.sem_alloc : memref<!tpu.dma_semaphore, #tpu.memory_space<semaphore_mem>>
      %dma_start3A = tpu.memref_slice %arg4[%mul3A_81] : memref<4194304xf32, #tpu.memory_space<hbm>> -> memref<65536xf32, #tpu.memory_space<hbm>>
      %dma_start3A_105 = tpu.memref_slice %arg4[%mul3A_81] : memref<4194304xf32, #tpu.memory_space<hbm>> -> memref<65536xf32, #tpu.memory_space<hbm>>
      tpu.enqueue_dma source(%arg5 : memref<65536xf32, #tpu.memory_space<vmem>>) target(%dma_start3A_105 : memref<65536xf32, #tpu.memory_space<hbm>>) target_semaphore(%run_scoped3A : memref<!tpu.dma_semaphore, #tpu.memory_space<semaphore_mem>>)
      %dma_wait3A = tpu.memref_slice %arg4[%mul3A_81] : memref<4194304xf32, #tpu.memory_space<hbm>> -> memref<65536xf32, #tpu.memory_space<hbm>>
      %dma_wait3A_106 = tpu.memref_slice %arg4[%mul3A_81] : memref<4194304xf32, #tpu.memory_space<hbm>> -> memref<65536xf32, #tpu.memory_space<hbm>>
      tpu.wait_dma2 semaphore(%run_scoped3A : memref<!tpu.dma_semaphore, #tpu.memory_space<semaphore_mem>>) src(%arg5 : memref<65536xf32, #tpu.memory_space<vmem>>) dst(%dma_wait3A_106 : memref<65536xf32, #tpu.memory_space<hbm>>)
      tpu.yield
    }) : () -> ()
    %add3A_82 = arith.constant 4 : i32
    %add3A_83 = arith.addi %add3A_82, %select_n3A_30 : i32
    %mul3A_84 = arith.constant 512 : i32
    %mul3A_85 = arith.muli %add3A_83, %mul3A_84 : i32
    %scan3A_86 = arith.constant 0 : i32
    %scan3A_87 = arith.constant 0 : i32
    %scan3A_88 = arith.constant 4096 : i32
    %scan3A_89 = arith.addi %scan3A_87, %scan3A_88 : i32
    %scan3A_90 = arith.constant 1 : i32
    %scan3A_91 = scf.for %scan3A_105 = %scan3A_87 to %scan3A_89 step %scan3A_90 iter_args(%scan3A_106 = %scan3A_86) -> (i32)  : i32 {
      %mul3A_107 = arith.constant 16 : i32
      %mul3A_108 = arith.muli %scan3A_105, %mul3A_107 : i32
      %swap3A = arith.index_cast %mul3A_108 : i32 to index
      %swap3A_109 = tpu.vector_load %arg5[%swap3A] {strides = array<i32>} : memref<65536xf32, #tpu.memory_space<vmem>>, vector<16xf32>,
      tpu.vector_store %arg5[%swap3A], %broadcast_in_dim3A_57 {strides = array<i32>} : memref<65536xf32, #tpu.memory_space<vmem>>, vector<16xf32>,
      %scan3A_110 = arith.constant 0 : i32
      scf.yield %scan3A_110 : i32
    }
    %scan3A_92 = arith.constant 4096 : i32
    %scan3A_93 = arith.constant 0 : i32
    %scan3A_94 = arith.constant 0 : i32
    %scan3A_95 = arith.constant 10 : i32
    %scan3A_96 = arith.addi %scan3A_94, %scan3A_95 : i32
    %scan3A_97 = arith.constant 1 : i32
    %scan3A_98 = scf.for %scan3A_105 = %scan3A_94 to %scan3A_96 step %scan3A_97 iter_args(%scan3A_106 = %scan3A_93) -> (i32)  : i32 {
      %mul3A_107 = arith.constant 8 : i32
      %mul3A_108 = arith.muli %scan3A_105, %mul3A_107 : i32
      %add3A_109 = arith.addi %mul3A_108, %select_n3A : i32
      %mul3A_110 = arith.constant 2000 : i32
      %mul3A_111 = arith.muli %add3A_109, %mul3A_110 : i32
      "tpu.region"() ({
        %run_scoped3A = tpu.sem_alloc : memref<!tpu.dma_semaphore, #tpu.memory_space<semaphore_mem>>
        %dma_start3A = tpu.memref_slice %arg2[%mul3A_111] : memref<160000xi32, #tpu.memory_space<hbm>> -> memref<2000xi32, #tpu.memory_space<hbm>>
        %dma_start3A_178 = tpu.memref_slice %arg2[%mul3A_111] : memref<160000xi32, #tpu.memory_space<hbm>> -> memref<2000xi32, #tpu.memory_space<hbm>>
        tpu.enqueue_dma source(%dma_start3A_178 : memref<2000xi32, #tpu.memory_space<hbm>>) target(%arg6 : memref<2000xi32, #tpu.memory_space<vmem>>) target_semaphore(%run_scoped3A : memref<!tpu.dma_semaphore, #tpu.memory_space<semaphore_mem>>)
        %dma_wait3A = tpu.memref_slice %arg2[%mul3A_111] : memref<160000xi32, #tpu.memory_space<hbm>> -> memref<2000xi32, #tpu.memory_space<hbm>>
        %dma_wait3A_179 = tpu.memref_slice %arg2[%mul3A_111] : memref<160000xi32, #tpu.memory_space<hbm>> -> memref<2000xi32, #tpu.memory_space<hbm>>
        tpu.wait_dma2 semaphore(%run_scoped3A : memref<!tpu.dma_semaphore, #tpu.memory_space<semaphore_mem>>) src(%dma_wait3A_179 : memref<2000xi32, #tpu.memory_space<hbm>>) dst(%arg6 : memref<2000xi32, #tpu.memory_space<vmem>>)
        tpu.yield
      }) : () -> ()
      %mul3A_112 = arith.constant 20000 : i32
      %mul3A_113 = arith.muli %select_n3A_54, %mul3A_112 : i32
      %mul3A_114 = arith.constant 2000 : i32
      %mul3A_115 = arith.muli %scan3A_105, %mul3A_114 : i32
      %add3A_116 = arith.addi %mul3A_113, %mul3A_115 : i32
      %scan3A_117 = arith.constant 0 : i32
      %scan3A_118 = arith.constant 0 : i32
      %scan3A_119 = arith.constant 125 : i32
      %scan3A_120 = arith.addi %scan3A_118, %scan3A_119 : i32
      %scan3A_121 = arith.constant 1 : i32
      %scan3A_122 = scf.for %scan3A_178 = %scan3A_118 to %scan3A_120 step %scan3A_121 iter_args(%scan3A_179 = %scan3A_117) -> (i32)  : i32 {
        %mul3A_180 = arith.constant 16 : i32
        %mul3A_181 = arith.muli %scan3A_178, %mul3A_180 : i32
        %get3A = arith.index_cast %mul3A_181 : i32 to index
        %get3A_182 = tpu.vector_load %arg6[%get3A] {strides = array<i32>} : memref<2000xi32, #tpu.memory_space<vmem>>, vector<16xi32>,
        %sub3A_183 = vector.broadcast %mul3A_85 : i32 to vector<16xi32>
        %sub3A_184 = arith.subi %get3A_182, %sub3A_183 : vector<16xi32>
        %ge3A = arith.constant 0 : i32
        %ge3A_185 = vector.broadcast %ge3A : i32 to vector<16xi32>
        %ge3A_186 = arith.cmpi sge, %sub3A_184, %ge3A_185 : vector<16xi32>
        %lt3A_187 = arith.constant 512 : i32
        %lt3A_188 = vector.broadcast %lt3A_187 : i32 to vector<16xi32>
        %lt3A_189 = arith.cmpi slt, %sub3A_184, %lt3A_188 : vector<16xi32>
        %and3A_190 = arith.andi %ge3A_186, %lt3A_189 : vector<16xi1>
        %convert_element_type3A_191 = arith.extui %and3A_190 : vector<16xi1> to vector<16xi32>
        %broadcast_in_dim3A_192 = arith.constant true
        %broadcast_in_dim3A_193 = vector.broadcast %broadcast_in_dim3A_192 : i1 to vector<16xi1>
        %masked_cumsum3A = tpu.scan <sum>, %convert_element_type3A_191 masked %broadcast_in_dim3A_193 : vector<16xi32>, vector<16xi1> -> vector<16xi32>
        %add3A_194 = vector.broadcast %scan3A_179 : i32 to vector<16xi32>
        %add3A_195 = arith.addi %add3A_194, %masked_cumsum3A : vector<16xi32>
        %sub3A_196 = arith.constant 1 : i32
        %sub3A_197 = vector.broadcast %sub3A_196 : i32 to vector<16xi32>
        %sub3A_198 = arith.subi %add3A_195, %sub3A_197 : vector<16xi32>
        %mul3A_199 = arith.constant 16 : i32
        %mul3A_200 = arith.muli %scan3A_178, %mul3A_199 : i32
        %add3A_201 = arith.addi %add3A_116, %mul3A_200 : i32
        %add3A_202 = vector.broadcast %add3A_201 : i32 to vector<16xi32>
        %add3A_203 = arith.addi %iota3A, %add3A_202 : vector<16xi32>
        tpu.vector_store_idx %arg7[%sub3A_198], %add3A_203 masked %and3A_190 : memref<2080xi32, #tpu.memory_space<vmem>>[vector<16xi32>], vector<16xi32>, vector<16xi1>
        tpu.vector_store_idx %arg8[%sub3A_198], %sub3A_184 masked %and3A_190 : memref<2080xi32, #tpu.memory_space<vmem>>[vector<16xi32>], vector<16xi32>, vector<16xi1>
        %slice3A = vector.extract_strided_slice %masked_cumsum3A {offsets = [15], sizes = [1], strides = [1]} : vector<16xi32> to vector<1xi32>
        %squeeze3A = vector.extract %slice3A[0] : i32 from vector<1xi32>
        %add3A_204 = arith.addi %scan3A_179, %squeeze3A : i32
        scf.yield %add3A_204 : i32
      }
      %scan3A_123 = arith.constant 125 : i32
      %add3A_124 = arith.constant 0 : i32
      %add3A_125 = arith.addi %scan3A_122, %add3A_124 : i32
      %add3A_126 = vector.broadcast %add3A_125 : i32 to vector<16xi32>
      %add3A_127 = arith.addi %add3A_126, %iota3A : vector<16xi32>
      %add3A_128 = vector.broadcast %add3A_116 : i32 to vector<16xi32>
      %add3A_129 = arith.addi %broadcast_in_dim3A_59, %add3A_128 : vector<16xi32>
      tpu.vector_store_idx %arg7[%add3A_127], %add3A_129 : memref<2080xi32, #tpu.memory_space<vmem>>[vector<16xi32>], vector<16xi32>,
      %add3A_130 = arith.constant 16 : i32
      %add3A_131 = arith.addi %scan3A_122, %add3A_130 : i32
      %add3A_132 = vector.broadcast %add3A_131 : i32 to vector<16xi32>
      %add3A_133 = arith.addi %add3A_132, %iota3A : vector<16xi32>
      %add3A_134 = vector.broadcast %add3A_116 : i32 to vector<16xi32>
      %add3A_135 = arith.addi %broadcast_in_dim3A_59, %add3A_134 : vector<16xi32>
      tpu.vector_store_idx %arg7[%add3A_133], %add3A_135 : memref<2080xi32, #tpu.memory_space<vmem>>[vector<16xi32>], vector<16xi32>,
      %add3A_136 = arith.constant 32 : i32
      %add3A_137 = arith.addi %scan3A_122, %add3A_136 : i32
      %sub3A_138 = arith.constant 1 : i32
      %sub3A_139 = arith.subi %add3A_137, %sub3A_138 : i32
      %jit3A_140 = arith.constant 32 : i32
      %div3A_141 = arith.divsi %sub3A_139, %jit3A_140 : i32
      %sign3A_142 = arith.constant 0 : i32
      %sign3A_143 = arith.cmpi sgt, %sub3A_139, %sign3A_142 : i32
      %sign3A_144 = arith.extui %sign3A_143 : i1 to i32
      %sign3A_145 = arith.constant 0 : i32
      %sign3A_146 = arith.cmpi slt, %sub3A_139, %sign3A_145 : i32
      %sign3A_147 = arith.extui %sign3A_146 : i1 to i32
      %sign3A_148 = arith.subi %sign3A_144, %sign3A_147 : i32
      %sign3A_149 = arith.constant 0 : i32
      %sign3A_150 = arith.cmpi sgt, %jit3A_140, %sign3A_149 : i32
      %sign3A_151 = arith.extui %sign3A_150 : i1 to i32
      %sign3A_152 = arith.constant 0 : i32
      %sign3A_153 = arith.cmpi slt, %jit3A_140, %sign3A_152 : i32
      %sign3A_154 = arith.extui %sign3A_153 : i1 to i32
      %sign3A_155 = arith.subi %sign3A_151, %sign3A_154 : i32
      %ne3A_156 = arith.cmpi ne, %sign3A_148, %sign3A_155 : i32
      %rem3A_157 = arith.remsi %sub3A_139, %jit3A_140 : i32
      %ne3A_158 = arith.constant 0 : i32
      %ne3A_159 = arith.cmpi ne, %rem3A_157, %ne3A_158 : i32
      %and3A_160 = arith.andi %ne3A_156, %ne3A_159 : i1
      %sub3A_161 = arith.constant 1 : i32
      %sub3A_162 = arith.subi %div3A_141, %sub3A_161 : i32
      %select_n3A_163 = arith.select %and3A_160, %sub3A_162, %div3A_141 : i32
      %gt3A = arith.constant 0 : i32
      %gt3A_164 = arith.cmpi sgt, %select_n3A_163, %gt3A : i32
      %convert_element_type3A = arith.extui %gt3A_164 : i1 to i32
      %cond3A = arith.constant 0 : i32
      %cond3A_165 = arith.cmpi ne, %convert_element_type3A, %cond3A : i32
      scf.if %cond3A_165 {
        %dma_start3A = arith.constant 0 : i32
        %dma_start3A_178 = arith.constant 0 : i32
        %dma_start3A_179 = tpu.memref_slice %arg9[%dma_start3A, %dma_start3A_178] : memref<64x128xf32, #tpu.memory_space<vmem>> -> memref<32x128xf32, #tpu.memory_space<vmem>>
        %dma_start3A_180 = arith.constant 0 : i32
        %dma_start3A_181 = tpu.memref_slice %arg7[%dma_start3A_180] : memref<2080xi32, #tpu.memory_space<vmem>> -> memref<32xi32, #tpu.memory_space<vmem>>
        %dma_start3A_182 = arith.constant 0 : i32
        %dma_start3A_183 = arith.constant 0 : i32
        %dma_start3A_184 = tpu.memref_slice %arg3[%dma_start3A_182, %dma_start3A_183] : memref<40000x128xf32, #tpu.memory_space<hbm>> -> memref<40000x128xf32, #tpu.memory_space<hbm>>
        tpu.enqueue_indirect_dma source(%dma_start3A_184 : memref<40000x128xf32, #tpu.memory_space<hbm>>) target(%dma_start3A_179 : memref<32x128xf32, #tpu.memory_space<vmem>>) offsets(%dma_start3A_181 : memref<32xi32, #tpu.memory_space<vmem>>) semaphore(%arg10 : memref<!tpu.dma_semaphore, #tpu.memory_space<semaphore_mem>>)
      } else {
      }
      %while3A = arith.constant 0 : i32
      %while3A_166 = arith.constant 0 : i32
      %while3A_167 = arith.subi %select_n3A_163, %while3A : i32
      %while3A_168 = arith.addi %while3A, %while3A_167 : i32
      %while3A_169 = arith.constant 1 : i32
      %while3A_170 = arith.divsi %while3A_167, %while3A_169 : i32
      %while3A_171 = arith.muli %while3A_170, %while3A_169 : i32
      %while3A_172 = arith.addi %while3A, %while3A_171 : i32
      %while3A_173 = arith.constant 1 : i32
      %while3A_174 = scf.for %while3A_178 = %while3A to %while3A_172 step %while3A_173 iter_args(%while3A_179 = %while3A_166) -> (i32)  : i32 {
        %add3A_180 = arith.constant 1 : i32
        %add3A_181 = arith.addi %while3A_178, %add3A_180 : i32
        %lt3A_182 = arith.cmpi slt, %add3A_181, %select_n3A_163 : i32
        %convert_element_type3A_183 = arith.extui %lt3A_182 : i1 to i32
        %cond3A_184 = arith.constant 0 : i32
        %cond3A_185 = arith.cmpi ne, %convert_element_type3A_183, %cond3A_184 : i32
        scf.if %cond3A_185 {
          %add3A_246 = arith.constant 1 : i32
          %add3A_247 = arith.addi %while3A_178, %add3A_246 : i32
          %mul3A_248 = arith.constant 32 : i32
          %mul3A_249 = arith.muli %add3A_247, %mul3A_248 : i32
          %jit3A_250 = arith.constant 2 : i32
          %eq3A_251 = arith.constant 0 : i32
          %eq3A_252 = arith.cmpi eq, %jit3A_250, %eq3A_251 : i32
          %jit3A_253 = arith.constant 1 : i32
          %select_n3A_254 = arith.select %eq3A_252, %jit3A_253, %jit3A_250 : i32
          %rem3A_255 = arith.remsi %add3A_247, %select_n3A_254 : i32
          %ne3A_256 = arith.constant 0 : i32
          %ne3A_257 = arith.cmpi ne, %rem3A_255, %ne3A_256 : i32
          %lt3A_258 = arith.constant 0 : i32
          %lt3A_259 = arith.cmpi slt, %rem3A_255, %lt3A_258 : i32
          %lt3A_260 = arith.constant 0 : i32
          %lt3A_261 = arith.cmpi slt, %select_n3A_254, %lt3A_260 : i32
          %ne3A_262 = arith.xori %lt3A_259, %lt3A_261 : i1
          %and3A_263 = arith.andi %ne3A_262, %ne3A_257 : i1
          %add3A_264 = arith.addi %rem3A_255, %select_n3A_254 : i32
          %select_n3A_265 = arith.select %and3A_263, %add3A_264, %rem3A_255 : i32
          %mul3A_266 = arith.constant 32 : i32
          %mul3A_267 = arith.muli %select_n3A_265, %mul3A_266 : i32
          %dma_start3A = arith.constant 0 : i32
          %dma_start3A_268 = tpu.memref_slice %arg9[%mul3A_267, %dma_start3A] : memref<64x128xf32, #tpu.memory_space<vmem>> -> memref<32x128xf32, #tpu.memory_space<vmem>>
          %dma_start3A_269 = tpu.memref_slice %arg7[%mul3A_249] : memref<2080xi32, #tpu.memory_space<vmem>> -> memref<32xi32, #tpu.memory_space<vmem>>
          %dma_start3A_270 = arith.constant 0 : i32
          %dma_start3A_271 = arith.constant 0 : i32
          %dma_start3A_272 = tpu.memref_slice %arg3[%dma_start3A_270, %dma_start3A_271] : memref<40000x128xf32, #tpu.memory_space<hbm>> -> memref<40000x128xf32, #tpu.memory_space<hbm>>
          tpu.enqueue_indirect_dma source(%dma_start3A_272 : memref<40000x128xf32, #tpu.memory_space<hbm>>) target(%dma_start3A_268 : memref<32x128xf32, #tpu.memory_space<vmem>>) offsets(%dma_start3A_269 : memref<32xi32, #tpu.memory_space<vmem>>) semaphore(%arg10 : memref<!tpu.dma_semaphore, #tpu.memory_space<semaphore_mem>>)
        } else {
        }
        %mul3A_186 = arith.constant 32 : i32
        %mul3A_187 = arith.muli %while3A_178, %mul3A_186 : i32
        %jit3A_188 = arith.constant 2 : i32
        %eq3A_189 = arith.constant 0 : i32
        %eq3A_190 = arith.cmpi eq, %jit3A_188, %eq3A_189 : i32
        %jit3A_191 = arith.constant 1 : i32
        %select_n3A_192 = arith.select %eq3A_190, %jit3A_191, %jit3A_188 : i32
        %rem3A_193 = arith.remsi %while3A_178, %select_n3A_192 : i32
        %ne3A_194 = arith.constant 0 : i32
        %ne3A_195 = arith.cmpi ne, %rem3A_193, %ne3A_194 : i32
        %lt3A_196 = arith.constant 0 : i32
        %lt3A_197 = arith.cmpi slt, %rem3A_193, %lt3A_196 : i32
        %lt3A_198 = arith.constant 0 : i32
        %lt3A_199 = arith.cmpi slt, %select_n3A_192, %lt3A_198 : i32
        %ne3A_200 = arith.xori %lt3A_197, %lt3A_199 : i1
        %and3A_201 = arith.andi %ne3A_200, %ne3A_195 : i1
        %add3A_202 = arith.addi %rem3A_193, %select_n3A_192 : i32
        %select_n3A_203 = arith.select %and3A_201, %add3A_202, %rem3A_193 : i32
        %mul3A_204 = arith.constant 32 : i32
        %mul3A_205 = arith.muli %select_n3A_203, %mul3A_204 : i32
        %dma_wait3A = arith.constant 0 : i32
        %dma_wait3A_206 = tpu.memref_slice %arg9[%mul3A_205, %dma_wait3A] : memref<64x128xf32, #tpu.memory_space<vmem>> -> memref<32x128xf32, #tpu.memory_space<vmem>>
        %dma_wait3A_207 = tpu.memref_slice %arg7[%mul3A_187] : memref<2080xi32, #tpu.memory_space<vmem>> -> memref<32xi32, #tpu.memory_space<vmem>>
        %dma_wait3A_208 = arith.constant 0 : i32
        %dma_wait3A_209 = arith.constant 0 : i32
        %dma_wait3A_210 = tpu.memref_slice %arg3[%dma_wait3A_208, %dma_wait3A_209] : memref<40000x128xf32, #tpu.memory_space<hbm>> -> memref<40000x128xf32, #tpu.memory_space<hbm>>
        tpu.wait_indirect_dma semaphore(%arg10 : memref<!tpu.dma_semaphore, #tpu.memory_space<semaphore_mem>>) src(%dma_wait3A_210 : memref<40000x128xf32, #tpu.memory_space<hbm>>) dst(%dma_wait3A_206 : memref<32x128xf32, #tpu.memory_space<vmem>>)
        %mul3A_211 = arith.constant 32 : i32
        %mul3A_212 = arith.muli %while3A_178, %mul3A_211 : i32
        %sub3A_213 = arith.subi %scan3A_122, %mul3A_212 : i32
        %min3A = arith.constant 32 : i32
        %min3A_214 = arith.minsi %min3A, %sub3A_213 : i32
        %jit3A_215 = arith.constant 2 : i32
        %eq3A_216 = arith.constant 0 : i32
        %eq3A_217 = arith.cmpi eq, %jit3A_215, %eq3A_216 : i32
        %jit3A_218 = arith.constant 1 : i32
        %select_n3A_219 = arith.select %eq3A_217, %jit3A_218, %jit3A_215 : i32
        %rem3A_220 = arith.remsi %while3A_178, %select_n3A_219 : i32
        %ne3A_221 = arith.constant 0 : i32
        %ne3A_222 = arith.cmpi ne, %rem3A_220, %ne3A_221 : i32
        %lt3A_223 = arith.constant 0 : i32
        %lt3A_224 = arith.cmpi slt, %rem3A_220, %lt3A_223 : i32
        %lt3A_225 = arith.constant 0 : i32
        %lt3A_226 = arith.cmpi slt, %select_n3A_219, %lt3A_225 : i32
        %ne3A_227 = arith.xori %lt3A_224, %lt3A_226 : i1
        %and3A_228 = arith.andi %ne3A_227, %ne3A_222 : i1
        %add3A_229 = arith.addi %rem3A_220, %select_n3A_219 : i32
        %select_n3A_230 = arith.select %and3A_228, %add3A_229, %rem3A_220 : i32
        %mul3A_231 = arith.constant 32 : i32
        %mul3A_232 = arith.muli %select_n3A_230, %mul3A_231 : i32
        %while3A_233 = arith.constant 0 : i32
        %while3A_234 = arith.constant 0 : i32
        %while3A_235 = arith.subi %min3A_214, %while3A_233 : i32
        %while3A_236 = arith.addi %while3A_233, %while3A_235 : i32
        %while3A_237 = arith.constant 1 : i32
        %while3A_238 = arith.divsi %while3A_235, %while3A_237 : i32
        %while3A_239 = arith.muli %while3A_238, %while3A_237 : i32
        %while3A_240 = arith.addi %while3A_233, %while3A_239 : i32
        %while3A_241 = arith.constant 1 : i32
        %while3A_242 = scf.for %while3A_246 = %while3A_233 to %while3A_240 step %while3A_241 iter_args(%while3A_247 = %while3A_234) -> (i32)  : i32 {
          %mul3A_248 = arith.constant 32 : i32
          %mul3A_249 = arith.muli %while3A_178, %mul3A_248 : i32
          %add3A_250 = arith.addi %mul3A_249, %while3A_246 : i32
          %get3A = arith.index_cast %add3A_250 : i32 to index
          %get3A_251 = tpu.vector_load %arg8[%get3A] {strides = array<i32>} : memref<2080xi32, #tpu.memory_space<vmem>>, vector<16xi32>,
          %slice3A = vector.extract_strided_slice %get3A_251 {offsets = [0], sizes = [1], strides = [1]} : vector<16xi32> to vector<1xi32>
          %squeeze3A = vector.extract %slice3A[0] : i32 from vector<1xi32>
          %mul3A_252 = arith.constant 128 : i32
          %mul3A_253 = arith.muli %squeeze3A, %mul3A_252 : i32
          %add3A_254 = arith.constant 0 : i32
          %add3A_255 = arith.addi %mul3A_253, %add3A_254 : i32
          %get3A_256 = arith.index_cast %add3A_255 : i32 to index
          %get3A_257 = tpu.vector_load %arg5[%get3A_256] {strides = array<i32>} : memref<65536xf32, #tpu.memory_space<vmem>>, vector<16xf32>,
          %add3A_258 = arith.addi %mul3A_232, %while3A_246 : i32
          %get3A_259 = arith.index_cast %add3A_258 : i32 to index
          %get3A_260 = arith.constant 0 : index
          %get3A_261 = tpu.vector_load %arg9[%get3A_259, %get3A_260] {strides = array<i32>} : memref<64x128xf32, #tpu.memory_space<vmem>>, vector<16xf32>,
          %max3A = arith.maximumf %get3A_257, %get3A_261 : vector<16xf32>
          %add3A_262 = arith.constant 0 : i32
          %add3A_263 = arith.addi %mul3A_253, %add3A_262 : i32
          %swap3A = arith.index_cast %add3A_263 : i32 to index
          %swap3A_264 = tpu.vector_load %arg5[%swap3A] {strides = array<i32>} : memref<65536xf32, #tpu.memory_space<vmem>>, vector<16xf32>,
          tpu.vector_store %arg5[%swap3A], %max3A {strides = array<i32>} : memref<65536xf32, #tpu.memory_space<vmem>>, vector<16xf32>,
          %add3A_265 = arith.constant 16 : i32
          %add3A_266 = arith.addi %mul3A_253, %add3A_265 : i32
          %get3A_267 = arith.index_cast %add3A_266 : i32 to index
          %get3A_268 = tpu.vector_load %arg5[%get3A_267] {strides = array<i32>} : memref<65536xf32, #tpu.memory_space<vmem>>, vector<16xf32>,
          %add3A_269 = arith.addi %mul3A_232, %while3A_246 : i32
          %get3A_270 = arith.index_cast %add3A_269 : i32 to index
          %get3A_271 = arith.constant 16 : index
          %get3A_272 = tpu.vector_load %arg9[%get3A_270, %get3A_271] {strides = array<i32>} : memref<64x128xf32, #tpu.memory_space<vmem>>, vector<16xf32>,
          %max3A_273 = arith.maximumf %get3A_268, %get3A_272 : vector<16xf32>
          %add3A_274 = arith.constant 16 : i32
          %add3A_275 = arith.addi %mul3A_253, %add3A_274 : i32
          %swap3A_276 = arith.index_cast %add3A_275 : i32 to index
          %swap3A_277 = tpu.vector_load %arg5[%swap3A_276] {strides = array<i32>} : memref<65536xf32, #tpu.memory_space<vmem>>, vector<16xf32>,
          tpu.vector_store %arg5[%swap3A_276], %max3A_273 {strides = array<i32>} : memref<65536xf32, #tpu.memory_space<vmem>>, vector<16xf32>,
          %add3A_278 = arith.constant 32 : i32
          %add3A_279 = arith.addi %mul3A_253, %add3A_278 : i32
          %get3A_280 = arith.index_cast %add3A_279 : i32 to index
          %get3A_281 = tpu.vector_load %arg5[%get3A_280] {strides = array<i32>} : memref<65536xf32, #tpu.memory_space<vmem>>, vector<16xf32>,
          %add3A_282 = arith.addi %mul3A_232, %while3A_246 : i32
          %get3A_283 = arith.index_cast %add3A_282 : i32 to index
          %get3A_284 = arith.constant 32 : index
          %get3A_285 = tpu.vector_load %arg9[%get3A_283, %get3A_284] {strides = array<i32>} : memref<64x128xf32, #tpu.memory_space<vmem>>, vector<16xf32>,
          %max3A_286 = arith.maximumf %get3A_281, %get3A_285 : vector<16xf32>
          %add3A_287 = arith.constant 32 : i32
          %add3A_288 = arith.addi %mul3A_253, %add3A_287 : i32
          %swap3A_289 = arith.index_cast %add3A_288 : i32 to index
          %swap3A_290 = tpu.vector_load %arg5[%swap3A_289] {strides = array<i32>} : memref<65536xf32, #tpu.memory_space<vmem>>, vector<16xf32>,
          tpu.vector_store %arg5[%swap3A_289], %max3A_286 {strides = array<i32>} : memref<65536xf32, #tpu.memory_space<vmem>>, vector<16xf32>,
          %add3A_291 = arith.constant 48 : i32
          %add3A_292 = arith.addi %mul3A_253, %add3A_291 : i32
          %get3A_293 = arith.index_cast %add3A_292 : i32 to index
          %get3A_294 = tpu.vector_load %arg5[%get3A_293] {strides = array<i32>} : memref<65536xf32, #tpu.memory_space<vmem>>, vector<16xf32>,
          %add3A_295 = arith.addi %mul3A_232, %while3A_246 : i32
          %get3A_296 = arith.index_cast %add3A_295 : i32 to index
          %get3A_297 = arith.constant 48 : index
          %get3A_298 = tpu.vector_load %arg9[%get3A_296, %get3A_297] {strides = array<i32>} : memref<64x128xf32, #tpu.memory_space<vmem>>, vector<16xf32>,
          %max3A_299 = arith.maximumf %get3A_294, %get3A_298 : vector<16xf32>
          %add3A_300 = arith.constant 48 : i32
          %add3A_301 = arith.addi %mul3A_253, %add3A_300 : i32
          %swap3A_302 = arith.index_cast %add3A_301 : i32 to index
          %swap3A_303 = tpu.vector_load %arg5[%swap3A_302] {strides = array<i32>} : memref<65536xf32, #tpu.memory_space<vmem>>, vector<16xf32>,
          tpu.vector_store %arg5[%swap3A_302], %max3A_299 {strides = array<i32>} : memref<65536xf32, #tpu.memory_space<vmem>>, vector<16xf32>,
          %add3A_304 = arith.constant 64 : i32
          %add3A_305 = arith.addi %mul3A_253, %add3A_304 : i32
          %get3A_306 = arith.index_cast %add3A_305 : i32 to index
          %get3A_307 = tpu.vector_load %arg5[%get3A_306] {strides = array<i32>} : memref<65536xf32, #tpu.memory_space<vmem>>, vector<16xf32>,
          %add3A_308 = arith.addi %mul3A_232, %while3A_246 : i32
          %get3A_309 = arith.index_cast %add3A_308 : i32 to index
          %get3A_310 = arith.constant 64 : index
          %get3A_311 = tpu.vector_load %arg9[%get3A_309, %get3A_310] {strides = array<i32>} : memref<64x128xf32, #tpu.memory_space<vmem>>, vector<16xf32>,
          %max3A_312 = arith.maximumf %get3A_307, %get3A_311 : vector<16xf32>
          %add3A_313 = arith.constant 64 : i32
          %add3A_314 = arith.addi %mul3A_253, %add3A_313 : i32
          %swap3A_315 = arith.index_cast %add3A_314 : i32 to index
          %swap3A_316 = tpu.vector_load %arg5[%swap3A_315] {strides = array<i32>} : memref<65536xf32, #tpu.memory_space<vmem>>, vector<16xf32>,
          tpu.vector_store %arg5[%swap3A_315], %max3A_312 {strides = array<i32>} : memref<65536xf32, #tpu.memory_space<vmem>>, vector<16xf32>,
          %add3A_317 = arith.constant 80 : i32
          %add3A_318 = arith.addi %mul3A_253, %add3A_317 : i32
          %get3A_319 = arith.index_cast %add3A_318 : i32 to index
          %get3A_320 = tpu.vector_load %arg5[%get3A_319] {strides = array<i32>} : memref<65536xf32, #tpu.memory_space<vmem>>, vector<16xf32>,
          %add3A_321 = arith.addi %mul3A_232, %while3A_246 : i32
          %get3A_322 = arith.index_cast %add3A_321 : i32 to index
          %get3A_323 = arith.constant 80 : index
          %get3A_324 = tpu.vector_load %arg9[%get3A_322, %get3A_323] {strides = array<i32>} : memref<64x128xf32, #tpu.memory_space<vmem>>, vector<16xf32>,
          %max3A_325 = arith.maximumf %get3A_320, %get3A_324 : vector<16xf32>
          %add3A_326 = arith.constant 80 : i32
          %add3A_327 = arith.addi %mul3A_253, %add3A_326 : i32
          %swap3A_328 = arith.index_cast %add3A_327 : i32 to index
          %swap3A_329 = tpu.vector_load %arg5[%swap3A_328] {strides = array<i32>} : memref<65536xf32, #tpu.memory_space<vmem>>, vector<16xf32>,
          tpu.vector_store %arg5[%swap3A_328], %max3A_325 {strides = array<i32>} : memref<65536xf32, #tpu.memory_space<vmem>>, vector<16xf32>,
          %add3A_330 = arith.constant 96 : i32
          %add3A_331 = arith.addi %mul3A_253, %add3A_330 : i32
          %get3A_332 = arith.index_cast %add3A_331 : i32 to index
          %get3A_333 = tpu.vector_load %arg5[%get3A_332] {strides = array<i32>} : memref<65536xf32, #tpu.memory_space<vmem>>, vector<16xf32>,
          %add3A_334 = arith.addi %mul3A_232, %while3A_246 : i32
          %get3A_335 = arith.index_cast %add3A_334 : i32 to index
          %get3A_336 = arith.constant 96 : index
          %get3A_337 = tpu.vector_load %arg9[%get3A_335, %get3A_336] {strides = array<i32>} : memref<64x128xf32, #tpu.memory_space<vmem>>, vector<16xf32>,
          %max3A_338 = arith.maximumf %get3A_333, %get3A_337 : vector<16xf32>
          %add3A_339 = arith.constant 96 : i32
          %add3A_340 = arith.addi %mul3A_253, %add3A_339 : i32
          %swap3A_341 = arith.index_cast %add3A_340 : i32 to index
          %swap3A_342 = tpu.vector_load %arg5[%swap3A_341] {strides = array<i32>} : memref<65536xf32, #tpu.memory_space<vmem>>, vector<16xf32>,
          tpu.vector_store %arg5[%swap3A_341], %max3A_338 {strides = array<i32>} : memref<65536xf32, #tpu.memory_space<vmem>>, vector<16xf32>,
          %add3A_343 = arith.constant 112 : i32
          %add3A_344 = arith.addi %mul3A_253, %add3A_343 : i32
          %get3A_345 = arith.index_cast %add3A_344 : i32 to index
          %get3A_346 = tpu.vector_load %arg5[%get3A_345] {strides = array<i32>} : memref<65536xf32, #tpu.memory_space<vmem>>, vector<16xf32>,
          %add3A_347 = arith.addi %mul3A_232, %while3A_246 : i32
          %get3A_348 = arith.index_cast %add3A_347 : i32 to index
          %get3A_349 = arith.constant 112 : index
          %get3A_350 = tpu.vector_load %arg9[%get3A_348, %get3A_349] {strides = array<i32>} : memref<64x128xf32, #tpu.memory_space<vmem>>, vector<16xf32>,
          %max3A_351 = arith.maximumf %get3A_346, %get3A_350 : vector<16xf32>
          %add3A_352 = arith.constant 112 : i32
          %add3A_353 = arith.addi %mul3A_253, %add3A_352 : i32
          %swap3A_354 = arith.index_cast %add3A_353 : i32 to index
          %swap3A_355 = tpu.vector_load %arg5[%swap3A_354] {strides = array<i32>} : memref<65536xf32, #tpu.memory_space<vmem>>, vector<16xf32>,
          tpu.vector_store %arg5[%swap3A_354], %max3A_351 {strides = array<i32>} : memref<65536xf32, #tpu.memory_space<vmem>>, vector<16xf32>,
          %while3A_356 = arith.constant 0 : i32
          scf.yield %while3A_356 : i32
        }
        %while3A_243 = arith.constant 1 : i32
        %while3A_244 = scf.for %while3A_246 = %while3A_240 to %while3A_236 step %while3A_243 iter_args(%while3A_247 = %while3A_242) -> (i32)  : i32 {
          %mul3A_248 = arith.constant 32 : i32
          %mul3A_249 = arith.muli %while3A_178, %mul3A_248 : i32
          %add3A_250 = arith.addi %mul3A_249, %while3A_246 : i32
          %get3A = arith.index_cast %add3A_250 : i32 to index
          %get3A_251 = tpu.vector_load %arg8[%get3A] {strides = array<i32>} : memref<2080xi32, #tpu.memory_space<vmem>>, vector<16xi32>,
          %slice3A = vector.extract_strided_slice %get3A_251 {offsets = [0], sizes = [1], strides = [1]} : vector<16xi32> to vector<1xi32>
          %squeeze3A = vector.extract %slice3A[0] : i32 from vector<1xi32>
          %mul3A_252 = arith.constant 128 : i32
          %mul3A_253 = arith.muli %squeeze3A, %mul3A_252 : i32
          %add3A_254 = arith.constant 0 : i32
          %add3A_255 = arith.addi %mul3A_253, %add3A_254 : i32
          %get3A_256 = arith.index_cast %add3A_255 : i32 to index
          %get3A_257 = tpu.vector_load %arg5[%get3A_256] {strides = array<i32>} : memref<65536xf32, #tpu.memory_space<vmem>>, vector<16xf32>,
          %add3A_258 = arith.addi %mul3A_232, %while3A_246 : i32
          %get3A_259 = arith.index_cast %add3A_258 : i32 to index
          %get3A_260 = arith.constant 0 : index
          %get3A_261 = tpu.vector_load %arg9[%get3A_259, %get3A_260] {strides = array<i32>} : memref<64x128xf32, #tpu.memory_space<vmem>>, vector<16xf32>,
          %max3A = arith.maximumf %get3A_257, %get3A_261 : vector<16xf32>
          %add3A_262 = arith.constant 0 : i32
          %add3A_263 = arith.addi %mul3A_253, %add3A_262 : i32
          %swap3A = arith.index_cast %add3A_263 : i32 to index
          %swap3A_264 = tpu.vector_load %arg5[%swap3A] {strides = array<i32>} : memref<65536xf32, #tpu.memory_space<vmem>>, vector<16xf32>,
          tpu.vector_store %arg5[%swap3A], %max3A {strides = array<i32>} : memref<65536xf32, #tpu.memory_space<vmem>>, vector<16xf32>,
          %add3A_265 = arith.constant 16 : i32
          %add3A_266 = arith.addi %mul3A_253, %add3A_265 : i32
          %get3A_267 = arith.index_cast %add3A_266 : i32 to index
          %get3A_268 = tpu.vector_load %arg5[%get3A_267] {strides = array<i32>} : memref<65536xf32, #tpu.memory_space<vmem>>, vector<16xf32>,
          %add3A_269 = arith.addi %mul3A_232, %while3A_246 : i32
          %get3A_270 = arith.index_cast %add3A_269 : i32 to index
          %get3A_271 = arith.constant 16 : index
          %get3A_272 = tpu.vector_load %arg9[%get3A_270, %get3A_271] {strides = array<i32>} : memref<64x128xf32, #tpu.memory_space<vmem>>, vector<16xf32>,
          %max3A_273 = arith.maximumf %get3A_268, %get3A_272 : vector<16xf32>
          %add3A_274 = arith.constant 16 : i32
          %add3A_275 = arith.addi %mul3A_253, %add3A_274 : i32
          %swap3A_276 = arith.index_cast %add3A_275 : i32 to index
          %swap3A_277 = tpu.vector_load %arg5[%swap3A_276] {strides = array<i32>} : memref<65536xf32, #tpu.memory_space<vmem>>, vector<16xf32>,
          tpu.vector_store %arg5[%swap3A_276], %max3A_273 {strides = array<i32>} : memref<65536xf32, #tpu.memory_space<vmem>>, vector<16xf32>,
          %add3A_278 = arith.constant 32 : i32
          %add3A_279 = arith.addi %mul3A_253, %add3A_278 : i32
          %get3A_280 = arith.index_cast %add3A_279 : i32 to index
          %get3A_281 = tpu.vector_load %arg5[%get3A_280] {strides = array<i32>} : memref<65536xf32, #tpu.memory_space<vmem>>, vector<16xf32>,
          %add3A_282 = arith.addi %mul3A_232, %while3A_246 : i32
          %get3A_283 = arith.index_cast %add3A_282 : i32 to index
          %get3A_284 = arith.constant 32 : index
          %get3A_285 = tpu.vector_load %arg9[%get3A_283, %get3A_284] {strides = array<i32>} : memref<64x128xf32, #tpu.memory_space<vmem>>, vector<16xf32>,
          %max3A_286 = arith.maximumf %get3A_281, %get3A_285 : vector<16xf32>
          %add3A_287 = arith.constant 32 : i32
          %add3A_288 = arith.addi %mul3A_253, %add3A_287 : i32
          %swap3A_289 = arith.index_cast %add3A_288 : i32 to index
          %swap3A_290 = tpu.vector_load %arg5[%swap3A_289] {strides = array<i32>} : memref<65536xf32, #tpu.memory_space<vmem>>, vector<16xf32>,
          tpu.vector_store %arg5[%swap3A_289], %max3A_286 {strides = array<i32>} : memref<65536xf32, #tpu.memory_space<vmem>>, vector<16xf32>,
          %add3A_291 = arith.constant 48 : i32
          %add3A_292 = arith.addi %mul3A_253, %add3A_291 : i32
          %get3A_293 = arith.index_cast %add3A_292 : i32 to index
          %get3A_294 = tpu.vector_load %arg5[%get3A_293] {strides = array<i32>} : memref<65536xf32, #tpu.memory_space<vmem>>, vector<16xf32>,
          %add3A_295 = arith.addi %mul3A_232, %while3A_246 : i32
          %get3A_296 = arith.index_cast %add3A_295 : i32 to index
          %get3A_297 = arith.constant 48 : index
          %get3A_298 = tpu.vector_load %arg9[%get3A_296, %get3A_297] {strides = array<i32>} : memref<64x128xf32, #tpu.memory_space<vmem>>, vector<16xf32>,
          %max3A_299 = arith.maximumf %get3A_294, %get3A_298 : vector<16xf32>
          %add3A_300 = arith.constant 48 : i32
          %add3A_301 = arith.addi %mul3A_253, %add3A_300 : i32
          %swap3A_302 = arith.index_cast %add3A_301 : i32 to index
          %swap3A_303 = tpu.vector_load %arg5[%swap3A_302] {strides = array<i32>} : memref<65536xf32, #tpu.memory_space<vmem>>, vector<16xf32>,
          tpu.vector_store %arg5[%swap3A_302], %max3A_299 {strides = array<i32>} : memref<65536xf32, #tpu.memory_space<vmem>>, vector<16xf32>,
          %add3A_304 = arith.constant 64 : i32
          %add3A_305 = arith.addi %mul3A_253, %add3A_304 : i32
          %get3A_306 = arith.index_cast %add3A_305 : i32 to index
          %get3A_307 = tpu.vector_load %arg5[%get3A_306] {strides = array<i32>} : memref<65536xf32, #tpu.memory_space<vmem>>, vector<16xf32>,
          %add3A_308 = arith.addi %mul3A_232, %while3A_246 : i32
          %get3A_309 = arith.index_cast %add3A_308 : i32 to index
          %get3A_310 = arith.constant 64 : index
          %get3A_311 = tpu.vector_load %arg9[%get3A_309, %get3A_310] {strides = array<i32>} : memref<64x128xf32, #tpu.memory_space<vmem>>, vector<16xf32>,
          %max3A_312 = arith.maximumf %get3A_307, %get3A_311 : vector<16xf32>
          %add3A_313 = arith.constant 64 : i32
          %add3A_314 = arith.addi %mul3A_253, %add3A_313 : i32
          %swap3A_315 = arith.index_cast %add3A_314 : i32 to index
          %swap3A_316 = tpu.vector_load %arg5[%swap3A_315] {strides = array<i32>} : memref<65536xf32, #tpu.memory_space<vmem>>, vector<16xf32>,
          tpu.vector_store %arg5[%swap3A_315], %max3A_312 {strides = array<i32>} : memref<65536xf32, #tpu.memory_space<vmem>>, vector<16xf32>,
          %add3A_317 = arith.constant 80 : i32
          %add3A_318 = arith.addi %mul3A_253, %add3A_317 : i32
          %get3A_319 = arith.index_cast %add3A_318 : i32 to index
          %get3A_320 = tpu.vector_load %arg5[%get3A_319] {strides = array<i32>} : memref<65536xf32, #tpu.memory_space<vmem>>, vector<16xf32>,
          %add3A_321 = arith.addi %mul3A_232, %while3A_246 : i32
          %get3A_322 = arith.index_cast %add3A_321 : i32 to index
          %get3A_323 = arith.constant 80 : index
          %get3A_324 = tpu.vector_load %arg9[%get3A_322, %get3A_323] {strides = array<i32>} : memref<64x128xf32, #tpu.memory_space<vmem>>, vector<16xf32>,
          %max3A_325 = arith.maximumf %get3A_320, %get3A_324 : vector<16xf32>
          %add3A_326 = arith.constant 80 : i32
          %add3A_327 = arith.addi %mul3A_253, %add3A_326 : i32
          %swap3A_328 = arith.index_cast %add3A_327 : i32 to index
          %swap3A_329 = tpu.vector_load %arg5[%swap3A_328] {strides = array<i32>} : memref<65536xf32, #tpu.memory_space<vmem>>, vector<16xf32>,
          tpu.vector_store %arg5[%swap3A_328], %max3A_325 {strides = array<i32>} : memref<65536xf32, #tpu.memory_space<vmem>>, vector<16xf32>,
          %add3A_330 = arith.constant 96 : i32
          %add3A_331 = arith.addi %mul3A_253, %add3A_330 : i32
          %get3A_332 = arith.index_cast %add3A_331 : i32 to index
          %get3A_333 = tpu.vector_load %arg5[%get3A_332] {strides = array<i32>} : memref<65536xf32, #tpu.memory_space<vmem>>, vector<16xf32>,
          %add3A_334 = arith.addi %mul3A_232, %while3A_246 : i32
          %get3A_335 = arith.index_cast %add3A_334 : i32 to index
          %get3A_336 = arith.constant 96 : index
          %get3A_337 = tpu.vector_load %arg9[%get3A_335, %get3A_336] {strides = array<i32>} : memref<64x128xf32, #tpu.memory_space<vmem>>, vector<16xf32>,
          %max3A_338 = arith.maximumf %get3A_333, %get3A_337 : vector<16xf32>
          %add3A_339 = arith.constant 96 : i32
          %add3A_340 = arith.addi %mul3A_253, %add3A_339 : i32
          %swap3A_341 = arith.index_cast %add3A_340 : i32 to index
          %swap3A_342 = tpu.vector_load %arg5[%swap3A_341] {strides = array<i32>} : memref<65536xf32, #tpu.memory_space<vmem>>, vector<16xf32>,
          tpu.vector_store %arg5[%swap3A_341], %max3A_338 {strides = array<i32>} : memref<65536xf32, #tpu.memory_space<vmem>>, vector<16xf32>,
          %add3A_343 = arith.constant 112 : i32
          %add3A_344 = arith.addi %mul3A_253, %add3A_343 : i32
          %get3A_345 = arith.index_cast %add3A_344 : i32 to index
          %get3A_346 = tpu.vector_load %arg5[%get3A_345] {strides = array<i32>} : memref<65536xf32, #tpu.memory_space<vmem>>, vector<16xf32>,
          %add3A_347 = arith.addi %mul3A_232, %while3A_246 : i32
          %get3A_348 = arith.index_cast %add3A_347 : i32 to index
          %get3A_349 = arith.constant 112 : index
          %get3A_350 = tpu.vector_load %arg9[%get3A_348, %get3A_349] {strides = array<i32>} : memref<64x128xf32, #tpu.memory_space<vmem>>, vector<16xf32>,
          %max3A_351 = arith.maximumf %get3A_346, %get3A_350 : vector<16xf32>
          %add3A_352 = arith.constant 112 : i32
          %add3A_353 = arith.addi %mul3A_253, %add3A_352 : i32
          %swap3A_354 = arith.index_cast %add3A_353 : i32 to index
          %swap3A_355 = tpu.vector_load %arg5[%swap3A_354] {strides = array<i32>} : memref<65536xf32, #tpu.memory_space<vmem>>, vector<16xf32>,
          tpu.vector_store %arg5[%swap3A_354], %max3A_351 {strides = array<i32>} : memref<65536xf32, #tpu.memory_space<vmem>>, vector<16xf32>,
          %while3A_356 = arith.constant 0 : i32
          scf.yield %while3A_356 : i32
        }
        %while3A_245 = arith.constant 0 : i32
        scf.yield %while3A_245 : i32
      }
      %while3A_175 = arith.constant 1 : i32
      %while3A_176 = scf.for %while3A_178 = %while3A_172 to %while3A_168 step %while3A_175 iter_args(%while3A_179 = %while3A_174) -> (i32)  : i32 {
        %add3A_180 = arith.constant 1 : i32
        %add3A_181 = arith.addi %while3A_178, %add3A_180 : i32
        %lt3A_182 = arith.cmpi slt, %add3A_181, %select_n3A_163 : i32
        %convert_element_type3A_183 = arith.extui %lt3A_182 : i1 to i32
        %cond3A_184 = arith.constant 0 : i32
        %cond3A_185 = arith.cmpi ne, %convert_element_type3A_183, %cond3A_184 : i32
        scf.if %cond3A_185 {
          %add3A_246 = arith.constant 1 : i32
          %add3A_247 = arith.addi %while3A_178, %add3A_246 : i32
          %mul3A_248 = arith.constant 32 : i32
          %mul3A_249 = arith.muli %add3A_247, %mul3A_248 : i32
          %jit3A_250 = arith.constant 2 : i32
          %eq3A_251 = arith.constant 0 : i32
          %eq3A_252 = arith.cmpi eq, %jit3A_250, %eq3A_251 : i32
          %jit3A_253 = arith.constant 1 : i32
          %select_n3A_254 = arith.select %eq3A_252, %jit3A_253, %jit3A_250 : i32
          %rem3A_255 = arith.remsi %add3A_247, %select_n3A_254 : i32
          %ne3A_256 = arith.constant 0 : i32
          %ne3A_257 = arith.cmpi ne, %rem3A_255, %ne3A_256 : i32
          %lt3A_258 = arith.constant 0 : i32
          %lt3A_259 = arith.cmpi slt, %rem3A_255, %lt3A_258 : i32
          %lt3A_260 = arith.constant 0 : i32
          %lt3A_261 = arith.cmpi slt, %select_n3A_254, %lt3A_260 : i32
          %ne3A_262 = arith.xori %lt3A_259, %lt3A_261 : i1
          %and3A_263 = arith.andi %ne3A_262, %ne3A_257 : i1
          %add3A_264 = arith.addi %rem3A_255, %select_n3A_254 : i32
          %select_n3A_265 = arith.select %and3A_263, %add3A_264, %rem3A_255 : i32
          %mul3A_266 = arith.constant 32 : i32
          %mul3A_267 = arith.muli %select_n3A_265, %mul3A_266 : i32
          %dma_start3A = arith.constant 0 : i32
          %dma_start3A_268 = tpu.memref_slice %arg9[%mul3A_267, %dma_start3A] : memref<64x128xf32, #tpu.memory_space<vmem>> -> memref<32x128xf32, #tpu.memory_space<vmem>>
          %dma_start3A_269 = tpu.memref_slice %arg7[%mul3A_249] : memref<2080xi32, #tpu.memory_space<vmem>> -> memref<32xi32, #tpu.memory_space<vmem>>
          %dma_start3A_270 = arith.constant 0 : i32
          %dma_start3A_271 = arith.constant 0 : i32
          %dma_start3A_272 = tpu.memref_slice %arg3[%dma_start3A_270, %dma_start3A_271] : memref<40000x128xf32, #tpu.memory_space<hbm>> -> memref<40000x128xf32, #tpu.memory_space<hbm>>
          tpu.enqueue_indirect_dma source(%dma_start3A_272 : memref<40000x128xf32, #tpu.memory_space<hbm>>) target(%dma_start3A_268 : memref<32x128xf32, #tpu.memory_space<vmem>>) offsets(%dma_start3A_269 : memref<32xi32, #tpu.memory_space<vmem>>) semaphore(%arg10 : memref<!tpu.dma_semaphore, #tpu.memory_space<semaphore_mem>>)
        } else {
        }
        %mul3A_186 = arith.constant 32 : i32
        %mul3A_187 = arith.muli %while3A_178, %mul3A_186 : i32
        %jit3A_188 = arith.constant 2 : i32
        %eq3A_189 = arith.constant 0 : i32
        %eq3A_190 = arith.cmpi eq, %jit3A_188, %eq3A_189 : i32
        %jit3A_191 = arith.constant 1 : i32
        %select_n3A_192 = arith.select %eq3A_190, %jit3A_191, %jit3A_188 : i32
        %rem3A_193 = arith.remsi %while3A_178, %select_n3A_192 : i32
        %ne3A_194 = arith.constant 0 : i32
        %ne3A_195 = arith.cmpi ne, %rem3A_193, %ne3A_194 : i32
        %lt3A_196 = arith.constant 0 : i32
        %lt3A_197 = arith.cmpi slt, %rem3A_193, %lt3A_196 : i32
        %lt3A_198 = arith.constant 0 : i32
        %lt3A_199 = arith.cmpi slt, %select_n3A_192, %lt3A_198 : i32
        %ne3A_200 = arith.xori %lt3A_197, %lt3A_199 : i1
        %and3A_201 = arith.andi %ne3A_200, %ne3A_195 : i1
        %add3A_202 = arith.addi %rem3A_193, %select_n3A_192 : i32
        %select_n3A_203 = arith.select %and3A_201, %add3A_202, %rem3A_193 : i32
        %mul3A_204 = arith.constant 32 : i32
        %mul3A_205 = arith.muli %select_n3A_203, %mul3A_204 : i32
        %dma_wait3A = arith.constant 0 : i32
        %dma_wait3A_206 = tpu.memref_slice %arg9[%mul3A_205, %dma_wait3A] : memref<64x128xf32, #tpu.memory_space<vmem>> -> memref<32x128xf32, #tpu.memory_space<vmem>>
        %dma_wait3A_207 = tpu.memref_slice %arg7[%mul3A_187] : memref<2080xi32, #tpu.memory_space<vmem>> -> memref<32xi32, #tpu.memory_space<vmem>>
        %dma_wait3A_208 = arith.constant 0 : i32
        %dma_wait3A_209 = arith.constant 0 : i32
        %dma_wait3A_210 = tpu.memref_slice %arg3[%dma_wait3A_208, %dma_wait3A_209] : memref<40000x128xf32, #tpu.memory_space<hbm>> -> memref<40000x128xf32, #tpu.memory_space<hbm>>
        tpu.wait_indirect_dma semaphore(%arg10 : memref<!tpu.dma_semaphore, #tpu.memory_space<semaphore_mem>>) src(%dma_wait3A_210 : memref<40000x128xf32, #tpu.memory_space<hbm>>) dst(%dma_wait3A_206 : memref<32x128xf32, #tpu.memory_space<vmem>>)
        %mul3A_211 = arith.constant 32 : i32
        %mul3A_212 = arith.muli %while3A_178, %mul3A_211 : i32
        %sub3A_213 = arith.subi %scan3A_122, %mul3A_212 : i32
        %min3A = arith.constant 32 : i32
        %min3A_214 = arith.minsi %min3A, %sub3A_213 : i32
        %jit3A_215 = arith.constant 2 : i32
        %eq3A_216 = arith.constant 0 : i32
        %eq3A_217 = arith.cmpi eq, %jit3A_215, %eq3A_216 : i32
        %jit3A_218 = arith.constant 1 : i32
        %select_n3A_219 = arith.select %eq3A_217, %jit3A_218, %jit3A_215 : i32
        %rem3A_220 = arith.remsi %while3A_178, %select_n3A_219 : i32
        %ne3A_221 = arith.constant 0 : i32
        %ne3A_222 = arith.cmpi ne, %rem3A_220, %ne3A_221 : i32
        %lt3A_223 = arith.constant 0 : i32
        %lt3A_224 = arith.cmpi slt, %rem3A_220, %lt3A_223 : i32
        %lt3A_225 = arith.constant 0 : i32
        %lt3A_226 = arith.cmpi slt, %select_n3A_219, %lt3A_225 : i32
        %ne3A_227 = arith.xori %lt3A_224, %lt3A_226 : i1
        %and3A_228 = arith.andi %ne3A_227, %ne3A_222 : i1
        %add3A_229 = arith.addi %rem3A_220, %select_n3A_219 : i32
        %select_n3A_230 = arith.select %and3A_228, %add3A_229, %rem3A_220 : i32
        %mul3A_231 = arith.constant 32 : i32
        %mul3A_232 = arith.muli %select_n3A_230, %mul3A_231 : i32
        %while3A_233 = arith.constant 0 : i32
        %while3A_234 = arith.constant 0 : i32
        %while3A_235 = arith.subi %min3A_214, %while3A_233 : i32
        %while3A_236 = arith.addi %while3A_233, %while3A_235 : i32
        %while3A_237 = arith.constant 1 : i32
        %while3A_238 = arith.divsi %while3A_235, %while3A_237 : i32
        %while3A_239 = arith.muli %while3A_238, %while3A_237 : i32
        %while3A_240 = arith.addi %while3A_233, %while3A_239 : i32
        %while3A_241 = arith.constant 1 : i32
        %while3A_242 = scf.for %while3A_246 = %while3A_233 to %while3A_240 step %while3A_241 iter_args(%while3A_247 = %while3A_234) -> (i32)  : i32 {
          %mul3A_248 = arith.constant 32 : i32
          %mul3A_249 = arith.muli %while3A_178, %mul3A_248 : i32
          %add3A_250 = arith.addi %mul3A_249, %while3A_246 : i32
          %get3A = arith.index_cast %add3A_250 : i32 to index
          %get3A_251 = tpu.vector_load %arg8[%get3A] {strides = array<i32>} : memref<2080xi32, #tpu.memory_space<vmem>>, vector<16xi32>,
          %slice3A = vector.extract_strided_slice %get3A_251 {offsets = [0], sizes = [1], strides = [1]} : vector<16xi32> to vector<1xi32>
          %squeeze3A = vector.extract %slice3A[0] : i32 from vector<1xi32>
          %mul3A_252 = arith.constant 128 : i32
          %mul3A_253 = arith.muli %squeeze3A, %mul3A_252 : i32
          %add3A_254 = arith.constant 0 : i32
          %add3A_255 = arith.addi %mul3A_253, %add3A_254 : i32
          %get3A_256 = arith.index_cast %add3A_255 : i32 to index
          %get3A_257 = tpu.vector_load %arg5[%get3A_256] {strides = array<i32>} : memref<65536xf32, #tpu.memory_space<vmem>>, vector<16xf32>,
          %add3A_258 = arith.addi %mul3A_232, %while3A_246 : i32
          %get3A_259 = arith.index_cast %add3A_258 : i32 to index
          %get3A_260 = arith.constant 0 : index
          %get3A_261 = tpu.vector_load %arg9[%get3A_259, %get3A_260] {strides = array<i32>} : memref<64x128xf32, #tpu.memory_space<vmem>>, vector<16xf32>,
          %max3A = arith.maximumf %get3A_257, %get3A_261 : vector<16xf32>
          %add3A_262 = arith.constant 0 : i32
          %add3A_263 = arith.addi %mul3A_253, %add3A_262 : i32
          %swap3A = arith.index_cast %add3A_263 : i32 to index
          %swap3A_264 = tpu.vector_load %arg5[%swap3A] {strides = array<i32>} : memref<65536xf32, #tpu.memory_space<vmem>>, vector<16xf32>,
          tpu.vector_store %arg5[%swap3A], %max3A {strides = array<i32>} : memref<65536xf32, #tpu.memory_space<vmem>>, vector<16xf32>,
          %add3A_265 = arith.constant 16 : i32
          %add3A_266 = arith.addi %mul3A_253, %add3A_265 : i32
          %get3A_267 = arith.index_cast %add3A_266 : i32 to index
          %get3A_268 = tpu.vector_load %arg5[%get3A_267] {strides = array<i32>} : memref<65536xf32, #tpu.memory_space<vmem>>, vector<16xf32>,
          %add3A_269 = arith.addi %mul3A_232, %while3A_246 : i32
          %get3A_270 = arith.index_cast %add3A_269 : i32 to index
          %get3A_271 = arith.constant 16 : index
          %get3A_272 = tpu.vector_load %arg9[%get3A_270, %get3A_271] {strides = array<i32>} : memref<64x128xf32, #tpu.memory_space<vmem>>, vector<16xf32>,
          %max3A_273 = arith.maximumf %get3A_268, %get3A_272 : vector<16xf32>
          %add3A_274 = arith.constant 16 : i32
          %add3A_275 = arith.addi %mul3A_253, %add3A_274 : i32
          %swap3A_276 = arith.index_cast %add3A_275 : i32 to index
          %swap3A_277 = tpu.vector_load %arg5[%swap3A_276] {strides = array<i32>} : memref<65536xf32, #tpu.memory_space<vmem>>, vector<16xf32>,
          tpu.vector_store %arg5[%swap3A_276], %max3A_273 {strides = array<i32>} : memref<65536xf32, #tpu.memory_space<vmem>>, vector<16xf32>,
          %add3A_278 = arith.constant 32 : i32
          %add3A_279 = arith.addi %mul3A_253, %add3A_278 : i32
          %get3A_280 = arith.index_cast %add3A_279 : i32 to index
          %get3A_281 = tpu.vector_load %arg5[%get3A_280] {strides = array<i32>} : memref<65536xf32, #tpu.memory_space<vmem>>, vector<16xf32>,
          %add3A_282 = arith.addi %mul3A_232, %while3A_246 : i32
          %get3A_283 = arith.index_cast %add3A_282 : i32 to index
          %get3A_284 = arith.constant 32 : index
          %get3A_285 = tpu.vector_load %arg9[%get3A_283, %get3A_284] {strides = array<i32>} : memref<64x128xf32, #tpu.memory_space<vmem>>, vector<16xf32>,
          %max3A_286 = arith.maximumf %get3A_281, %get3A_285 : vector<16xf32>
          %add3A_287 = arith.constant 32 : i32
          %add3A_288 = arith.addi %mul3A_253, %add3A_287 : i32
          %swap3A_289 = arith.index_cast %add3A_288 : i32 to index
          %swap3A_290 = tpu.vector_load %arg5[%swap3A_289] {strides = array<i32>} : memref<65536xf32, #tpu.memory_space<vmem>>, vector<16xf32>,
          tpu.vector_store %arg5[%swap3A_289], %max3A_286 {strides = array<i32>} : memref<65536xf32, #tpu.memory_space<vmem>>, vector<16xf32>,
          %add3A_291 = arith.constant 48 : i32
          %add3A_292 = arith.addi %mul3A_253, %add3A_291 : i32
          %get3A_293 = arith.index_cast %add3A_292 : i32 to index
          %get3A_294 = tpu.vector_load %arg5[%get3A_293] {strides = array<i32>} : memref<65536xf32, #tpu.memory_space<vmem>>, vector<16xf32>,
          %add3A_295 = arith.addi %mul3A_232, %while3A_246 : i32
          %get3A_296 = arith.index_cast %add3A_295 : i32 to index
          %get3A_297 = arith.constant 48 : index
          %get3A_298 = tpu.vector_load %arg9[%get3A_296, %get3A_297] {strides = array<i32>} : memref<64x128xf32, #tpu.memory_space<vmem>>, vector<16xf32>,
          %max3A_299 = arith.maximumf %get3A_294, %get3A_298 : vector<16xf32>
          %add3A_300 = arith.constant 48 : i32
          %add3A_301 = arith.addi %mul3A_253, %add3A_300 : i32
          %swap3A_302 = arith.index_cast %add3A_301 : i32 to index
          %swap3A_303 = tpu.vector_load %arg5[%swap3A_302] {strides = array<i32>} : memref<65536xf32, #tpu.memory_space<vmem>>, vector<16xf32>,
          tpu.vector_store %arg5[%swap3A_302], %max3A_299 {strides = array<i32>} : memref<65536xf32, #tpu.memory_space<vmem>>, vector<16xf32>,
          %add3A_304 = arith.constant 64 : i32
          %add3A_305 = arith.addi %mul3A_253, %add3A_304 : i32
          %get3A_306 = arith.index_cast %add3A_305 : i32 to index
          %get3A_307 = tpu.vector_load %arg5[%get3A_306] {strides = array<i32>} : memref<65536xf32, #tpu.memory_space<vmem>>, vector<16xf32>,
          %add3A_308 = arith.addi %mul3A_232, %while3A_246 : i32
          %get3A_309 = arith.index_cast %add3A_308 : i32 to index
          %get3A_310 = arith.constant 64 : index
          %get3A_311 = tpu.vector_load %arg9[%get3A_309, %get3A_310] {strides = array<i32>} : memref<64x128xf32, #tpu.memory_space<vmem>>, vector<16xf32>,
          %max3A_312 = arith.maximumf %get3A_307, %get3A_311 : vector<16xf32>
          %add3A_313 = arith.constant 64 : i32
          %add3A_314 = arith.addi %mul3A_253, %add3A_313 : i32
          %swap3A_315 = arith.index_cast %add3A_314 : i32 to index
          %swap3A_316 = tpu.vector_load %arg5[%swap3A_315] {strides = array<i32>} : memref<65536xf32, #tpu.memory_space<vmem>>, vector<16xf32>,
          tpu.vector_store %arg5[%swap3A_315], %max3A_312 {strides = array<i32>} : memref<65536xf32, #tpu.memory_space<vmem>>, vector<16xf32>,
          %add3A_317 = arith.constant 80 : i32
          %add3A_318 = arith.addi %mul3A_253, %add3A_317 : i32
          %get3A_319 = arith.index_cast %add3A_318 : i32 to index
          %get3A_320 = tpu.vector_load %arg5[%get3A_319] {strides = array<i32>} : memref<65536xf32, #tpu.memory_space<vmem>>, vector<16xf32>,
          %add3A_321 = arith.addi %mul3A_232, %while3A_246 : i32
          %get3A_322 = arith.index_cast %add3A_321 : i32 to index
          %get3A_323 = arith.constant 80 : index
          %get3A_324 = tpu.vector_load %arg9[%get3A_322, %get3A_323] {strides = array<i32>} : memref<64x128xf32, #tpu.memory_space<vmem>>, vector<16xf32>,
          %max3A_325 = arith.maximumf %get3A_320, %get3A_324 : vector<16xf32>
          %add3A_326 = arith.constant 80 : i32
          %add3A_327 = arith.addi %mul3A_253, %add3A_326 : i32
          %swap3A_328 = arith.index_cast %add3A_327 : i32 to index
          %swap3A_329 = tpu.vector_load %arg5[%swap3A_328] {strides = array<i32>} : memref<65536xf32, #tpu.memory_space<vmem>>, vector<16xf32>,
          tpu.vector_store %arg5[%swap3A_328], %max3A_325 {strides = array<i32>} : memref<65536xf32, #tpu.memory_space<vmem>>, vector<16xf32>,
          %add3A_330 = arith.constant 96 : i32
          %add3A_331 = arith.addi %mul3A_253, %add3A_330 : i32
          %get3A_332 = arith.index_cast %add3A_331 : i32 to index
          %get3A_333 = tpu.vector_load %arg5[%get3A_332] {strides = array<i32>} : memref<65536xf32, #tpu.memory_space<vmem>>, vector<16xf32>,
          %add3A_334 = arith.addi %mul3A_232, %while3A_246 : i32
          %get3A_335 = arith.index_cast %add3A_334 : i32 to index
          %get3A_336 = arith.constant 96 : index
          %get3A_337 = tpu.vector_load %arg9[%get3A_335, %get3A_336] {strides = array<i32>} : memref<64x128xf32, #tpu.memory_space<vmem>>, vector<16xf32>,
          %max3A_338 = arith.maximumf %get3A_333, %get3A_337 : vector<16xf32>
          %add3A_339 = arith.constant 96 : i32
          %add3A_340 = arith.addi %mul3A_253, %add3A_339 : i32
          %swap3A_341 = arith.index_cast %add3A_340 : i32 to index
          %swap3A_342 = tpu.vector_load %arg5[%swap3A_341] {strides = array<i32>} : memref<65536xf32, #tpu.memory_space<vmem>>, vector<16xf32>,
          tpu.vector_store %arg5[%swap3A_341], %max3A_338 {strides = array<i32>} : memref<65536xf32, #tpu.memory_space<vmem>>, vector<16xf32>,
          %add3A_343 = arith.constant 112 : i32
          %add3A_344 = arith.addi %mul3A_253, %add3A_343 : i32
          %get3A_345 = arith.index_cast %add3A_344 : i32 to index
          %get3A_346 = tpu.vector_load %arg5[%get3A_345] {strides = array<i32>} : memref<65536xf32, #tpu.memory_space<vmem>>, vector<16xf32>,
          %add3A_347 = arith.addi %mul3A_232, %while3A_246 : i32
          %get3A_348 = arith.index_cast %add3A_347 : i32 to index
          %get3A_349 = arith.constant 112 : index
          %get3A_350 = tpu.vector_load %arg9[%get3A_348, %get3A_349] {strides = array<i32>} : memref<64x128xf32, #tpu.memory_space<vmem>>, vector<16xf32>,
          %max3A_351 = arith.maximumf %get3A_346, %get3A_350 : vector<16xf32>
          %add3A_352 = arith.constant 112 : i32
          %add3A_353 = arith.addi %mul3A_253, %add3A_352 : i32
          %swap3A_354 = arith.index_cast %add3A_353 : i32 to index
          %swap3A_355 = tpu.vector_load %arg5[%swap3A_354] {strides = array<i32>} : memref<65536xf32, #tpu.memory_space<vmem>>, vector<16xf32>,
          tpu.vector_store %arg5[%swap3A_354], %max3A_351 {strides = array<i32>} : memref<65536xf32, #tpu.memory_space<vmem>>, vector<16xf32>,
          %while3A_356 = arith.constant 0 : i32
          scf.yield %while3A_356 : i32
        }
        %while3A_243 = arith.constant 1 : i32
        %while3A_244 = scf.for %while3A_246 = %while3A_240 to %while3A_236 step %while3A_243 iter_args(%while3A_247 = %while3A_242) -> (i32)  : i32 {
          %mul3A_248 = arith.constant 32 : i32
          %mul3A_249 = arith.muli %while3A_178, %mul3A_248 : i32
          %add3A_250 = arith.addi %mul3A_249, %while3A_246 : i32
          %get3A = arith.index_cast %add3A_250 : i32 to index
          %get3A_251 = tpu.vector_load %arg8[%get3A] {strides = array<i32>} : memref<2080xi32, #tpu.memory_space<vmem>>, vector<16xi32>,
          %slice3A = vector.extract_strided_slice %get3A_251 {offsets = [0], sizes = [1], strides = [1]} : vector<16xi32> to vector<1xi32>
          %squeeze3A = vector.extract %slice3A[0] : i32 from vector<1xi32>
          %mul3A_252 = arith.constant 128 : i32
          %mul3A_253 = arith.muli %squeeze3A, %mul3A_252 : i32
          %add3A_254 = arith.constant 0 : i32
          %add3A_255 = arith.addi %mul3A_253, %add3A_254 : i32
          %get3A_256 = arith.index_cast %add3A_255 : i32 to index
          %get3A_257 = tpu.vector_load %arg5[%get3A_256] {strides = array<i32>} : memref<65536xf32, #tpu.memory_space<vmem>>, vector<16xf32>,
          %add3A_258 = arith.addi %mul3A_232, %while3A_246 : i32
          %get3A_259 = arith.index_cast %add3A_258 : i32 to index
          %get3A_260 = arith.constant 0 : index
          %get3A_261 = tpu.vector_load %arg9[%get3A_259, %get3A_260] {strides = array<i32>} : memref<64x128xf32, #tpu.memory_space<vmem>>, vector<16xf32>,
          %max3A = arith.maximumf %get3A_257, %get3A_261 : vector<16xf32>
          %add3A_262 = arith.constant 0 : i32
          %add3A_263 = arith.addi %mul3A_253, %add3A_262 : i32
          %swap3A = arith.index_cast %add3A_263 : i32 to index
          %swap3A_264 = tpu.vector_load %arg5[%swap3A] {strides = array<i32>} : memref<65536xf32, #tpu.memory_space<vmem>>, vector<16xf32>,
          tpu.vector_store %arg5[%swap3A], %max3A {strides = array<i32>} : memref<65536xf32, #tpu.memory_space<vmem>>, vector<16xf32>,
          %add3A_265 = arith.constant 16 : i32
          %add3A_266 = arith.addi %mul3A_253, %add3A_265 : i32
          %get3A_267 = arith.index_cast %add3A_266 : i32 to index
          %get3A_268 = tpu.vector_load %arg5[%get3A_267] {strides = array<i32>} : memref<65536xf32, #tpu.memory_space<vmem>>, vector<16xf32>,
          %add3A_269 = arith.addi %mul3A_232, %while3A_246 : i32
          %get3A_270 = arith.index_cast %add3A_269 : i32 to index
          %get3A_271 = arith.constant 16 : index
          %get3A_272 = tpu.vector_load %arg9[%get3A_270, %get3A_271] {strides = array<i32>} : memref<64x128xf32, #tpu.memory_space<vmem>>, vector<16xf32>,
          %max3A_273 = arith.maximumf %get3A_268, %get3A_272 : vector<16xf32>
          %add3A_274 = arith.constant 16 : i32
          %add3A_275 = arith.addi %mul3A_253, %add3A_274 : i32
          %swap3A_276 = arith.index_cast %add3A_275 : i32 to index
          %swap3A_277 = tpu.vector_load %arg5[%swap3A_276] {strides = array<i32>} : memref<65536xf32, #tpu.memory_space<vmem>>, vector<16xf32>,
          tpu.vector_store %arg5[%swap3A_276], %max3A_273 {strides = array<i32>} : memref<65536xf32, #tpu.memory_space<vmem>>, vector<16xf32>,
          %add3A_278 = arith.constant 32 : i32
          %add3A_279 = arith.addi %mul3A_253, %add3A_278 : i32
          %get3A_280 = arith.index_cast %add3A_279 : i32 to index
          %get3A_281 = tpu.vector_load %arg5[%get3A_280] {strides = array<i32>} : memref<65536xf32, #tpu.memory_space<vmem>>, vector<16xf32>,
          %add3A_282 = arith.addi %mul3A_232, %while3A_246 : i32
          %get3A_283 = arith.index_cast %add3A_282 : i32 to index
          %get3A_284 = arith.constant 32 : index
          %get3A_285 = tpu.vector_load %arg9[%get3A_283, %get3A_284] {strides = array<i32>} : memref<64x128xf32, #tpu.memory_space<vmem>>, vector<16xf32>,
          %max3A_286 = arith.maximumf %get3A_281, %get3A_285 : vector<16xf32>
          %add3A_287 = arith.constant 32 : i32
          %add3A_288 = arith.addi %mul3A_253, %add3A_287 : i32
          %swap3A_289 = arith.index_cast %add3A_288 : i32 to index
          %swap3A_290 = tpu.vector_load %arg5[%swap3A_289] {strides = array<i32>} : memref<65536xf32, #tpu.memory_space<vmem>>, vector<16xf32>,
          tpu.vector_store %arg5[%swap3A_289], %max3A_286 {strides = array<i32>} : memref<65536xf32, #tpu.memory_space<vmem>>, vector<16xf32>,
          %add3A_291 = arith.constant 48 : i32
          %add3A_292 = arith.addi %mul3A_253, %add3A_291 : i32
          %get3A_293 = arith.index_cast %add3A_292 : i32 to index
          %get3A_294 = tpu.vector_load %arg5[%get3A_293] {strides = array<i32>} : memref<65536xf32, #tpu.memory_space<vmem>>, vector<16xf32>,
          %add3A_295 = arith.addi %mul3A_232, %while3A_246 : i32
          %get3A_296 = arith.index_cast %add3A_295 : i32 to index
          %get3A_297 = arith.constant 48 : index
          %get3A_298 = tpu.vector_load %arg9[%get3A_296, %get3A_297] {strides = array<i32>} : memref<64x128xf32, #tpu.memory_space<vmem>>, vector<16xf32>,
          %max3A_299 = arith.maximumf %get3A_294, %get3A_298 : vector<16xf32>
          %add3A_300 = arith.constant 48 : i32
          %add3A_301 = arith.addi %mul3A_253, %add3A_300 : i32
          %swap3A_302 = arith.index_cast %add3A_301 : i32 to index
          %swap3A_303 = tpu.vector_load %arg5[%swap3A_302] {strides = array<i32>} : memref<65536xf32, #tpu.memory_space<vmem>>, vector<16xf32>,
          tpu.vector_store %arg5[%swap3A_302], %max3A_299 {strides = array<i32>} : memref<65536xf32, #tpu.memory_space<vmem>>, vector<16xf32>,
          %add3A_304 = arith.constant 64 : i32
          %add3A_305 = arith.addi %mul3A_253, %add3A_304 : i32
          %get3A_306 = arith.index_cast %add3A_305 : i32 to index
          %get3A_307 = tpu.vector_load %arg5[%get3A_306] {strides = array<i32>} : memref<65536xf32, #tpu.memory_space<vmem>>, vector<16xf32>,
          %add3A_308 = arith.addi %mul3A_232, %while3A_246 : i32
          %get3A_309 = arith.index_cast %add3A_308 : i32 to index
          %get3A_310 = arith.constant 64 : index
          %get3A_311 = tpu.vector_load %arg9[%get3A_309, %get3A_310] {strides = array<i32>} : memref<64x128xf32, #tpu.memory_space<vmem>>, vector<16xf32>,
          %max3A_312 = arith.maximumf %get3A_307, %get3A_311 : vector<16xf32>
          %add3A_313 = arith.constant 64 : i32
          %add3A_314 = arith.addi %mul3A_253, %add3A_313 : i32
          %swap3A_315 = arith.index_cast %add3A_314 : i32 to index
          %swap3A_316 = tpu.vector_load %arg5[%swap3A_315] {strides = array<i32>} : memref<65536xf32, #tpu.memory_space<vmem>>, vector<16xf32>,
          tpu.vector_store %arg5[%swap3A_315], %max3A_312 {strides = array<i32>} : memref<65536xf32, #tpu.memory_space<vmem>>, vector<16xf32>,
          %add3A_317 = arith.constant 80 : i32
          %add3A_318 = arith.addi %mul3A_253, %add3A_317 : i32
          %get3A_319 = arith.index_cast %add3A_318 : i32 to index
          %get3A_320 = tpu.vector_load %arg5[%get3A_319] {strides = array<i32>} : memref<65536xf32, #tpu.memory_space<vmem>>, vector<16xf32>,
          %add3A_321 = arith.addi %mul3A_232, %while3A_246 : i32
          %get3A_322 = arith.index_cast %add3A_321 : i32 to index
          %get3A_323 = arith.constant 80 : index
          %get3A_324 = tpu.vector_load %arg9[%get3A_322, %get3A_323] {strides = array<i32>} : memref<64x128xf32, #tpu.memory_space<vmem>>, vector<16xf32>,
          %max3A_325 = arith.maximumf %get3A_320, %get3A_324 : vector<16xf32>
          %add3A_326 = arith.constant 80 : i32
          %add3A_327 = arith.addi %mul3A_253, %add3A_326 : i32
          %swap3A_328 = arith.index_cast %add3A_327 : i32 to index
          %swap3A_329 = tpu.vector_load %arg5[%swap3A_328] {strides = array<i32>} : memref<65536xf32, #tpu.memory_space<vmem>>, vector<16xf32>,
          tpu.vector_store %arg5[%swap3A_328], %max3A_325 {strides = array<i32>} : memref<65536xf32, #tpu.memory_space<vmem>>, vector<16xf32>,
          %add3A_330 = arith.constant 96 : i32
          %add3A_331 = arith.addi %mul3A_253, %add3A_330 : i32
          %get3A_332 = arith.index_cast %add3A_331 : i32 to index
          %get3A_333 = tpu.vector_load %arg5[%get3A_332] {strides = array<i32>} : memref<65536xf32, #tpu.memory_space<vmem>>, vector<16xf32>,
          %add3A_334 = arith.addi %mul3A_232, %while3A_246 : i32
          %get3A_335 = arith.index_cast %add3A_334 : i32 to index
          %get3A_336 = arith.constant 96 : index
          %get3A_337 = tpu.vector_load %arg9[%get3A_335, %get3A_336] {strides = array<i32>} : memref<64x128xf32, #tpu.memory_space<vmem>>, vector<16xf32>,
          %max3A_338 = arith.maximumf %get3A_333, %get3A_337 : vector<16xf32>
          %add3A_339 = arith.constant 96 : i32
          %add3A_340 = arith.addi %mul3A_253, %add3A_339 : i32
          %swap3A_341 = arith.index_cast %add3A_340 : i32 to index
          %swap3A_342 = tpu.vector_load %arg5[%swap3A_341] {strides = array<i32>} : memref<65536xf32, #tpu.memory_space<vmem>>, vector<16xf32>,
          tpu.vector_store %arg5[%swap3A_341], %max3A_338 {strides = array<i32>} : memref<65536xf32, #tpu.memory_space<vmem>>, vector<16xf32>,
          %add3A_343 = arith.constant 112 : i32
          %add3A_344 = arith.addi %mul3A_253, %add3A_343 : i32
          %get3A_345 = arith.index_cast %add3A_344 : i32 to index
          %get3A_346 = tpu.vector_load %arg5[%get3A_345] {strides = array<i32>} : memref<65536xf32, #tpu.memory_space<vmem>>, vector<16xf32>,
          %add3A_347 = arith.addi %mul3A_232, %while3A_246 : i32
          %get3A_348 = arith.index_cast %add3A_347 : i32 to index
          %get3A_349 = arith.constant 112 : index
          %get3A_350 = tpu.vector_load %arg9[%get3A_348, %get3A_349] {strides = array<i32>} : memref<64x128xf32, #tpu.memory_space<vmem>>, vector<16xf32>,
          %max3A_351 = arith.maximumf %get3A_346, %get3A_350 : vector<16xf32>
          %add3A_352 = arith.constant 112 : i32
          %add3A_353 = arith.addi %mul3A_253, %add3A_352 : i32
          %swap3A_354 = arith.index_cast %add3A_353 : i32 to index
          %swap3A_355 = tpu.vector_load %arg5[%swap3A_354] {strides = array<i32>} : memref<65536xf32, #tpu.memory_space<vmem>>, vector<16xf32>,
          tpu.vector_store %arg5[%swap3A_354], %max3A_351 {strides = array<i32>} : memref<65536xf32, #tpu.memory_space<vmem>>, vector<16xf32>,
          %while3A_356 = arith.constant 0 : i32
          scf.yield %while3A_356 : i32
        }
        %while3A_245 = arith.constant 0 : i32
        scf.yield %while3A_245 : i32
      }
      %scan3A_177 = arith.constant 0 : i32
      scf.yield %scan3A_177 : i32
    }
    %scan3A_99 = arith.constant 10 : i32
    %mul3A_100 = arith.constant 4096 : i32
    %mul3A_101 = arith.muli %select_n3A, %mul3A_100 : i32
    %add3A_102 = arith.addi %mul3A_101, %mul3A_85 : i32
    %mul3A_103 = arith.constant 128 : i32
    %mul3A_104 = arith.muli %add3A_102, %mul3A_103 : i32
    "tpu.region"() ({
      %run_scoped3A = tpu.sem_alloc : memref<!tpu.dma_semaphore, #tpu.memory_space<semaphore_mem>>
      %dma_start3A = tpu.memref_slice %arg4[%mul3A_104] : memref<4194304xf32, #tpu.memory_space<hbm>> -> memref<65536xf32, #tpu.memory_space<hbm>>
      %dma_start3A_105 = tpu.memref_slice %arg4[%mul3A_104] : memref<4194304xf32, #tpu.memory_space<hbm>> -> memref<65536xf32, #tpu.memory_space<hbm>>
      tpu.enqueue_dma source(%arg5 : memref<65536xf32, #tpu.memory_space<vmem>>) target(%dma_start3A_105 : memref<65536xf32, #tpu.memory_space<hbm>>) target_semaphore(%run_scoped3A : memref<!tpu.dma_semaphore, #tpu.memory_space<semaphore_mem>>)
      %dma_wait3A = tpu.memref_slice %arg4[%mul3A_104] : memref<4194304xf32, #tpu.memory_space<hbm>> -> memref<65536xf32, #tpu.memory_space<hbm>>
      %dma_wait3A_106 = tpu.memref_slice %arg4[%mul3A_104] : memref<4194304xf32, #tpu.memory_space<hbm>> -> memref<65536xf32, #tpu.memory_space<hbm>>
      tpu.wait_dma2 semaphore(%run_scoped3A : memref<!tpu.dma_semaphore, #tpu.memory_space<semaphore_mem>>) src(%arg5 : memref<65536xf32, #tpu.memory_space<vmem>>) dst(%dma_wait3A_106 : memref<65536xf32, #tpu.memory_space<hbm>>)
      tpu.yield
    }) : () -> ()
    return
  }
}

module attributes {stable_mosaic.version = 14 : i64} {
  func.func @_bin_body(%arg0: i32, %arg1: memref<2x2000x3xf32, #tpu.memory_space<vmem>>, %arg2: memref<1x8x2000xi32, #tpu.memory_space<vmem>>, %arg3: memref<1x2x2000xf32, #tpu.memory_space<vmem>>) attributes {dimension_semantics = [#tpu.dimension_semantics<arbitrary>], iteration_bounds = array<i64: 10>, scalar_prefetch = 0 : i64, scratch_operands = 0 : i64, tpu.core_type = #tpu.core_type<tc>, window_params = [{transform_indices = @transform_0, window_bounds = array<i64: 2, 2000, 3>}, {transform_indices = @transform_1, window_bounds = array<i64: 1, 8, 2000>}, {transform_indices = @transform_2, window_bounds = array<i64: 1, 2, 2000>}]} {
    %get3A = arith.constant 0 : index
    %get3A_0 = arith.constant 0 : index
    %get3A_1 = arith.constant 0 : index
    %get3A_2 = vector.load %arg1[%get3A, %get3A_0, %get3A_1] : memref<2x2000x3xf32, #tpu.memory_space<vmem>>, vector<2x2000x1xf32>
    %get3A_3 = vector.shape_cast %get3A_2 : vector<2x2000x1xf32> to vector<2x2000xf32>
    %get3A_4 = arith.constant 0 : index
    %get3A_5 = arith.constant 0 : index
    %get3A_6 = arith.constant 1 : index
    %get3A_7 = vector.load %arg1[%get3A_4, %get3A_5, %get3A_6] : memref<2x2000x3xf32, #tpu.memory_space<vmem>>, vector<2x2000x1xf32>
    %get3A_8 = vector.shape_cast %get3A_7 : vector<2x2000x1xf32> to vector<2x2000xf32>
    %get3A_9 = arith.constant 0 : index
    %get3A_10 = arith.constant 0 : index
    %get3A_11 = arith.constant 2 : index
    %get3A_12 = vector.load %arg1[%get3A_9, %get3A_10, %get3A_11] : memref<2x2000x3xf32, #tpu.memory_space<vmem>>, vector<2x2000x1xf32>
    %get3A_13 = vector.shape_cast %get3A_12 : vector<2x2000x1xf32> to vector<2x2000xf32>
    %mul3A = arith.mulf %get3A_3, %get3A_3 : vector<2x2000xf32>
    %mul3A_14 = arith.mulf %get3A_8, %get3A_8 : vector<2x2000xf32>
    %add3A = arith.addf %mul3A, %mul3A_14 : vector<2x2000xf32>
    %mul3A_15 = arith.mulf %get3A_13, %get3A_13 : vector<2x2000xf32>
    %add3A_16 = arith.addf %add3A, %mul3A_15 : vector<2x2000xf32>
    %sqrt3A = math.sqrt %add3A_16 : vector<2x2000xf32>
    %swap3A = arith.constant 0 : index
    %swap3A_17 = arith.constant 0 : index
    %swap3A_18 = arith.constant 0 : index
    %swap3A_19 = vector.load %arg3[%swap3A, %swap3A_17, %swap3A_18] : memref<1x2x2000xf32, #tpu.memory_space<vmem>>, vector<1x2x2000xf32>
    %swap3A_20 = vector.shape_cast %swap3A_19 : vector<1x2x2000xf32> to vector<2x2000xf32>
    %swap3A_21 = vector.shape_cast %sqrt3A : vector<2x2000xf32> to vector<1x2x2000xf32>
    tpu.vector_store %arg3[%swap3A, %swap3A_17, %swap3A_18], %swap3A_21 {strides = array<i32>} : memref<1x2x2000xf32, #tpu.memory_space<vmem>>, vector<1x2x2000xf32>,
    %sub3A = arith.constant 2.500000e-01 : f32
    %sub3A_22 = vector.broadcast %sub3A : f32 to vector<2x2000xf32>
    %sub3A_23 = arith.subf %get3A_3, %sub3A_22 : vector<2x2000xf32>
    %sub3A_24 = arith.constant 2.500000e-01 : f32
    %sub3A_25 = vector.broadcast %sub3A_24 : f32 to vector<2x2000xf32>
    %sub3A_26 = arith.subf %get3A_8, %sub3A_25 : vector<2x2000xf32>
    %sub3A_27 = arith.constant 2.500000e-01 : f32
    %sub3A_28 = vector.broadcast %sub3A_27 : f32 to vector<2x2000xf32>
    %sub3A_29 = arith.subf %get3A_13, %sub3A_28 : vector<2x2000xf32>
    %mul3A_30 = arith.mulf %sub3A_23, %sub3A_23 : vector<2x2000xf32>
    %mul3A_31 = arith.mulf %sub3A_26, %sub3A_26 : vector<2x2000xf32>
    %add3A_32 = arith.addf %mul3A_30, %mul3A_31 : vector<2x2000xf32>
    %sqrt3A_33 = math.sqrt %add3A_32 : vector<2x2000xf32>
    %atan23A = math.atan2 %sub3A_29, %sqrt3A_33 : vector<2x2000xf32>
    %mul3A_34 = arith.constant 1.800000e+02 : f32
    %mul3A_35 = vector.broadcast %mul3A_34 : f32 to vector<2x2000xf32>
    %mul3A_36 = arith.mulf %atan23A, %mul3A_35 : vector<2x2000xf32>
    %div3A = arith.constant 3.14159274 : f32
    %div3A_37 = vector.broadcast %div3A : f32 to vector<2x2000xf32>
    %div3A_38 = arith.divf %mul3A_36, %div3A_37 : vector<2x2000xf32>
    %sub3A_39 = arith.constant 9.000000e+01 : f32
    %sub3A_40 = vector.broadcast %sub3A_39 : f32 to vector<2x2000xf32>
    %sub3A_41 = arith.subf %sub3A_40, %div3A_38 : vector<2x2000xf32>
    %atan23A_42 = math.atan2 %sub3A_26, %sub3A_23 : vector<2x2000xf32>
    %mul3A_43 = arith.constant 1.800000e+02 : f32
    %mul3A_44 = vector.broadcast %mul3A_43 : f32 to vector<2x2000xf32>
    %mul3A_45 = arith.mulf %atan23A_42, %mul3A_44 : vector<2x2000xf32>
    %div3A_46 = arith.constant 3.14159274 : f32
    %div3A_47 = vector.broadcast %div3A_46 : f32 to vector<2x2000xf32>
    %div3A_48 = arith.divf %mul3A_45, %div3A_47 : vector<2x2000xf32>
    %add3A_49 = arith.constant 3.600000e+02 : f32
    %add3A_50 = vector.broadcast %add3A_49 : f32 to vector<2x2000xf32>
    %add3A_51 = arith.addf %add3A_50, %div3A_48 : vector<2x2000xf32>
    %jit3A = arith.constant 3.600000e+02 : f32
    %rem3A = vector.broadcast %jit3A : f32 to vector<2x2000xf32>
    %rem3A_52 = arith.remf %add3A_51, %rem3A : vector<2x2000xf32>
    %ne3A = arith.constant 0.000000e+00 : f32
    %ne3A_53 = vector.broadcast %ne3A : f32 to vector<2x2000xf32>
    %ne3A_54 = arith.cmpf one, %rem3A_52, %ne3A_53 : vector<2x2000xf32>
    %lt3A = arith.constant 0.000000e+00 : f32
    %lt3A_55 = vector.broadcast %lt3A : f32 to vector<2x2000xf32>
    %lt3A_56 = arith.cmpf olt, %rem3A_52, %lt3A_55 : vector<2x2000xf32>
    %lt3A_57 = arith.constant 0.000000e+00 : f32
    %lt3A_58 = arith.cmpf olt, %jit3A, %lt3A_57 : f32
    %ne3A_59 = vector.broadcast %lt3A_58 : i1 to vector<2x2000xi1>
    %ne3A_60 = vector.broadcast %ne3A_59 : vector<2x2000xi1> to vector<2x2000xi1>
    %ne3A_61 = arith.xori %lt3A_56, %ne3A_60 : vector<2x2000xi1>
    %and3A = arith.andi %ne3A_61, %ne3A_54 : vector<2x2000xi1>
    %add3A_62 = vector.broadcast %jit3A : f32 to vector<2x2000xf32>
    %add3A_63 = arith.addf %rem3A_52, %add3A_62 : vector<2x2000xf32>
    %select_n3A = arith.select %and3A, %add3A_63, %rem3A_52 : vector<2x2000xi1>, vector<2x2000xf32>
    %div3A_64 = arith.constant 2.812500e+00 : f32
    %div3A_65 = vector.broadcast %div3A_64 : f32 to vector<2x2000xf32>
    %div3A_66 = arith.divf %sub3A_41, %div3A_65 : vector<2x2000xf32>
    %floor3A = math.floor %div3A_66 : vector<2x2000xf32>
    %div3A_67 = arith.constant 5.625000e+00 : f32
    %div3A_68 = vector.broadcast %div3A_67 : f32 to vector<2x2000xf32>
    %div3A_69 = arith.divf %select_n3A, %div3A_68 : vector<2x2000xf32>
    %floor3A_70 = math.floor %div3A_69 : vector<2x2000xf32>
    %mul3A_71 = arith.constant 6.400000e+01 : f32
    %mul3A_72 = vector.broadcast %mul3A_71 : f32 to vector<2x2000xf32>
    %mul3A_73 = arith.mulf %mul3A_72, %floor3A : vector<2x2000xf32>
    %add3A_74 = arith.addf %floor3A_70, %mul3A_73 : vector<2x2000xf32>
    %convert_element_type3A = arith.fptosi %add3A_74 : vector<2x2000xf32> to vector<2x2000xi32>
    %slice3A = vector.extract_strided_slice %convert_element_type3A {offsets = [0, 0], sizes = [1, 2000], strides = [1, 1]} : vector<2x2000xi32> to vector<1x2000xi32>
    %squeeze3A = vector.shape_cast %slice3A : vector<1x2000xi32> to vector<2000xi32>
    %swap3A_75 = arith.constant 0 : index
    %swap3A_76 = arith.constant 0 : index
    %swap3A_77 = arith.constant 0 : index
    %swap3A_78 = vector.load %arg2[%swap3A_75, %swap3A_76, %swap3A_77] : memref<1x8x2000xi32, #tpu.memory_space<vmem>>, vector<1x1x2000xi32>
    %swap3A_79 = vector.shape_cast %swap3A_78 : vector<1x1x2000xi32> to vector<2000xi32>
    %swap3A_80 = vector.shape_cast %squeeze3A : vector<2000xi32> to vector<1x1x2000xi32>
    tpu.vector_store %arg2[%swap3A_75, %swap3A_76, %swap3A_77], %swap3A_80 {strides = array<i32>} : memref<1x8x2000xi32, #tpu.memory_space<vmem>>, vector<1x1x2000xi32>,
    %slice3A_81 = vector.extract_strided_slice %convert_element_type3A {offsets = [1, 0], sizes = [1, 2000], strides = [1, 1]} : vector<2x2000xi32> to vector<1x2000xi32>
    %squeeze3A_82 = vector.shape_cast %slice3A_81 : vector<1x2000xi32> to vector<2000xi32>
    %swap3A_83 = arith.constant 0 : index
    %swap3A_84 = arith.constant 4 : index
    %swap3A_85 = arith.constant 0 : index
    %swap3A_86 = vector.load %arg2[%swap3A_83, %swap3A_84, %swap3A_85] : memref<1x8x2000xi32, #tpu.memory_space<vmem>>, vector<1x1x2000xi32>
    %swap3A_87 = vector.shape_cast %swap3A_86 : vector<1x1x2000xi32> to vector<2000xi32>
    %swap3A_88 = vector.shape_cast %squeeze3A_82 : vector<2000xi32> to vector<1x1x2000xi32>
    tpu.vector_store %arg2[%swap3A_83, %swap3A_84, %swap3A_85], %swap3A_88 {strides = array<i32>} : memref<1x8x2000xi32, #tpu.memory_space<vmem>>, vector<1x1x2000xi32>,
    %sub3A_89 = arith.constant -2.500000e-01 : f32
    %sub3A_90 = vector.broadcast %sub3A_89 : f32 to vector<2x2000xf32>
    %sub3A_91 = arith.subf %get3A_3, %sub3A_90 : vector<2x2000xf32>
    %sub3A_92 = arith.constant -2.500000e-01 : f32
    %sub3A_93 = vector.broadcast %sub3A_92 : f32 to vector<2x2000xf32>
    %sub3A_94 = arith.subf %get3A_8, %sub3A_93 : vector<2x2000xf32>
    %sub3A_95 = arith.constant -2.500000e-01 : f32
    %sub3A_96 = vector.broadcast %sub3A_95 : f32 to vector<2x2000xf32>
    %sub3A_97 = arith.subf %get3A_13, %sub3A_96 : vector<2x2000xf32>
    %mul3A_98 = arith.mulf %sub3A_91, %sub3A_91 : vector<2x2000xf32>
    %mul3A_99 = arith.mulf %sub3A_94, %sub3A_94 : vector<2x2000xf32>
    %add3A_100 = arith.addf %mul3A_98, %mul3A_99 : vector<2x2000xf32>
    %sqrt3A_101 = math.sqrt %add3A_100 : vector<2x2000xf32>
    %atan23A_102 = math.atan2 %sub3A_97, %sqrt3A_101 : vector<2x2000xf32>
    %mul3A_103 = arith.constant 1.800000e+02 : f32
    %mul3A_104 = vector.broadcast %mul3A_103 : f32 to vector<2x2000xf32>
    %mul3A_105 = arith.mulf %atan23A_102, %mul3A_104 : vector<2x2000xf32>
    %div3A_106 = arith.constant 3.14159274 : f32
    %div3A_107 = vector.broadcast %div3A_106 : f32 to vector<2x2000xf32>
    %div3A_108 = arith.divf %mul3A_105, %div3A_107 : vector<2x2000xf32>
    %sub3A_109 = arith.constant 9.000000e+01 : f32
    %sub3A_110 = vector.broadcast %sub3A_109 : f32 to vector<2x2000xf32>
    %sub3A_111 = arith.subf %sub3A_110, %div3A_108 : vector<2x2000xf32>
    %atan23A_112 = math.atan2 %sub3A_94, %sub3A_91 : vector<2x2000xf32>
    %mul3A_113 = arith.constant 1.800000e+02 : f32
    %mul3A_114 = vector.broadcast %mul3A_113 : f32 to vector<2x2000xf32>
    %mul3A_115 = arith.mulf %atan23A_112, %mul3A_114 : vector<2x2000xf32>
    %div3A_116 = arith.constant 3.14159274 : f32
    %div3A_117 = vector.broadcast %div3A_116 : f32 to vector<2x2000xf32>
    %div3A_118 = arith.divf %mul3A_115, %div3A_117 : vector<2x2000xf32>
    %add3A_119 = arith.constant 3.600000e+02 : f32
    %add3A_120 = vector.broadcast %add3A_119 : f32 to vector<2x2000xf32>
    %add3A_121 = arith.addf %add3A_120, %div3A_118 : vector<2x2000xf32>
    %jit3A_122 = arith.constant 3.600000e+02 : f32
    %rem3A_123 = vector.broadcast %jit3A_122 : f32 to vector<2x2000xf32>
    %rem3A_124 = arith.remf %add3A_121, %rem3A_123 : vector<2x2000xf32>
    %ne3A_125 = arith.constant 0.000000e+00 : f32
    %ne3A_126 = vector.broadcast %ne3A_125 : f32 to vector<2x2000xf32>
    %ne3A_127 = arith.cmpf one, %rem3A_124, %ne3A_126 : vector<2x2000xf32>
    %lt3A_128 = arith.constant 0.000000e+00 : f32
    %lt3A_129 = vector.broadcast %lt3A_128 : f32 to vector<2x2000xf32>
    %lt3A_130 = arith.cmpf olt, %rem3A_124, %lt3A_129 : vector<2x2000xf32>
    %lt3A_131 = arith.constant 0.000000e+00 : f32
    %lt3A_132 = arith.cmpf olt, %jit3A_122, %lt3A_131 : f32
    %ne3A_133 = vector.broadcast %lt3A_132 : i1 to vector<2x2000xi1>
    %ne3A_134 = vector.broadcast %ne3A_133 : vector<2x2000xi1> to vector<2x2000xi1>
    %ne3A_135 = arith.xori %lt3A_130, %ne3A_134 : vector<2x2000xi1>
    %and3A_136 = arith.andi %ne3A_135, %ne3A_127 : vector<2x2000xi1>
    %add3A_137 = vector.broadcast %jit3A_122 : f32 to vector<2x2000xf32>
    %add3A_138 = arith.addf %rem3A_124, %add3A_137 : vector<2x2000xf32>
    %select_n3A_139 = arith.select %and3A_136, %add3A_138, %rem3A_124 : vector<2x2000xi1>, vector<2x2000xf32>
    %div3A_140 = arith.constant 2.812500e+00 : f32
    %div3A_141 = vector.broadcast %div3A_140 : f32 to vector<2x2000xf32>
    %div3A_142 = arith.divf %sub3A_111, %div3A_141 : vector<2x2000xf32>
    %floor3A_143 = math.floor %div3A_142 : vector<2x2000xf32>
    %div3A_144 = arith.constant 5.625000e+00 : f32
    %div3A_145 = vector.broadcast %div3A_144 : f32 to vector<2x2000xf32>
    %div3A_146 = arith.divf %select_n3A_139, %div3A_145 : vector<2x2000xf32>
    %floor3A_147 = math.floor %div3A_146 : vector<2x2000xf32>
    %mul3A_148 = arith.constant 6.400000e+01 : f32
    %mul3A_149 = vector.broadcast %mul3A_148 : f32 to vector<2x2000xf32>
    %mul3A_150 = arith.mulf %mul3A_149, %floor3A_143 : vector<2x2000xf32>
    %add3A_151 = arith.addf %floor3A_147, %mul3A_150 : vector<2x2000xf32>
    %convert_element_type3A_152 = arith.fptosi %add3A_151 : vector<2x2000xf32> to vector<2x2000xi32>
    %slice3A_153 = vector.extract_strided_slice %convert_element_type3A_152 {offsets = [0, 0], sizes = [1, 2000], strides = [1, 1]} : vector<2x2000xi32> to vector<1x2000xi32>
    %squeeze3A_154 = vector.shape_cast %slice3A_153 : vector<1x2000xi32> to vector<2000xi32>
    %swap3A_155 = arith.constant 0 : index
    %swap3A_156 = arith.constant 1 : index
    %swap3A_157 = arith.constant 0 : index
    %swap3A_158 = vector.load %arg2[%swap3A_155, %swap3A_156, %swap3A_157] : memref<1x8x2000xi32, #tpu.memory_space<vmem>>, vector<1x1x2000xi32>
    %swap3A_159 = vector.shape_cast %swap3A_158 : vector<1x1x2000xi32> to vector<2000xi32>
    %swap3A_160 = vector.shape_cast %squeeze3A_154 : vector<2000xi32> to vector<1x1x2000xi32>
    tpu.vector_store %arg2[%swap3A_155, %swap3A_156, %swap3A_157], %swap3A_160 {strides = array<i32>} : memref<1x8x2000xi32, #tpu.memory_space<vmem>>, vector<1x1x2000xi32>,
    %slice3A_161 = vector.extract_strided_slice %convert_element_type3A_152 {offsets = [1, 0], sizes = [1, 2000], strides = [1, 1]} : vector<2x2000xi32> to vector<1x2000xi32>
    %squeeze3A_162 = vector.shape_cast %slice3A_161 : vector<1x2000xi32> to vector<2000xi32>
    %swap3A_163 = arith.constant 0 : index
    %swap3A_164 = arith.constant 5 : index
    %swap3A_165 = arith.constant 0 : index
    %swap3A_166 = vector.load %arg2[%swap3A_163, %swap3A_164, %swap3A_165] : memref<1x8x2000xi32, #tpu.memory_space<vmem>>, vector<1x1x2000xi32>
    %swap3A_167 = vector.shape_cast %swap3A_166 : vector<1x1x2000xi32> to vector<2000xi32>
    %swap3A_168 = vector.shape_cast %squeeze3A_162 : vector<2000xi32> to vector<1x1x2000xi32>
    tpu.vector_store %arg2[%swap3A_163, %swap3A_164, %swap3A_165], %swap3A_168 {strides = array<i32>} : memref<1x8x2000xi32, #tpu.memory_space<vmem>>, vector<1x1x2000xi32>,
    %sub3A_169 = arith.constant -2.500000e-01 : f32
    %sub3A_170 = vector.broadcast %sub3A_169 : f32 to vector<2x2000xf32>
    %sub3A_171 = arith.subf %get3A_3, %sub3A_170 : vector<2x2000xf32>
    %sub3A_172 = arith.constant 2.500000e-01 : f32
    %sub3A_173 = vector.broadcast %sub3A_172 : f32 to vector<2x2000xf32>
    %sub3A_174 = arith.subf %get3A_8, %sub3A_173 : vector<2x2000xf32>
    %sub3A_175 = arith.constant 2.500000e-01 : f32
    %sub3A_176 = vector.broadcast %sub3A_175 : f32 to vector<2x2000xf32>
    %sub3A_177 = arith.subf %get3A_13, %sub3A_176 : vector<2x2000xf32>
    %mul3A_178 = arith.mulf %sub3A_171, %sub3A_171 : vector<2x2000xf32>
    %mul3A_179 = arith.mulf %sub3A_174, %sub3A_174 : vector<2x2000xf32>
    %add3A_180 = arith.addf %mul3A_178, %mul3A_179 : vector<2x2000xf32>
    %sqrt3A_181 = math.sqrt %add3A_180 : vector<2x2000xf32>
    %atan23A_182 = math.atan2 %sub3A_177, %sqrt3A_181 : vector<2x2000xf32>
    %mul3A_183 = arith.constant 1.800000e+02 : f32
    %mul3A_184 = vector.broadcast %mul3A_183 : f32 to vector<2x2000xf32>
    %mul3A_185 = arith.mulf %atan23A_182, %mul3A_184 : vector<2x2000xf32>
    %div3A_186 = arith.constant 3.14159274 : f32
    %div3A_187 = vector.broadcast %div3A_186 : f32 to vector<2x2000xf32>
    %div3A_188 = arith.divf %mul3A_185, %div3A_187 : vector<2x2000xf32>
    %sub3A_189 = arith.constant 9.000000e+01 : f32
    %sub3A_190 = vector.broadcast %sub3A_189 : f32 to vector<2x2000xf32>
    %sub3A_191 = arith.subf %sub3A_190, %div3A_188 : vector<2x2000xf32>
    %atan23A_192 = math.atan2 %sub3A_174, %sub3A_171 : vector<2x2000xf32>
    %mul3A_193 = arith.constant 1.800000e+02 : f32
    %mul3A_194 = vector.broadcast %mul3A_193 : f32 to vector<2x2000xf32>
    %mul3A_195 = arith.mulf %atan23A_192, %mul3A_194 : vector<2x2000xf32>
    %div3A_196 = arith.constant 3.14159274 : f32
    %div3A_197 = vector.broadcast %div3A_196 : f32 to vector<2x2000xf32>
    %div3A_198 = arith.divf %mul3A_195, %div3A_197 : vector<2x2000xf32>
    %add3A_199 = arith.constant 3.600000e+02 : f32
    %add3A_200 = vector.broadcast %add3A_199 : f32 to vector<2x2000xf32>
    %add3A_201 = arith.addf %add3A_200, %div3A_198 : vector<2x2000xf32>
    %jit3A_202 = arith.constant 3.600000e+02 : f32
    %rem3A_203 = vector.broadcast %jit3A_202 : f32 to vector<2x2000xf32>
    %rem3A_204 = arith.remf %add3A_201, %rem3A_203 : vector<2x2000xf32>
    %ne3A_205 = arith.constant 0.000000e+00 : f32
    %ne3A_206 = vector.broadcast %ne3A_205 : f32 to vector<2x2000xf32>
    %ne3A_207 = arith.cmpf one, %rem3A_204, %ne3A_206 : vector<2x2000xf32>
    %lt3A_208 = arith.constant 0.000000e+00 : f32
    %lt3A_209 = vector.broadcast %lt3A_208 : f32 to vector<2x2000xf32>
    %lt3A_210 = arith.cmpf olt, %rem3A_204, %lt3A_209 : vector<2x2000xf32>
    %lt3A_211 = arith.constant 0.000000e+00 : f32
    %lt3A_212 = arith.cmpf olt, %jit3A_202, %lt3A_211 : f32
    %ne3A_213 = vector.broadcast %lt3A_212 : i1 to vector<2x2000xi1>
    %ne3A_214 = vector.broadcast %ne3A_213 : vector<2x2000xi1> to vector<2x2000xi1>
    %ne3A_215 = arith.xori %lt3A_210, %ne3A_214 : vector<2x2000xi1>
    %and3A_216 = arith.andi %ne3A_215, %ne3A_207 : vector<2x2000xi1>
    %add3A_217 = vector.broadcast %jit3A_202 : f32 to vector<2x2000xf32>
    %add3A_218 = arith.addf %rem3A_204, %add3A_217 : vector<2x2000xf32>
    %select_n3A_219 = arith.select %and3A_216, %add3A_218, %rem3A_204 : vector<2x2000xi1>, vector<2x2000xf32>
    %div3A_220 = arith.constant 2.812500e+00 : f32
    %div3A_221 = vector.broadcast %div3A_220 : f32 to vector<2x2000xf32>
    %div3A_222 = arith.divf %sub3A_191, %div3A_221 : vector<2x2000xf32>
    %floor3A_223 = math.floor %div3A_222 : vector<2x2000xf32>
    %div3A_224 = arith.constant 5.625000e+00 : f32
    %div3A_225 = vector.broadcast %div3A_224 : f32 to vector<2x2000xf32>
    %div3A_226 = arith.divf %select_n3A_219, %div3A_225 : vector<2x2000xf32>
    %floor3A_227 = math.floor %div3A_226 : vector<2x2000xf32>
    %mul3A_228 = arith.constant 6.400000e+01 : f32
    %mul3A_229 = vector.broadcast %mul3A_228 : f32 to vector<2x2000xf32>
    %mul3A_230 = arith.mulf %mul3A_229, %floor3A_223 : vector<2x2000xf32>
    %add3A_231 = arith.addf %floor3A_227, %mul3A_230 : vector<2x2000xf32>
    %convert_element_type3A_232 = arith.fptosi %add3A_231 : vector<2x2000xf32> to vector<2x2000xi32>
    %slice3A_233 = vector.extract_strided_slice %convert_element_type3A_232 {offsets = [0, 0], sizes = [1, 2000], strides = [1, 1]} : vector<2x2000xi32> to vector<1x2000xi32>
    %squeeze3A_234 = vector.shape_cast %slice3A_233 : vector<1x2000xi32> to vector<2000xi32>
    %swap3A_235 = arith.constant 0 : index
    %swap3A_236 = arith.constant 2 : index
    %swap3A_237 = arith.constant 0 : index
    %swap3A_238 = vector.load %arg2[%swap3A_235, %swap3A_236, %swap3A_237] : memref<1x8x2000xi32, #tpu.memory_space<vmem>>, vector<1x1x2000xi32>
    %swap3A_239 = vector.shape_cast %swap3A_238 : vector<1x1x2000xi32> to vector<2000xi32>
    %swap3A_240 = vector.shape_cast %squeeze3A_234 : vector<2000xi32> to vector<1x1x2000xi32>
    tpu.vector_store %arg2[%swap3A_235, %swap3A_236, %swap3A_237], %swap3A_240 {strides = array<i32>} : memref<1x8x2000xi32, #tpu.memory_space<vmem>>, vector<1x1x2000xi32>,
    %slice3A_241 = vector.extract_strided_slice %convert_element_type3A_232 {offsets = [1, 0], sizes = [1, 2000], strides = [1, 1]} : vector<2x2000xi32> to vector<1x2000xi32>
    %squeeze3A_242 = vector.shape_cast %slice3A_241 : vector<1x2000xi32> to vector<2000xi32>
    %swap3A_243 = arith.constant 0 : index
    %swap3A_244 = arith.constant 6 : index
    %swap3A_245 = arith.constant 0 : index
    %swap3A_246 = vector.load %arg2[%swap3A_243, %swap3A_244, %swap3A_245] : memref<1x8x2000xi32, #tpu.memory_space<vmem>>, vector<1x1x2000xi32>
    %swap3A_247 = vector.shape_cast %swap3A_246 : vector<1x1x2000xi32> to vector<2000xi32>
    %swap3A_248 = vector.shape_cast %squeeze3A_242 : vector<2000xi32> to vector<1x1x2000xi32>
    tpu.vector_store %arg2[%swap3A_243, %swap3A_244, %swap3A_245], %swap3A_248 {strides = array<i32>} : memref<1x8x2000xi32, #tpu.memory_space<vmem>>, vector<1x1x2000xi32>,
    %sub3A_249 = arith.constant 2.500000e-01 : f32
    %sub3A_250 = vector.broadcast %sub3A_249 : f32 to vector<2x2000xf32>
    %sub3A_251 = arith.subf %get3A_3, %sub3A_250 : vector<2x2000xf32>
    %sub3A_252 = arith.constant -2.500000e-01 : f32
    %sub3A_253 = vector.broadcast %sub3A_252 : f32 to vector<2x2000xf32>
    %sub3A_254 = arith.subf %get3A_8, %sub3A_253 : vector<2x2000xf32>
    %sub3A_255 = arith.constant 2.500000e-01 : f32
    %sub3A_256 = vector.broadcast %sub3A_255 : f32 to vector<2x2000xf32>
    %sub3A_257 = arith.subf %get3A_13, %sub3A_256 : vector<2x2000xf32>
    %mul3A_258 = arith.mulf %sub3A_251, %sub3A_251 : vector<2x2000xf32>
    %mul3A_259 = arith.mulf %sub3A_254, %sub3A_254 : vector<2x2000xf32>
    %add3A_260 = arith.addf %mul3A_258, %mul3A_259 : vector<2x2000xf32>
    %sqrt3A_261 = math.sqrt %add3A_260 : vector<2x2000xf32>
    %atan23A_262 = math.atan2 %sub3A_257, %sqrt3A_261 : vector<2x2000xf32>
    %mul3A_263 = arith.constant 1.800000e+02 : f32
    %mul3A_264 = vector.broadcast %mul3A_263 : f32 to vector<2x2000xf32>
    %mul3A_265 = arith.mulf %atan23A_262, %mul3A_264 : vector<2x2000xf32>
    %div3A_266 = arith.constant 3.14159274 : f32
    %div3A_267 = vector.broadcast %div3A_266 : f32 to vector<2x2000xf32>
    %div3A_268 = arith.divf %mul3A_265, %div3A_267 : vector<2x2000xf32>
    %sub3A_269 = arith.constant 9.000000e+01 : f32
    %sub3A_270 = vector.broadcast %sub3A_269 : f32 to vector<2x2000xf32>
    %sub3A_271 = arith.subf %sub3A_270, %div3A_268 : vector<2x2000xf32>
    %atan23A_272 = math.atan2 %sub3A_254, %sub3A_251 : vector<2x2000xf32>
    %mul3A_273 = arith.constant 1.800000e+02 : f32
    %mul3A_274 = vector.broadcast %mul3A_273 : f32 to vector<2x2000xf32>
    %mul3A_275 = arith.mulf %atan23A_272, %mul3A_274 : vector<2x2000xf32>
    %div3A_276 = arith.constant 3.14159274 : f32
    %div3A_277 = vector.broadcast %div3A_276 : f32 to vector<2x2000xf32>
    %div3A_278 = arith.divf %mul3A_275, %div3A_277 : vector<2x2000xf32>
    %add3A_279 = arith.constant 3.600000e+02 : f32
    %add3A_280 = vector.broadcast %add3A_279 : f32 to vector<2x2000xf32>
    %add3A_281 = arith.addf %add3A_280, %div3A_278 : vector<2x2000xf32>
    %jit3A_282 = arith.constant 3.600000e+02 : f32
    %rem3A_283 = vector.broadcast %jit3A_282 : f32 to vector<2x2000xf32>
    %rem3A_284 = arith.remf %add3A_281, %rem3A_283 : vector<2x2000xf32>
    %ne3A_285 = arith.constant 0.000000e+00 : f32
    %ne3A_286 = vector.broadcast %ne3A_285 : f32 to vector<2x2000xf32>
    %ne3A_287 = arith.cmpf one, %rem3A_284, %ne3A_286 : vector<2x2000xf32>
    %lt3A_288 = arith.constant 0.000000e+00 : f32
    %lt3A_289 = vector.broadcast %lt3A_288 : f32 to vector<2x2000xf32>
    %lt3A_290 = arith.cmpf olt, %rem3A_284, %lt3A_289 : vector<2x2000xf32>
    %lt3A_291 = arith.constant 0.000000e+00 : f32
    %lt3A_292 = arith.cmpf olt, %jit3A_282, %lt3A_291 : f32
    %ne3A_293 = vector.broadcast %lt3A_292 : i1 to vector<2x2000xi1>
    %ne3A_294 = vector.broadcast %ne3A_293 : vector<2x2000xi1> to vector<2x2000xi1>
    %ne3A_295 = arith.xori %lt3A_290, %ne3A_294 : vector<2x2000xi1>
    %and3A_296 = arith.andi %ne3A_295, %ne3A_287 : vector<2x2000xi1>
    %add3A_297 = vector.broadcast %jit3A_282 : f32 to vector<2x2000xf32>
    %add3A_298 = arith.addf %rem3A_284, %add3A_297 : vector<2x2000xf32>
    %select_n3A_299 = arith.select %and3A_296, %add3A_298, %rem3A_284 : vector<2x2000xi1>, vector<2x2000xf32>
    %div3A_300 = arith.constant 2.812500e+00 : f32
    %div3A_301 = vector.broadcast %div3A_300 : f32 to vector<2x2000xf32>
    %div3A_302 = arith.divf %sub3A_271, %div3A_301 : vector<2x2000xf32>
    %floor3A_303 = math.floor %div3A_302 : vector<2x2000xf32>
    %div3A_304 = arith.constant 5.625000e+00 : f32
    %div3A_305 = vector.broadcast %div3A_304 : f32 to vector<2x2000xf32>
    %div3A_306 = arith.divf %select_n3A_299, %div3A_305 : vector<2x2000xf32>
    %floor3A_307 = math.floor %div3A_306 : vector<2x2000xf32>
    %mul3A_308 = arith.constant 6.400000e+01 : f32
    %mul3A_309 = vector.broadcast %mul3A_308 : f32 to vector<2x2000xf32>
    %mul3A_310 = arith.mulf %mul3A_309, %floor3A_303 : vector<2x2000xf32>
    %add3A_311 = arith.addf %floor3A_307, %mul3A_310 : vector<2x2000xf32>
    %convert_element_type3A_312 = arith.fptosi %add3A_311 : vector<2x2000xf32> to vector<2x2000xi32>
    %slice3A_313 = vector.extract_strided_slice %convert_element_type3A_312 {offsets = [0, 0], sizes = [1, 2000], strides = [1, 1]} : vector<2x2000xi32> to vector<1x2000xi32>
    %squeeze3A_314 = vector.shape_cast %slice3A_313 : vector<1x2000xi32> to vector<2000xi32>
    %swap3A_315 = arith.constant 0 : index
    %swap3A_316 = arith.constant 3 : index
    %swap3A_317 = arith.constant 0 : index
    %swap3A_318 = vector.load %arg2[%swap3A_315, %swap3A_316, %swap3A_317] : memref<1x8x2000xi32, #tpu.memory_space<vmem>>, vector<1x1x2000xi32>
    %swap3A_319 = vector.shape_cast %swap3A_318 : vector<1x1x2000xi32> to vector<2000xi32>
    %swap3A_320 = vector.shape_cast %squeeze3A_314 : vector<2000xi32> to vector<1x1x2000xi32>
    tpu.vector_store %arg2[%swap3A_315, %swap3A_316, %swap3A_317], %swap3A_320 {strides = array<i32>} : memref<1x8x2000xi32, #tpu.memory_space<vmem>>, vector<1x1x2000xi32>,
    %slice3A_321 = vector.extract_strided_slice %convert_element_type3A_312 {offsets = [1, 0], sizes = [1, 2000], strides = [1, 1]} : vector<2x2000xi32> to vector<1x2000xi32>
    %squeeze3A_322 = vector.shape_cast %slice3A_321 : vector<1x2000xi32> to vector<2000xi32>
    %swap3A_323 = arith.constant 0 : index
    %swap3A_324 = arith.constant 7 : index
    %swap3A_325 = arith.constant 0 : index
    %swap3A_326 = vector.load %arg2[%swap3A_323, %swap3A_324, %swap3A_325] : memref<1x8x2000xi32, #tpu.memory_space<vmem>>, vector<1x1x2000xi32>
    %swap3A_327 = vector.shape_cast %swap3A_326 : vector<1x1x2000xi32> to vector<2000xi32>
    %swap3A_328 = vector.shape_cast %squeeze3A_322 : vector<2000xi32> to vector<1x1x2000xi32>
    tpu.vector_store %arg2[%swap3A_323, %swap3A_324, %swap3A_325], %swap3A_328 {strides = array<i32>} : memref<1x8x2000xi32, #tpu.memory_space<vmem>>, vector<1x1x2000xi32>,
    return
  }
  func.func @transform_0(%arg0: i32) -> (i32, i32, i32) {
    %c0_i32 = arith.constant 0 : i32
    %c0_i32_0 = arith.constant 0 : i32
    %c0_i32_1 = arith.constant 0 : i32
    return %c0_i32, %arg0, %c0_i32_0 : i32, i32, i32
  }
  func.func @transform_1(%arg0: i32) -> (i32, i32, i32) {
    %c0_i32 = arith.constant 0 : i32
    %c0_i32_0 = arith.constant 0 : i32
    %c0_i32_1 = arith.constant 0 : i32
    return %arg0, %c0_i32, %c0_i32_0 : i32, i32, i32
  }
  func.func @transform_2(%arg0: i32) -> (i32, i32, i32) {
    %c0_i32 = arith.constant 0 : i32
    %c0_i32_0 = arith.constant 0 : i32
    %c0_i32_1 = arith.constant 0 : i32
    return %arg0, %c0_i32, %c0_i32_0 : i32, i32, i32
  }
}

module attributes {stable_mosaic.version = 14 : i64} {
  func.func @_block0_body(%arg0: i32, %arg1: i32, %arg2: memref<1x2000x3xf32, #tpu.memory_space<vmem>>, %arg3: memref<3x256xf32, #tpu.memory_space<vmem>>, %arg4: memref<1x256xf32, #tpu.memory_space<vmem>>, %arg5: memref<256x128xf32, #tpu.memory_space<vmem>>, %arg6: memref<1x128xf32, #tpu.memory_space<vmem>>, %arg7: memref<128x128xf32, #tpu.memory_space<vmem>>, %arg8: memref<1x128xf32, #tpu.memory_space<vmem>>, %arg9: memref<256x128xf32, #tpu.memory_space<vmem>>, %arg10: memref<1x2000x128xf32, #tpu.memory_space<vmem>>, %arg11: memref<1x1x128xf32, #tpu.memory_space<vmem>>) attributes {dimension_semantics = [#tpu.dimension_semantics<arbitrary>, #tpu.dimension_semantics<arbitrary>], iteration_bounds = array<i64: 2, 10>, scalar_prefetch = 0 : i64, scratch_operands = 0 : i64, tpu.core_type = #tpu.core_type<tc>, window_params = [{transform_indices = @transform_0, window_bounds = array<i64: 1, 2000, 3>}, {pipeline_mode = #tpu.pipeline_mode<synchronous>, transform_indices = @transform_1, window_bounds = array<i64: 3, 256>}, {pipeline_mode = #tpu.pipeline_mode<synchronous>, transform_indices = @transform_2, window_bounds = array<i64: 1, 256>}, {pipeline_mode = #tpu.pipeline_mode<synchronous>, transform_indices = @transform_3, window_bounds = array<i64: 256, 128>}, {pipeline_mode = #tpu.pipeline_mode<synchronous>, transform_indices = @transform_4, window_bounds = array<i64: 1, 128>}, {pipeline_mode = #tpu.pipeline_mode<synchronous>, transform_indices = @transform_5, window_bounds = array<i64: 128, 128>}, {pipeline_mode = #tpu.pipeline_mode<synchronous>, transform_indices = @transform_6, window_bounds = array<i64: 1, 128>}, {pipeline_mode = #tpu.pipeline_mode<synchronous>, transform_indices = @transform_7, window_bounds = array<i64: 256, 128>}, {transform_indices = @transform_8, window_bounds = array<i64: 1, 2000, 128>}, {transform_indices = @transform_9, window_bounds = array<i64: 1, 1, 128>}]} {
    %get3A = arith.constant 0 : index
    %get3A_0 = arith.constant 0 : index
    %get3A_1 = arith.constant 0 : index
    %get3A_2 = vector.load %arg2[%get3A, %get3A_0, %get3A_1] : memref<1x2000x3xf32, #tpu.memory_space<vmem>>, vector<1x2000x3xf32>
    %get3A_3 = vector.shape_cast %get3A_2 : vector<1x2000x3xf32> to vector<2000x3xf32>
    %get3A_4 = arith.constant 0 : index
    %get3A_5 = arith.constant 0 : index
    %get3A_6 = vector.load %arg3[%get3A_4, %get3A_5] : memref<3x256xf32, #tpu.memory_space<vmem>>, vector<3x256xf32>
    %dot_general3A = arith.constant dense<0.000000e+00> : vector<2000x256xf32>
    %dot_general3A_7 = tpu.matmul %get3A_3, %get3A_6, %dot_general3A {dimension_numbers = #tpu.dot_dimension_numbers<[1], [0], [0], [1], [0, 0, 1, 1], [], []>, transpose_lhs_hint = false} : vector<2000x3xf32>, vector<3x256xf32>, vector<2000x256xf32> -> vector<2000x256xf32>
    %get3A_8 = arith.constant 0 : index
    %get3A_9 = arith.constant 0 : index
    %get3A_10 = vector.load %arg4[%get3A_8, %get3A_9] : memref<1x256xf32, #tpu.memory_space<vmem>>, vector<1x256xf32>
    %add3A = vector.broadcast %get3A_10 : vector<1x256xf32> to vector<2000x256xf32>
    %add3A_11 = arith.addf %dot_general3A_7, %add3A : vector<2000x256xf32>
    %max3A = arith.constant 0.000000e+00 : f32
    %max3A_12 = vector.broadcast %max3A : f32 to vector<2000x256xf32>
    %max3A_13 = arith.maximumf %add3A_11, %max3A_12 : vector<2000x256xf32>
    %get3A_14 = arith.constant 0 : index
    %get3A_15 = arith.constant 0 : index
    %get3A_16 = vector.load %arg5[%get3A_14, %get3A_15] : memref<256x128xf32, #tpu.memory_space<vmem>>, vector<256x128xf32>
    %dot_general3A_17 = arith.constant dense<0.000000e+00> : vector<2000x128xf32>
    %dot_general3A_18 = tpu.matmul %max3A_13, %get3A_16, %dot_general3A_17 {dimension_numbers = #tpu.dot_dimension_numbers<[1], [0], [0], [1], [0, 0, 1, 1], [], []>, transpose_lhs_hint = false} : vector<2000x256xf32>, vector<256x128xf32>, vector<2000x128xf32> -> vector<2000x128xf32>
    %get3A_19 = arith.constant 0 : index
    %get3A_20 = arith.constant 0 : index
    %get3A_21 = vector.load %arg6[%get3A_19, %get3A_20] : memref<1x128xf32, #tpu.memory_space<vmem>>, vector<1x128xf32>
    %add3A_22 = vector.broadcast %get3A_21 : vector<1x128xf32> to vector<2000x128xf32>
    %add3A_23 = arith.addf %dot_general3A_18, %add3A_22 : vector<2000x128xf32>
    %max3A_24 = arith.constant 0.000000e+00 : f32
    %max3A_25 = vector.broadcast %max3A_24 : f32 to vector<2000x128xf32>
    %max3A_26 = arith.maximumf %add3A_23, %max3A_25 : vector<2000x128xf32>
    %get3A_27 = arith.constant 0 : index
    %get3A_28 = arith.constant 0 : index
    %get3A_29 = vector.load %arg7[%get3A_27, %get3A_28] : memref<128x128xf32, #tpu.memory_space<vmem>>, vector<128x128xf32>
    %dot_general3A_30 = arith.constant dense<0.000000e+00> : vector<2000x128xf32>
    %dot_general3A_31 = tpu.matmul %max3A_26, %get3A_29, %dot_general3A_30 {dimension_numbers = #tpu.dot_dimension_numbers<[1], [0], [0], [1], [0, 0, 1, 1], [], []>, transpose_lhs_hint = false} : vector<2000x128xf32>, vector<128x128xf32>, vector<2000x128xf32> -> vector<2000x128xf32>
    %get3A_32 = arith.constant 0 : index
    %get3A_33 = arith.constant 0 : index
    %get3A_34 = vector.load %arg8[%get3A_32, %get3A_33] : memref<1x128xf32, #tpu.memory_space<vmem>>, vector<1x128xf32>
    %add3A_35 = vector.broadcast %get3A_34 : vector<1x128xf32> to vector<2000x128xf32>
    %add3A_36 = arith.addf %dot_general3A_31, %add3A_35 : vector<2000x128xf32>
    %get3A_37 = arith.constant 0 : index
    %get3A_38 = arith.constant 0 : index
    %get3A_39 = vector.load %arg9[%get3A_37, %get3A_38] : memref<256x128xf32, #tpu.memory_space<vmem>>, vector<256x128xf32>
    %dot_general3A_40 = arith.constant dense<0.000000e+00> : vector<2000x128xf32>
    %dot_general3A_41 = tpu.matmul %add3A_11, %get3A_39, %dot_general3A_40 {dimension_numbers = #tpu.dot_dimension_numbers<[1], [0], [0], [1], [0, 0, 1, 1], [], []>, transpose_lhs_hint = false} : vector<2000x256xf32>, vector<256x128xf32>, vector<2000x128xf32> -> vector<2000x128xf32>
    %add3A_42 = arith.addf %dot_general3A_41, %add3A_36 : vector<2000x128xf32>
    %swap3A = arith.constant 0 : index
    %swap3A_43 = arith.constant 0 : index
    %swap3A_44 = arith.constant 0 : index
    %swap3A_45 = vector.load %arg10[%swap3A, %swap3A_43, %swap3A_44] : memref<1x2000x128xf32, #tpu.memory_space<vmem>>, vector<1x2000x128xf32>
    %swap3A_46 = vector.shape_cast %swap3A_45 : vector<1x2000x128xf32> to vector<2000x128xf32>
    %swap3A_47 = vector.shape_cast %add3A_42 : vector<2000x128xf32> to vector<1x2000x128xf32>
    tpu.vector_store %arg10[%swap3A, %swap3A_43, %swap3A_44], %swap3A_47 {strides = array<i32>} : memref<1x2000x128xf32, #tpu.memory_space<vmem>>, vector<1x2000x128xf32>,
    %reduce_max3A = arith.constant dense<0xFF800000> : vector<128xf32>
    %reduce_max3A_48 = vector.multi_reduction <maximumf>, %add3A_42, %reduce_max3A [0] : vector<2000x128xf32> to vector<128xf32>
    %broadcast_in_dim3A = vector.shape_cast %reduce_max3A_48 : vector<128xf32> to vector<1x128xf32>
    %eq3A = arith.constant 0 : i32
    %eq3A_49 = arith.cmpi eq, %arg1, %eq3A : i32
    %broadcast_in_dim3A_50 = arith.constant 0xFF800000 : f32
    %broadcast_in_dim3A_51 = vector.broadcast %broadcast_in_dim3A_50 : f32 to vector<1x128xf32>
    %get3A_52 = arith.constant 0 : index
    %get3A_53 = arith.constant 0 : index
    %get3A_54 = arith.constant 0 : index
    %get3A_55 = vector.load %arg11[%get3A_52, %get3A_53, %get3A_54] : memref<1x1x128xf32, #tpu.memory_space<vmem>>, vector<1x1x128xf32>
    %get3A_56 = vector.shape_cast %get3A_55 : vector<1x1x128xf32> to vector<1x128xf32>
    %select_n3A = arith.select %eq3A_49, %broadcast_in_dim3A_51, %get3A_56 : vector<1x128xf32>
    %max3A_57 = arith.maximumf %select_n3A, %broadcast_in_dim3A : vector<1x128xf32>
    %swap3A_58 = arith.constant 0 : index
    %swap3A_59 = arith.constant 0 : index
    %swap3A_60 = arith.constant 0 : index
    %swap3A_61 = vector.load %arg11[%swap3A_58, %swap3A_59, %swap3A_60] : memref<1x1x128xf32, #tpu.memory_space<vmem>>, vector<1x1x128xf32>
    %swap3A_62 = vector.shape_cast %swap3A_61 : vector<1x1x128xf32> to vector<1x128xf32>
    %swap3A_63 = vector.shape_cast %max3A_57 : vector<1x128xf32> to vector<1x1x128xf32>
    tpu.vector_store %arg11[%swap3A_58, %swap3A_59, %swap3A_60], %swap3A_63 {strides = array<i32>} : memref<1x1x128xf32, #tpu.memory_space<vmem>>, vector<1x1x128xf32>,
    return
  }
  func.func @transform_0(%arg0: i32, %arg1: i32) -> (i32, i32, i32) {
    %c0_i32 = arith.constant 0 : i32
    %c0_i32_0 = arith.constant 0 : i32
    return %arg0, %arg1, %c0_i32 : i32, i32, i32
  }
  func.func @transform_1(%arg0: i32, %arg1: i32) -> (i32, i32) {
    %c0_i32 = arith.constant 0 : i32
    %c0_i32_0 = arith.constant 0 : i32
    %c0_i32_1 = arith.constant 0 : i32
    return %c0_i32, %c0_i32_0 : i32, i32
  }
  func.func @transform_2(%arg0: i32, %arg1: i32) -> (i32, i32) {
    %c0_i32 = arith.constant 0 : i32
    %c0_i32_0 = arith.constant 0 : i32
    %c0_i32_1 = arith.constant 0 : i32
    return %c0_i32, %c0_i32_0 : i32, i32
  }
  func.func @transform_3(%arg0: i32, %arg1: i32) -> (i32, i32) {
    %c0_i32 = arith.constant 0 : i32
    %c0_i32_0 = arith.constant 0 : i32
    %c0_i32_1 = arith.constant 0 : i32
    return %c0_i32, %c0_i32_0 : i32, i32
  }
  func.func @transform_4(%arg0: i32, %arg1: i32) -> (i32, i32) {
    %c0_i32 = arith.constant 0 : i32
    %c0_i32_0 = arith.constant 0 : i32
    %c0_i32_1 = arith.constant 0 : i32
    return %c0_i32, %c0_i32_0 : i32, i32
  }
  func.func @transform_5(%arg0: i32, %arg1: i32) -> (i32, i32) {
    %c0_i32 = arith.constant 0 : i32
    %c0_i32_0 = arith.constant 0 : i32
    %c0_i32_1 = arith.constant 0 : i32
    return %c0_i32, %c0_i32_0 : i32, i32
  }
  func.func @transform_6(%arg0: i32, %arg1: i32) -> (i32, i32) {
    %c0_i32 = arith.constant 0 : i32
    %c0_i32_0 = arith.constant 0 : i32
    %c0_i32_1 = arith.constant 0 : i32
    return %c0_i32, %c0_i32_0 : i32, i32
  }
  func.func @transform_7(%arg0: i32, %arg1: i32) -> (i32, i32) {
    %c0_i32 = arith.constant 0 : i32
    %c0_i32_0 = arith.constant 0 : i32
    %c0_i32_1 = arith.constant 0 : i32
    return %c0_i32, %c0_i32_0 : i32, i32
  }
  func.func @transform_8(%arg0: i32, %arg1: i32) -> (i32, i32, i32) {
    %c0_i32 = arith.constant 0 : i32
    %c0_i32_0 = arith.constant 0 : i32
    return %arg0, %arg1, %c0_i32 : i32, i32, i32
  }
  func.func @transform_9(%arg0: i32, %arg1: i32) -> (i32, i32, i32) {
    %c0_i32 = arith.constant 0 : i32
    %c0_i32_0 = arith.constant 0 : i32
    %c0_i32_1 = arith.constant 0 : i32
    return %arg0, %c0_i32, %c0_i32_0 : i32, i32, i32
  }
}

module attributes {stable_mosaic.version = 14 : i64} {
  func.func @_blockn_body(%arg0: i32, %arg1: i32, %arg2: memref<1x2000x128xf32, #tpu.memory_space<vmem>>, %arg3: memref<1x1x128xf32, #tpu.memory_space<vmem>>, %arg4: memref<256x128xf32, #tpu.memory_space<vmem>>, %arg5: memref<1x128xf32, #tpu.memory_space<vmem>>, %arg6: memref<128x128xf32, #tpu.memory_space<vmem>>, %arg7: memref<1x128xf32, #tpu.memory_space<vmem>>, %arg8: memref<256x128xf32, #tpu.memory_space<vmem>>, %arg9: memref<1x2000x128xf32, #tpu.memory_space<vmem>>, %arg10: memref<1x1x128xf32, #tpu.memory_space<vmem>>) attributes {dimension_semantics = [#tpu.dimension_semantics<arbitrary>, #tpu.dimension_semantics<arbitrary>], iteration_bounds = array<i64: 2, 10>, scalar_prefetch = 0 : i64, scratch_operands = 0 : i64, tpu.core_type = #tpu.core_type<tc>, window_params = [{transform_indices = @transform_0, window_bounds = array<i64: 1, 2000, 128>}, {transform_indices = @transform_1, window_bounds = array<i64: 1, 1, 128>}, {pipeline_mode = #tpu.pipeline_mode<synchronous>, transform_indices = @transform_2, window_bounds = array<i64: 256, 128>}, {pipeline_mode = #tpu.pipeline_mode<synchronous>, transform_indices = @transform_3, window_bounds = array<i64: 1, 128>}, {pipeline_mode = #tpu.pipeline_mode<synchronous>, transform_indices = @transform_4, window_bounds = array<i64: 128, 128>}, {pipeline_mode = #tpu.pipeline_mode<synchronous>, transform_indices = @transform_5, window_bounds = array<i64: 1, 128>}, {pipeline_mode = #tpu.pipeline_mode<synchronous>, transform_indices = @transform_6, window_bounds = array<i64: 256, 128>}, {transform_indices = @transform_7, window_bounds = array<i64: 1, 2000, 128>}, {transform_indices = @transform_8, window_bounds = array<i64: 1, 1, 128>}]} {
    %get3A = arith.constant 0 : index
    %get3A_0 = arith.constant 0 : index
    %get3A_1 = arith.constant 0 : index
    %get3A_2 = vector.load %arg2[%get3A, %get3A_0, %get3A_1] : memref<1x2000x128xf32, #tpu.memory_space<vmem>>, vector<1x2000x128xf32>
    %get3A_3 = vector.shape_cast %get3A_2 : vector<1x2000x128xf32> to vector<2000x128xf32>
    %get3A_4 = arith.constant 0 : index
    %get3A_5 = arith.constant 0 : index
    %get3A_6 = arith.constant 0 : index
    %get3A_7 = vector.load %arg3[%get3A_4, %get3A_5, %get3A_6] : memref<1x1x128xf32, #tpu.memory_space<vmem>>, vector<1x1x128xf32>
    %get3A_8 = vector.shape_cast %get3A_7 : vector<1x1x128xf32> to vector<1x128xf32>
    %broadcast_in_dim3A = vector.shape_cast %get3A_8 : vector<1x128xf32> to vector<1x128xf32>
    %broadcast_in_dim3A_9 = vector.broadcast %broadcast_in_dim3A : vector<1x128xf32> to vector<2000x128xf32>
    %concatenate3A = tpu.concatenate %get3A_3, %broadcast_in_dim3A_9 in 1 : vector<2000x128xf32>, vector<2000x128xf32> -> vector<2000x256xf32>
    %max3A = arith.constant 0.000000e+00 : f32
    %max3A_10 = vector.broadcast %max3A : f32 to vector<2000x256xf32>
    %max3A_11 = arith.maximumf %concatenate3A, %max3A_10 : vector<2000x256xf32>
    %get3A_12 = arith.constant 0 : index
    %get3A_13 = arith.constant 0 : index
    %get3A_14 = vector.load %arg4[%get3A_12, %get3A_13] : memref<256x128xf32, #tpu.memory_space<vmem>>, vector<256x128xf32>
    %dot_general3A = arith.constant dense<0.000000e+00> : vector<2000x128xf32>
    %dot_general3A_15 = tpu.matmul %max3A_11, %get3A_14, %dot_general3A {dimension_numbers = #tpu.dot_dimension_numbers<[1], [0], [0], [1], [0, 0, 1, 1], [], []>, transpose_lhs_hint = false} : vector<2000x256xf32>, vector<256x128xf32>, vector<2000x128xf32> -> vector<2000x128xf32>
    %get3A_16 = arith.constant 0 : index
    %get3A_17 = arith.constant 0 : index
    %get3A_18 = vector.load %arg5[%get3A_16, %get3A_17] : memref<1x128xf32, #tpu.memory_space<vmem>>, vector<1x128xf32>
    %add3A = vector.broadcast %get3A_18 : vector<1x128xf32> to vector<2000x128xf32>
    %add3A_19 = arith.addf %dot_general3A_15, %add3A : vector<2000x128xf32>
    %max3A_20 = arith.constant 0.000000e+00 : f32
    %max3A_21 = vector.broadcast %max3A_20 : f32 to vector<2000x128xf32>
    %max3A_22 = arith.maximumf %add3A_19, %max3A_21 : vector<2000x128xf32>
    %get3A_23 = arith.constant 0 : index
    %get3A_24 = arith.constant 0 : index
    %get3A_25 = vector.load %arg6[%get3A_23, %get3A_24] : memref<128x128xf32, #tpu.memory_space<vmem>>, vector<128x128xf32>
    %dot_general3A_26 = arith.constant dense<0.000000e+00> : vector<2000x128xf32>
    %dot_general3A_27 = tpu.matmul %max3A_22, %get3A_25, %dot_general3A_26 {dimension_numbers = #tpu.dot_dimension_numbers<[1], [0], [0], [1], [0, 0, 1, 1], [], []>, transpose_lhs_hint = false} : vector<2000x128xf32>, vector<128x128xf32>, vector<2000x128xf32> -> vector<2000x128xf32>
    %get3A_28 = arith.constant 0 : index
    %get3A_29 = arith.constant 0 : index
    %get3A_30 = vector.load %arg7[%get3A_28, %get3A_29] : memref<1x128xf32, #tpu.memory_space<vmem>>, vector<1x128xf32>
    %add3A_31 = vector.broadcast %get3A_30 : vector<1x128xf32> to vector<2000x128xf32>
    %add3A_32 = arith.addf %dot_general3A_27, %add3A_31 : vector<2000x128xf32>
    %get3A_33 = arith.constant 0 : index
    %get3A_34 = arith.constant 0 : index
    %get3A_35 = vector.load %arg8[%get3A_33, %get3A_34] : memref<256x128xf32, #tpu.memory_space<vmem>>, vector<256x128xf32>
    %dot_general3A_36 = arith.constant dense<0.000000e+00> : vector<2000x128xf32>
    %dot_general3A_37 = tpu.matmul %concatenate3A, %get3A_35, %dot_general3A_36 {dimension_numbers = #tpu.dot_dimension_numbers<[1], [0], [0], [1], [0, 0, 1, 1], [], []>, transpose_lhs_hint = false} : vector<2000x256xf32>, vector<256x128xf32>, vector<2000x128xf32> -> vector<2000x128xf32>
    %add3A_38 = arith.addf %dot_general3A_37, %add3A_32 : vector<2000x128xf32>
    %swap3A = arith.constant 0 : index
    %swap3A_39 = arith.constant 0 : index
    %swap3A_40 = arith.constant 0 : index
    %swap3A_41 = vector.load %arg9[%swap3A, %swap3A_39, %swap3A_40] : memref<1x2000x128xf32, #tpu.memory_space<vmem>>, vector<1x2000x128xf32>
    %swap3A_42 = vector.shape_cast %swap3A_41 : vector<1x2000x128xf32> to vector<2000x128xf32>
    %swap3A_43 = vector.shape_cast %add3A_38 : vector<2000x128xf32> to vector<1x2000x128xf32>
    tpu.vector_store %arg9[%swap3A, %swap3A_39, %swap3A_40], %swap3A_43 {strides = array<i32>} : memref<1x2000x128xf32, #tpu.memory_space<vmem>>, vector<1x2000x128xf32>,
    %reduce_max3A = arith.constant dense<0xFF800000> : vector<128xf32>
    %reduce_max3A_44 = vector.multi_reduction <maximumf>, %add3A_38, %reduce_max3A [0] : vector<2000x128xf32> to vector<128xf32>
    %broadcast_in_dim3A_45 = vector.shape_cast %reduce_max3A_44 : vector<128xf32> to vector<1x128xf32>
    %eq3A = arith.constant 0 : i32
    %eq3A_46 = arith.cmpi eq, %arg1, %eq3A : i32
    %broadcast_in_dim3A_47 = arith.constant 0xFF800000 : f32
    %broadcast_in_dim3A_48 = vector.broadcast %broadcast_in_dim3A_47 : f32 to vector<1x128xf32>
    %get3A_49 = arith.constant 0 : index
    %get3A_50 = arith.constant 0 : index
    %get3A_51 = arith.constant 0 : index
    %get3A_52 = vector.load %arg10[%get3A_49, %get3A_50, %get3A_51] : memref<1x1x128xf32, #tpu.memory_space<vmem>>, vector<1x1x128xf32>
    %get3A_53 = vector.shape_cast %get3A_52 : vector<1x1x128xf32> to vector<1x128xf32>
    %select_n3A = arith.select %eq3A_46, %broadcast_in_dim3A_48, %get3A_53 : vector<1x128xf32>
    %max3A_54 = arith.maximumf %select_n3A, %broadcast_in_dim3A_45 : vector<1x128xf32>
    %swap3A_55 = arith.constant 0 : index
    %swap3A_56 = arith.constant 0 : index
    %swap3A_57 = arith.constant 0 : index
    %swap3A_58 = vector.load %arg10[%swap3A_55, %swap3A_56, %swap3A_57] : memref<1x1x128xf32, #tpu.memory_space<vmem>>, vector<1x1x128xf32>
    %swap3A_59 = vector.shape_cast %swap3A_58 : vector<1x1x128xf32> to vector<1x128xf32>
    %swap3A_60 = vector.shape_cast %max3A_54 : vector<1x128xf32> to vector<1x1x128xf32>
    tpu.vector_store %arg10[%swap3A_55, %swap3A_56, %swap3A_57], %swap3A_60 {strides = array<i32>} : memref<1x1x128xf32, #tpu.memory_space<vmem>>, vector<1x1x128xf32>,
    return
  }
  func.func @transform_0(%arg0: i32, %arg1: i32) -> (i32, i32, i32) {
    %c0_i32 = arith.constant 0 : i32
    %c0_i32_0 = arith.constant 0 : i32
    return %arg0, %arg1, %c0_i32 : i32, i32, i32
  }
  func.func @transform_1(%arg0: i32, %arg1: i32) -> (i32, i32, i32) {
    %c0_i32 = arith.constant 0 : i32
    %c0_i32_0 = arith.constant 0 : i32
    %c0_i32_1 = arith.constant 0 : i32
    return %arg0, %c0_i32, %c0_i32_0 : i32, i32, i32
  }
  func.func @transform_2(%arg0: i32, %arg1: i32) -> (i32, i32) {
    %c0_i32 = arith.constant 0 : i32
    %c0_i32_0 = arith.constant 0 : i32
    %c0_i32_1 = arith.constant 0 : i32
    return %c0_i32, %c0_i32_0 : i32, i32
  }
  func.func @transform_3(%arg0: i32, %arg1: i32) -> (i32, i32) {
    %c0_i32 = arith.constant 0 : i32
    %c0_i32_0 = arith.constant 0 : i32
    %c0_i32_1 = arith.constant 0 : i32
    return %c0_i32, %c0_i32_0 : i32, i32
  }
  func.func @transform_4(%arg0: i32, %arg1: i32) -> (i32, i32) {
    %c0_i32 = arith.constant 0 : i32
    %c0_i32_0 = arith.constant 0 : i32
    %c0_i32_1 = arith.constant 0 : i32
    return %c0_i32, %c0_i32_0 : i32, i32
  }
  func.func @transform_5(%arg0: i32, %arg1: i32) -> (i32, i32) {
    %c0_i32 = arith.constant 0 : i32
    %c0_i32_0 = arith.constant 0 : i32
    %c0_i32_1 = arith.constant 0 : i32
    return %c0_i32, %c0_i32_0 : i32, i32
  }
  func.func @transform_6(%arg0: i32, %arg1: i32) -> (i32, i32) {
    %c0_i32 = arith.constant 0 : i32
    %c0_i32_0 = arith.constant 0 : i32
    %c0_i32_1 = arith.constant 0 : i32
    return %c0_i32, %c0_i32_0 : i32, i32
  }
  func.func @transform_7(%arg0: i32, %arg1: i32) -> (i32, i32, i32) {
    %c0_i32 = arith.constant 0 : i32
    %c0_i32_0 = arith.constant 0 : i32
    return %arg0, %arg1, %c0_i32 : i32, i32, i32
  }
  func.func @transform_8(%arg0: i32, %arg1: i32) -> (i32, i32, i32) {
    %c0_i32 = arith.constant 0 : i32
    %c0_i32_0 = arith.constant 0 : i32
    %c0_i32_1 = arith.constant 0 : i32
    return %arg0, %c0_i32, %c0_i32_0 : i32, i32, i32
  }
}

module attributes {stable_mosaic.version = 14 : i64} {
  func.func @_last_body(%arg0: i32, %arg1: i32, %arg2: memref<1x2000x128xf32, #tpu.memory_space<vmem>>, %arg3: memref<1x1x128xf32, #tpu.memory_space<vmem>>, %arg4: memref<256x128xf32, #tpu.memory_space<vmem>>, %arg5: memref<1x128xf32, #tpu.memory_space<vmem>>, %arg6: memref<128x128xf32, #tpu.memory_space<vmem>>, %arg7: memref<1x128xf32, #tpu.memory_space<vmem>>, %arg8: memref<256x128xf32, #tpu.memory_space<vmem>>, %arg9: memref<1x2000x128xf32, #tpu.memory_space<vmem>>) attributes {dimension_semantics = [#tpu.dimension_semantics<arbitrary>, #tpu.dimension_semantics<arbitrary>], iteration_bounds = array<i64: 2, 10>, scalar_prefetch = 0 : i64, scratch_operands = 0 : i64, tpu.core_type = #tpu.core_type<tc>, window_params = [{transform_indices = @transform_0, window_bounds = array<i64: 1, 2000, 128>}, {transform_indices = @transform_1, window_bounds = array<i64: 1, 1, 128>}, {pipeline_mode = #tpu.pipeline_mode<synchronous>, transform_indices = @transform_2, window_bounds = array<i64: 256, 128>}, {pipeline_mode = #tpu.pipeline_mode<synchronous>, transform_indices = @transform_3, window_bounds = array<i64: 1, 128>}, {pipeline_mode = #tpu.pipeline_mode<synchronous>, transform_indices = @transform_4, window_bounds = array<i64: 128, 128>}, {pipeline_mode = #tpu.pipeline_mode<synchronous>, transform_indices = @transform_5, window_bounds = array<i64: 1, 128>}, {pipeline_mode = #tpu.pipeline_mode<synchronous>, transform_indices = @transform_6, window_bounds = array<i64: 256, 128>}, {transform_indices = @transform_7, window_bounds = array<i64: 1, 2000, 128>}]} {
    %get3A = arith.constant 0 : index
    %get3A_0 = arith.constant 0 : index
    %get3A_1 = arith.constant 0 : index
    %get3A_2 = vector.load %arg2[%get3A, %get3A_0, %get3A_1] : memref<1x2000x128xf32, #tpu.memory_space<vmem>>, vector<1x2000x128xf32>
    %get3A_3 = vector.shape_cast %get3A_2 : vector<1x2000x128xf32> to vector<2000x128xf32>
    %get3A_4 = arith.constant 0 : index
    %get3A_5 = arith.constant 0 : index
    %get3A_6 = arith.constant 0 : index
    %get3A_7 = vector.load %arg3[%get3A_4, %get3A_5, %get3A_6] : memref<1x1x128xf32, #tpu.memory_space<vmem>>, vector<1x1x128xf32>
    %get3A_8 = vector.shape_cast %get3A_7 : vector<1x1x128xf32> to vector<1x128xf32>
    %broadcast_in_dim3A = vector.shape_cast %get3A_8 : vector<1x128xf32> to vector<1x128xf32>
    %broadcast_in_dim3A_9 = vector.broadcast %broadcast_in_dim3A : vector<1x128xf32> to vector<2000x128xf32>
    %concatenate3A = tpu.concatenate %get3A_3, %broadcast_in_dim3A_9 in 1 : vector<2000x128xf32>, vector<2000x128xf32> -> vector<2000x256xf32>
    %max3A = arith.constant 0.000000e+00 : f32
    %max3A_10 = vector.broadcast %max3A : f32 to vector<2000x256xf32>
    %max3A_11 = arith.maximumf %concatenate3A, %max3A_10 : vector<2000x256xf32>
    %get3A_12 = arith.constant 0 : index
    %get3A_13 = arith.constant 0 : index
    %get3A_14 = vector.load %arg4[%get3A_12, %get3A_13] : memref<256x128xf32, #tpu.memory_space<vmem>>, vector<256x128xf32>
    %dot_general3A = arith.constant dense<0.000000e+00> : vector<2000x128xf32>
    %dot_general3A_15 = tpu.matmul %max3A_11, %get3A_14, %dot_general3A {dimension_numbers = #tpu.dot_dimension_numbers<[1], [0], [0], [1], [0, 0, 1, 1], [], []>, transpose_lhs_hint = false} : vector<2000x256xf32>, vector<256x128xf32>, vector<2000x128xf32> -> vector<2000x128xf32>
    %get3A_16 = arith.constant 0 : index
    %get3A_17 = arith.constant 0 : index
    %get3A_18 = vector.load %arg5[%get3A_16, %get3A_17] : memref<1x128xf32, #tpu.memory_space<vmem>>, vector<1x128xf32>
    %add3A = vector.broadcast %get3A_18 : vector<1x128xf32> to vector<2000x128xf32>
    %add3A_19 = arith.addf %dot_general3A_15, %add3A : vector<2000x128xf32>
    %max3A_20 = arith.constant 0.000000e+00 : f32
    %max3A_21 = vector.broadcast %max3A_20 : f32 to vector<2000x128xf32>
    %max3A_22 = arith.maximumf %add3A_19, %max3A_21 : vector<2000x128xf32>
    %get3A_23 = arith.constant 0 : index
    %get3A_24 = arith.constant 0 : index
    %get3A_25 = vector.load %arg6[%get3A_23, %get3A_24] : memref<128x128xf32, #tpu.memory_space<vmem>>, vector<128x128xf32>
    %dot_general3A_26 = arith.constant dense<0.000000e+00> : vector<2000x128xf32>
    %dot_general3A_27 = tpu.matmul %max3A_22, %get3A_25, %dot_general3A_26 {dimension_numbers = #tpu.dot_dimension_numbers<[1], [0], [0], [1], [0, 0, 1, 1], [], []>, transpose_lhs_hint = false} : vector<2000x128xf32>, vector<128x128xf32>, vector<2000x128xf32> -> vector<2000x128xf32>
    %get3A_28 = arith.constant 0 : index
    %get3A_29 = arith.constant 0 : index
    %get3A_30 = vector.load %arg7[%get3A_28, %get3A_29] : memref<1x128xf32, #tpu.memory_space<vmem>>, vector<1x128xf32>
    %add3A_31 = vector.broadcast %get3A_30 : vector<1x128xf32> to vector<2000x128xf32>
    %add3A_32 = arith.addf %dot_general3A_27, %add3A_31 : vector<2000x128xf32>
    %get3A_33 = arith.constant 0 : index
    %get3A_34 = arith.constant 0 : index
    %get3A_35 = vector.load %arg8[%get3A_33, %get3A_34] : memref<256x128xf32, #tpu.memory_space<vmem>>, vector<256x128xf32>
    %dot_general3A_36 = arith.constant dense<0.000000e+00> : vector<2000x128xf32>
    %dot_general3A_37 = tpu.matmul %concatenate3A, %get3A_35, %dot_general3A_36 {dimension_numbers = #tpu.dot_dimension_numbers<[1], [0], [0], [1], [0, 0, 1, 1], [], []>, transpose_lhs_hint = false} : vector<2000x256xf32>, vector<256x128xf32>, vector<2000x128xf32> -> vector<2000x128xf32>
    %add3A_38 = arith.addf %dot_general3A_37, %add3A_32 : vector<2000x128xf32>
    %swap3A = arith.constant 0 : index
    %swap3A_39 = arith.constant 0 : index
    %swap3A_40 = arith.constant 0 : index
    %swap3A_41 = vector.load %arg9[%swap3A, %swap3A_39, %swap3A_40] : memref<1x2000x128xf32, #tpu.memory_space<vmem>>, vector<1x2000x128xf32>
    %swap3A_42 = vector.shape_cast %swap3A_41 : vector<1x2000x128xf32> to vector<2000x128xf32>
    %swap3A_43 = vector.shape_cast %add3A_38 : vector<2000x128xf32> to vector<1x2000x128xf32>
    tpu.vector_store %arg9[%swap3A, %swap3A_39, %swap3A_40], %swap3A_43 {strides = array<i32>} : memref<1x2000x128xf32, #tpu.memory_space<vmem>>, vector<1x2000x128xf32>,
    return
  }
  func.func @transform_0(%arg0: i32, %arg1: i32) -> (i32, i32, i32) {
    %c0_i32 = arith.constant 0 : i32
    %c0_i32_0 = arith.constant 0 : i32
    return %arg0, %arg1, %c0_i32 : i32, i32, i32
  }
  func.func @transform_1(%arg0: i32, %arg1: i32) -> (i32, i32, i32) {
    %c0_i32 = arith.constant 0 : i32
    %c0_i32_0 = arith.constant 0 : i32
    %c0_i32_1 = arith.constant 0 : i32
    return %arg0, %c0_i32, %c0_i32_0 : i32, i32, i32
  }
  func.func @transform_2(%arg0: i32, %arg1: i32) -> (i32, i32) {
    %c0_i32 = arith.constant 0 : i32
    %c0_i32_0 = arith.constant 0 : i32
    %c0_i32_1 = arith.constant 0 : i32
    return %c0_i32, %c0_i32_0 : i32, i32
  }
  func.func @transform_3(%arg0: i32, %arg1: i32) -> (i32, i32) {
    %c0_i32 = arith.constant 0 : i32
    %c0_i32_0 = arith.constant 0 : i32
    %c0_i32_1 = arith.constant 0 : i32
    return %c0_i32, %c0_i32_0 : i32, i32
  }
  func.func @transform_4(%arg0: i32, %arg1: i32) -> (i32, i32) {
    %c0_i32 = arith.constant 0 : i32
    %c0_i32_0 = arith.constant 0 : i32
    %c0_i32_1 = arith.constant 0 : i32
    return %c0_i32, %c0_i32_0 : i32, i32
  }
  func.func @transform_5(%arg0: i32, %arg1: i32) -> (i32, i32) {
    %c0_i32 = arith.constant 0 : i32
    %c0_i32_0 = arith.constant 0 : i32
    %c0_i32_1 = arith.constant 0 : i32
    return %c0_i32, %c0_i32_0 : i32, i32
  }
  func.func @transform_6(%arg0: i32, %arg1: i32) -> (i32, i32) {
    %c0_i32 = arith.constant 0 : i32
    %c0_i32_0 = arith.constant 0 : i32
    %c0_i32_1 = arith.constant 0 : i32
    return %c0_i32, %c0_i32_0 : i32, i32
  }
  func.func @transform_7(%arg0: i32, %arg1: i32) -> (i32, i32, i32) {
    %c0_i32 = arith.constant 0 : i32
    %c0_i32_0 = arith.constant 0 : i32
    return %arg0, %arg1, %c0_i32 : i32, i32, i32
  }
}

</mosaic_0001>

<sc_bundles>
// kernel: kernel.10.cloned.1.call-start
scs
__scs_entry_jumppad:
0x0: {  	(pc) =	sbr.rel $0x88, $3  }
0x1: {  	(tag) =	ssettag $0x0;
	lr =	simm.s32 $0x1  }
0x2: {  	[smem:$0x3F79] =	sst lr;
	_ =	strace $0xD0000000  }
0x3: {  	_ = 	snop  }
0x4: {  	_ = 	snop  }
0x5: {  	_ = 	snop  }
0x6: {  	_ = 	snop  }
0x7: {  	_ = 	snop  }
__scs_overlays_trampoline_lowered:
0x8: {  	[smem:$0x3F88] =	sst s0  }
0x9: {  	[smem:$0x3F89] =	sst s1  }
0xa: {  	[smem:$0x3F8A] =	sst s2  }
0xb: {  	[smem:$0x3F8B] =	sst s3  }
0xc: {  	[smem:$0x3F8C] =	sst s4  }
0xd: {  	[smem:$0x3F8D] =	sst s5  }
0xe: {  	[smem:$0x3F8E] =	sst s6  }
0xf: {  	[smem:$0x3F8F] =	sst s7  }
0x10: {  	[smem:$0x3F90] =	sst s8  }
0x11: {  	[smem:$0x3F91] =	sst s9;
	s0 =	simm.s32 @!p0 $0x0  }
0x12: {  	s1 =	sld [smem:$0x3F77];
	s0 =	simm.s32 @p0 $0x1  }
0x13: {  	[smem:$0x3F92] =	sst s0;
	s0 =	simm.s32 @!p1 $0x0  }
0x14: {  	s2 =	sld [smem:$0x3F76];
	s0 =	simm.s32 @p1 $0x1  }
0x15: {  	[smem:$0x3F93] =	sst s0;
	s0 =	simm.s32 @!p2 $0x0  }
0x16: {  	s3 =	sld [smem:$0x3FDB];
	s0 =	simm.s32 @p2 $0x1  }
0x17: {  	s4 =	simm.s32 $0x1BF5;
	[smem:$0x3F95] =	sst s0  }
0x18: {  	s0 =	sld [smem:$0x3F78];
	_ =	swait.ge [sflag:s4], $0x0  }
0x19: {  	s7 =	sld [smem:$0x3F79]  }
0x1a: {  	s8 =	sadd.s32 $0xFFFFE003, lr  }
0x1b: {  	s9 =	sadd.s32 $0xFFFFFEF7, lr;
	s5 =	simm.s32 $0xFFFFFFFF;
	p2 =	slt.u32 s8, $0xFFFFF086  }
0x1c: {  	p1 =	slt.u32 s9, $0xF7A;
	s5 =	simm.s32 @!p2 $0x0  }
0x1d: {  	s5 =	simm.s32 @p1 $0x1;
	p0 =	seq.s32 s7, s2  }
0x1e: {  	s7 =	smul.u32 @!p0 $0xF7A, s2;
	p2 =	seq.s32 @!p0 s5, $0x0  }
0x1f: {  	s9 =	smul.u32 $0xF7A, s1;
	s8 =	simm.s32 @!p0 $0x1BF5;
	p2 =	por !p2, p0  }
0x20: {  	[sflag:s8] =	ssyncset.s32 @!p0 $0xFFFFF086;
	s6 =	sadd.s32 @!p0 s3, s7;
	s7 =	simm.s32 @!p0 $0x108  }
0x21: {  	s3 =	sadd.s32 s3, s9;
	s6 =	sadd.s32 @!p0 $0x88, s6;
	s7 =	simm.s32 @p2 $0x1082  }
0x22: {  	[simem:s7], [sflag:s8] =	dma.local @!p0 [hbm:s6], $0xF7A  }
0x23: {  	s9 =	sor.u32 $0xD0000000, s2;
	s6 =	simm.s32 $0x108;
	_ =	swait.ge @!p0 [sflag:s8], $0x0  }
0x24: {  	s3 =	sadd.s32 $0x88, s3;
	s6 =	simm.s32 @!p1 $0x1082;
	[sflag:s4] =	ssyncset.s32 $0xFFFFF086  }
0x25: {  	[simem:s6], [sflag:s4] =	dma.local [hbm:s3], $0xF7A  }
0x26: {  	[smem:$0x3F79] =	sst s1;
	(tag) =	ssettag s2;
	_ =	strace s9  }
0x27: {  	s1 =	sld [smem:$0x3F89]  }
0x28: {  	s2 =	sld [smem:$0x3F8A]  }
0x29: {  	s4 =	sld [smem:$0x3F8C]  }
0x2a: {  	p0 =	seq.s32 s5, $0x0;
	s5 =	sld [smem:$0x3F8D]  }
0x2b: {  	s6 =	sld [smem:$0x3F8E]  }
0x2c: {  	s7 =	sld [smem:$0x3F8F]  }
0x2d: {  	s3 =	simm.s32 $0x108;
	s8 =	sld [smem:$0x3F90]  }
0x2e: {  	s3 =	simm.s32 @!p0 $0x1082;
	s9 =	sld [smem:$0x3F91]  }
0x2f: {  	lr =	sadd.s32 s0, s3;
	s0 =	sld [smem:$0x3F88]  }
0x30: {  	s3 =	sld [smem:$0x3F8B]  }
0x31: {  	[smem:$0x3F94] =	sst s10  }
0x32: {  	s10 =	sld [smem:$0x3F92];
	_ =	sdelay $0x3  }
0x33: {  	p0 =	seq.s32 s10, $0x1;
	s10 =	sld [smem:$0x3F94];
	_ =	sdelay $0x3  }
0x34: {  	[smem:$0x3F94] =	sst s10  }
0x35: {  	s10 =	sld [smem:$0x3F93];
	_ =	sdelay $0x3  }
0x36: {  	p1 =	seq.s32 s10, $0x1;
	s10 =	sld [smem:$0x3F94];
	_ =	sdelay $0x3  }
0x37: {  	[smem:$0x3F94] =	sst s10  }
0x38: {  	s10 =	sld [smem:$0x3F95]  }
0x39: {  	_ = 	snop;
	(pc) =	sbr.ind lr, $3  }
0x3a: {  	_ = 	snop  }
0x3b: {  	_ = 	snop  }
0x3c: {  	p2 =	seq.s32 s10, $0x1;
	s10 =	sld [smem:$0x3F94]  }
0x3d: {  	_ =	shalt  }
0x3e: {  	_ =	shalt  }
0x3f: {  	_ =	shalt  }
0x40: {  	_ =	shalt  }
0x41: {  	_ =	shalt  }
0x42: {  	_ =	shalt  }
0x43: {  	_ =	shalt  }
0x44: {  	_ =	shalt  }
0x45: {  	_ =	shalt  }
0x46: {  	_ =	shalt  }
0x47: {  	_ =	shalt  }
0x48: {  	_ =	shalt  }
0x49: {  	_ =	shalt  }
0x4a: {  	_ =	shalt  }
0x4b: {  	_ =	shalt  }
0x4c: {  	_ =	shalt  }
0x4d: {  	_ =	shalt  }
0x4e: {  	_ =	shalt  }
0x4f: {  	_ =	shalt  }
0x50: {  	_ =	shalt  }
0x51: {  	_ =	shalt  }
0x52: {  	_ =	shalt  }
0x53: {  	_ =	shalt  }
0x54: {  	_ =	shalt  }
0x55: {  	_ =	shalt  }
0x56: {  	_ =	shalt  }
0x57: {  	_ =	shalt  }
0x58: {  	_ =	shalt  }
0x59: {  	_ =	shalt  }
0x5a: {  	_ =	shalt  }
0x5b: {  	_ =	shalt  }
0x5c: {  	_ =	shalt  }
0x5d: {  	_ =	shalt  }
0x5e: {  	_ =	shalt  }
0x5f: {  	_ =	shalt  }
0x60: {  	_ =	shalt  }
0x61: {  	_ =	shalt  }
0x62: {  	_ =	shalt  }
0x63: {  	_ =	shalt  }
0x64: {  	_ =	shalt  }
0x65: {  	_ =	shalt  }
0x66: {  	_ =	shalt  }
0x67: {  	_ =	shalt  }
0x68: {  	_ =	shalt  }
0x69: {  	_ =	shalt  }
0x6a: {  	_ =	shalt  }
0x6b: {  	_ =	shalt  }
0x6c: {  	_ =	shalt  }
0x6d: {  	_ =	shalt  }
0x6e: {  	_ =	shalt  }
0x6f: {  	_ =	shalt  }
0x70: {  	_ =	shalt  }
0x71: {  	_ =	shalt  }
0x72: {  	_ =	shalt  }
0x73: {  	_ =	shalt  }
0x74: {  	_ =	shalt  }
0x75: {  	_ =	shalt  }
0x76: {  	_ =	shalt  }
0x77: {  	_ =	shalt  }
0x78: {  	_ =	shalt  }
0x79: {  	_ =	shalt  }
0x7a: {  	_ =	shalt  }
0x7b: {  	_ =	shalt  }
0x7c: {  	_ =	shalt  }
0x7d: {  	_ =	shalt  }
0x7e: {  	_ =	shalt  }
0x7f: {  	_ =	shalt  }
0x80: {  	_ =	shalt  }
0x81: {  	_ =	shalt  }
0x82: {  	_ =	shalt  }
0x83: {  	_ =	shalt  }
0x84: {  	_ =	shalt  }
0x85: {  	_ =	shalt  }
0x86: {  	_ =	shalt  }
0x87: {  	_ =	shalt  }
.Lfunc_end0:
.L_simem_size_0:
called_computation_lowered:
.L_overlay_start_0:
0x88: {  	s2 =	sld [smem:$0x3FD9]  }
0x89: {  	s3 =	sld [smem:$0x3FFE];
	_ =	sdelay $0x1  }
0x8a: {  	s1 =	srdreg.scid  }
0x8b: {  	s0 =	sand.u32 $0x1, s1  }
0x8c: {  	s16 =	sshll.u32 s0, $0xA;
	s2 =	sadd.s32 s3, s2  }
0x8d: {  	s2 =	sadd.s32 s2, s16  }
0x8e: {  	[smem:$0x3FA0] =	sst s2  }
0x8f: {  	_ = 	snop  }
0x90: {  	(tm) =	ssettm $0x1  }
0x91: {  	s17 =	sld [smem:$0x3FFB];
	_ =	sdelay $0x3  }
0x92: {  	_ =	strace s17  }
0x93: {  	s2 =	sld [smem:$0x3FFC];
	_ =	sdelay $0x3  }
0x94: {  	_ =	strace s2  }
0x95: {  	s2 =	sld [smem:$0x3FFD];
	_ =	sdelay $0x3  }
0x96: {  	_ =	strace s2  }
0x97: {  	_ =	strace $0x8FFFFFFF  }
0x98: {  	s18 =	sld [smem:$0x3FDB];
	_ =	sdelay $0x1  }
0x99: {  	s19 =	simm.s32 $_scs_section_size  }
0x9a: {  	s4 =	simm.s32 $_size__tile_overlayer_lowered;
	s5 =	simm.s32 $_tile_overlayer_lowered  }
0x9b: {  	s22 =	simm.s32 $0x1BFF;
	s21 =	sshll.u32 s5, $0x1;
	s2 =	sadd.s32 s19, s18  }
0x9c: {  	s6 =	simm.s32 $0x0;
	s20 =	sshll.u32 s4, $0x1;
	s4 =	sadd.s32 s21, s2  }
0x9d: {  	[timem:s6], [sflag:s22] =	dma.local [hbm:s4], s20  }
0x9e: {  	_ =	swait.ge [sflag:s22], s20  }
0x9f: {  	s3 =	ssub.s32 $0x0, s20;
	[sflag:s22] =	ssyncset.done $0x0  }
0xa0: {  	[sflag:s22] =	ssyncadd.s32 s3;
	_ =	sdelay $0x1  }
0xa1: {  	s23 =	simm.s32 $0x1B8B  }
0xa2: {  	_ =	swait.ge [sflag:s23], $0x1  }
0xa3: {  	[sflag:s23] =	ssyncset.done $0x0  }
0xa4: {  	s25 =	simm.s32 $0x1B8E;
	s24 =	sld [smem:$0x3FFE];
	[sflag:s23] =	ssyncadd.s32 $0xFFFFFFFF  }
0xa5: {  	s26 =	simm.s32 $execute0_lowered;
	[smem:$0x3FD2] =	sst s25  }
0xa6: {  	s4 =	sshll.u32 s26, $0x1;
	_ =	strace $0x80000046;
	[dreg:$0x1] =	wrdreg $0xFFFFFFFF  }
0xa7: {  	s28 =	simm.s32 $_size_execute0_lowered;
	s2 =	sadd.s32 s2, s4;
	[dreg:$0x0] =	wrdreg $0x0  }
0xa8: {  	s4 =	sshll.u32 s28, $0x1;
	[dreg:$0x2] =	wrdreg s2  }
0xa9: {  	[dreg:$0x3] =	wrdreg s4  }
0xaa: {  	[dreg:$0x4] =	wrdreg $0xC0  }
0xab: {  	_ =	task [dreg:s6], $0x5FFFF  }
0xac: {  	[dreg:$0x1] =	wrdreg $0xFFFFFFFF  }
0xad: {  	[dreg:$0x0] =	wrdreg $0x60  }
0xae: {  	[dreg:$0x2] =	wrdreg s24  }
0xaf: {  	[dreg:$0x3] =	wrdreg $0x9  }
0xb0: {  	_ =	task.clear_ibuf [dreg:s6], $0x4FFFF;
	_ =	strace $0x90000046  }
0xb1: {  	s29 =	simm.s32 $0x9;
	_ =	strace $0x80000048  }
0xb2: {  	_ =	swait.ge [sflag:s29], $0x1  }
0xb3: {  	[sflag:s29] =	ssyncadd.s32 $0xFFFFFFFF  }
0xb4: {  	_ =	strace $0x90000048  }
0xb5: {  	_ =	sfence  }
0xb6: {  	s30 =	sld [smem:$0x0];
	_ =	sdelay $0x2  }
0xb7: {  	s31 =	sshll.u32 s1, $0xD;
	s1 =	sshrl.u32 s1, $0x2  }
0xb8: {  	s3 =	sand.u32 $0x4000, s31;
	s1 =	sadd.s32 s1, s30  }
0xb9: {  	s0 =	sor.u32 s3, s0;
	s1 =	sshll.u32 s1, $0x11  }
0xba: {  	s0 =	sor.u32 s1, s0  }
0xbb: {  	s0 =	sadd.s32 $0x8F2B, s0  }
0xbc: {  	[sflag:s0] =	ssyncadd.remote.s32 $0x1  }
0xbd: {  	_ =	sfence.sel $0xFFFF  }
0xbe: {  	[dreg:$0x0] =	wrdreg $0xFFFFFFFF;
	(pc) =	sbr.abs _section_cstart, $3  }
0xbf: {  	[dreg:$0x1] =	wrdreg $0xFFFFFFFF  }
0xc0: {  	_ =	task.clear_ibuf [dreg:s6], $0x2FFFF;
	_ =	strace $0x9FFFFFFF  }
0xc1: {  	(tm) =	ssettm $0x7FFFFFFF  }
tec
execute0_lowered:
.L_overlay_start_1:
0x0: {  	(tag) =	ssettag $0x1  }
0x1: {  	s0 =	stileid.u32;
	s6 =	rddreg [dreg:$0x0]  }
0x2: {  	s2 =	srdreg.scid;
	s1 =	rddreg [dreg:$0x1]  }
0x3: {  	s10 =	simm.s32 $0xD80;
	s11 =	simm.s32 $0x1;
	s13 =	simm.s32 $0x1D80  }
0x4: {  	s14 =	simm.s32 $0x2600;
	s15 =	simm.s32 $0x2E80;
	s16 =	simm.s32 $0x3280  }
0x5: {  	s17 =	simm.s32 $0x0;
	s3 =	sshll.u32 s0, $0x1;
	s4 =	sand.u32 $0x1, s2  }
0x6: {  	s2 =	simm.s32 $0x0;
	s5 =	sand.u32 $0x2, s3;
	s3 =	sshrl.u32 s0, $0x1  }
0x7: {  	[smem:$0x7FF] =	sst s2;
	s7 =	ssub.s32 $0x2, s4;
	s5 =	sor.u32 s4, s5  }
0x8: {  	s31 =	sshll.u32 s3, $0xC;
	s9 =	sshrl.u32 s7, $0x1;
	s12 =	sshll.u32 s5, $0xA  }
0x9: {  	_ =	strace $0x80000047;
	s9 =	ssub.s32 s7, s9;
	s5 =	sor.u32 s31, s12  }
0xa: {  	s4 =	sadd.s32 $0xA3200, s6;
	s9 =	smax.u32 s9, $0x1;
	s8 =	sshrl.u32 s5, $0x3  }
0xb: {  	v1 =	vimm.f32 $0.0e+00;
	vm0 =	vcmask $0x300;
	v0 =	vmov s12;
	s12 =	simm.s32 $0x1580;
	s5 =	sadd.s32 $0xA8200, s6;
	s8 =	sadd.s32 s8, s6  }
0xc: {  	v2 =	vimm.s32 $0x0;
	v3 =	vsel vm0, $0x3F800000, v1;
	vm0 =	vmmov $0x1;
	s6 =	sshrl.u32 s0, $0x3;
	s7 =	sadd.s32 $0xA9600, s8;
	s8 =	sadd.s32 $0xAA600, s8  }
.LBB2_1:
0xd: {  	s18 =	simm.s32 $0x40;
	s19 =	simm.s32 $0x0  }
.LBB2_2:
0xe: {  	p0 =	sne.s32 s18, $0x1000;
	[tilespmem:s19+$0x900] =	vst v1;
	s20 =	smov.u32 s18;
	s18 =	sadd.s32 $0x40, s18  }
.Ltmp0:
0xf: {  	[tilespmem:s19+$0x0] =	vst v1;
	(pc) =	sbr.rel @p0 .LBB2_2-.Ltmp0, $2  }
0x10: {  	[tilespmem:s19+$0x480] =	vst v1;
	_ =	sdelay $0x2  }
0x11: {  	s19 =	sshra.s32 s20, $0x2  }
.Ltmp1:
0x12: {  	(pc) =	sbr.rel .LBB2_4-.Ltmp1, $4  }
0x13: {  	_ = 	snop  }
0x14: {  	[tilespmem:s19+$0x900] =	vst v1  }
0x15: {  	[tilespmem:s19+$0x0] =	vst v1  }
0x16: {  	s18 =	simm.s32 $0x0;
	[tilespmem:s19+$0x480] =	vst v1;
	s19 =	simm.s32 $0x0  }
.LBB2_8:
0x17: {  	s21 =	simm.s32 $0x2600  }
.LBB2_12:
0x18: {  	(v2sf) =	vpush v4, $0x0;
	_ =	sdelay $0xc  }
0x19: {  	s21 =	sadd.s32 @p0 $0x1, s21  }
0x1a: {  	s20 =	smov.u32 @p0 s21  }
0x1b: {  	v4 =	vld [tilespmem:s20+$0x0];
	s31 =	spop (v2sf)  }
0x1c: {  	v5 =	vld [tilespmem:s31+$0x480]  }
0x1d: {  	v6 =	vld [tilespmem:s31+$0x900]  }
0x1e: {  	v7 =	vld [tilespmem:s31+$0x0];
	_ =	sdelay $0x2  }
0x1f: {  	v8 =	vnsel vm0, $0x0, v4;
	v4 =	vnsel vm0, $0xFF800000, v4  }
0x20: {  	v5 =	vadd.f32 v5, v8;
	v4 =	vmax.f32 v6, v4  }
0x21: {  	v63 =	vadd.f32 v3, v7;
	[tilespmem:s31+$0x900] =	vst v4  }
0x22: {  	[tilespmem:s31+$0x480] =	vst v5  }
0x23: {  	[tilespmem:s31+$0x0] =	vst v63  }
.LBB2_13:
0x24: {  	s19 =	sadd.s32 $0x1, s19  }
0x25: {  	p0 =	sne.s32 s19, $0xA  }
.Ltmp2:
0x26: {  	_ = 	snop;
	(pc) =	sbr.rel @!p0 .LBB2_14-.Ltmp2, $1  }
0x27: {  	_ =	sdelay $0x3  }
.LBB2_4:
0x28: {  	s20 =	sshll.u32 s19, $0x3  }
0x29: {  	s20 =	sor.u32 s3, s20  }
0x2a: {  	s20 =	smul.u32 $0xFA, s20;
	_ =	sdelay $0x1  }
0x2b: {  	s30 =	sshll.u32 s19, $0x1;
	s20 =	sadd.s32 s4, s20  }
0x2c: {  	[tilespmem:s10], [sflag:$0x1] =	stream.linear.gather [hbm4b:s20+s18], $0x7D0, $0x38;
	[tilespmem:$0x3680] =	vst v63  }
0x2d: {  	s20 =	sor.u32 s6, s30  }
0x2e: {  	_ =	swait.ge [sflag:s11], $0x7D0;
	s20 =	smul.u32 $0xFA, s20  }
0x2f: {  	[sflag:s11] =	ssyncset.done $0x0  }
0x30: {  	[sflag:s11] =	ssyncadd.s32 $0xFFFFF830;
	s20 =	sadd.s32 s5, s20  }
0x31: {  	[tilespmem:s12], [sflag:$0x1] =	stream.linear.gather [hbm4b:s20+s18], $0x7D0, $0x38;
	[tilespmem:$0x3680] =	vst v63  }
0x32: {  	_ =	swait.ge [sflag:s11], $0x7D0  }
0x33: {  	[sflag:s11] =	ssyncset.done $0x0  }
0x34: {  	s31 =	simm.s32 $0x0;
	[sflag:s11] =	ssyncadd.s32 $0xFFFFF830  }
0x35: {  	v4 =	vld [tilespmem:s31+$0xD80];
	_ =	sdelay $0x4  }
0x36: {  	v4 =	vsub.s32 v4, v0  }
0x37: {  	vm1 =	vlt.u32 v4, $0x400  }
0x38: {  	v5 =	vsel vm1, $0x1, v2  }
0x39: {  	(xrf0) =	vadd.scan.msk.s32 $0xffff, v5;
	_ =	sdelay $0x2  }
0x3a: {  	v5 =	vmov s18  }
0x3b: {  	v5 =	vadd.s32 $0xFFFFFFFF, v5  }
0x3c: {  	v5 =	vbroadcast v5, $0x0  }
0x3d: {  	v6, _, _ =	vpop (xrf0)  }
0x3e: {  	v5 =	vadd.s32 v6, v5;
	(v2sf) =	vpush v6, $0xF;
	_ =	sdelay $0x4  }
0x3f: {  	[tilespmem:v5+s13+$0x0] =	vst.idx.msk vm1, v4  }
0x40: {  	v4 =	vld [tilespmem:s31+$0x1580];
	_ =	sdelay $0x4  }
0x41: {  	s22 =	simm.s32 $0x80;
	s21 =	simm.s32 $0x0;
	s20 =	simm.s32 $0x10;
	[tilespmem:v5+s14+$0x0] =	vst.idx.msk vm1, v4  }
.LBB2_5:
0x42: {  	p0 =	seq.s32 s22, $0x1F00;
	v4 =	vld [tilespmem:s20+$0xD80];
	_ =	sdelay $0x2  }
0x43: {  	s23 =	spop (v2sf)  }
0x44: {  	s21 =	sadd.s32 s21, s23  }
0x45: {  	v4 =	vsub.s32 v4, v0;
	v5 =	vmov s21  }
0x46: {  	vm1 =	vlt.u32 v4, $0x400;
	v5 =	vadd.s32 $0xFFFFFFFF, v5  }
0x47: {  	v6 =	vsel vm1, $0x1, v2;
	v5 =	vbroadcast v5, $0x0  }
0x48: {  	(xrf0) =	vadd.scan.msk.s32 $0xffff, v6;
	_ =	sdelay $0x5  }
0x49: {  	v6, _, _ =	vpop (xrf0)  }
0x4a: {  	v5 =	vadd.s32 v6, v5;
	(v2sf) =	vpush v6, $0xF;
	_ =	sdelay $0x4  }
0x4b: {  	[tilespmem:v5+s13+$0x0] =	vst.idx.msk vm1, v4  }
0x4c: {  	v4 =	vld [tilespmem:s20+$0x1580]  }
.Ltmp3:
0x4d: {  	(pc) =	sbr.rel @!p0 .LBB2_5-.Ltmp3, $2  }
0x4e: {  	_ =	sdelay $0x2  }
0x4f: {  	s20 =	sshra.s32 s22, $0x2;
	s22 =	sadd.s32 $0x40, s22;
	[tilespmem:v5+s14+$0x0] =	vst.idx.msk vm1, v4  }
0x50: {  	v4 =	vld [tilespmem:s20+$0xD80];
	_ =	sdelay $0x4  }
0x51: {  	v4 =	vsub.s32 v4, v0  }
0x52: {  	vm1 =	vlt.u32 v4, $0x400  }
0x53: {  	v5 =	vsel vm1, $0x1, v2  }
0x54: {  	(xrf0) =	vadd.scan.msk.s32 $0xffff, v5;
	_ =	sdelay $0x5  }
0x55: {  	v5, _, _ =	vpop (xrf0)  }
0x56: {  	s22 =	spop (v2sf);
	(v2sf) =	vpush v5, $0xF;
	_ =	sdelay $0x3  }
0x57: {  	s21 =	sadd.s32 s21, s22  }
0x58: {  	v6 =	vmov s21  }
0x59: {  	v6 =	vadd.s32 $0xFFFFFFFF, v6  }
0x5a: {  	v6 =	vbroadcast v6, $0x0;
	_ =	sdelay $0x1  }
0x5b: {  	v5 =	vadd.s32 v5, v6;
	_ =	sdelay $0x4  }
0x5c: {  	[tilespmem:v5+s13+$0x0] =	vst.idx.msk vm1, v4  }
0x5d: {  	v4 =	vld [tilespmem:s20+$0x1580];
	s20 =	spop (v2sf)  }
0x5e: {  	s22 =	sadd.s32 s21, s20  }
0x5f: {  	p0 =	slt.s32 s22, $0x1  }
.Ltmp4:
0x60: {  	_ = 	snop;
	(pc) =	sbr.rel @p0 .LBB2_13-.Ltmp4, $2  }
0x61: {  	_ =	sdelay $0x2  }
0x62: {  	[tilespmem:v5+s14+$0x0] =	vst.idx.msk vm1, v4  }
0x63: {  	s21 =	sadd.s32 s21, s20  }
0x64: {  	s22 =	simm.s32 $0x1D80;
	p1 =	sne.s32 s21, $0x1  }
.Ltmp5:
0x65: {  	v4 =	vld [tilespmem:s22+$0x0];
	(pc) =	sbr.rel @!p1 .LBB2_8-.Ltmp5, $2  }
0x66: {  	_ =	sdelay $0x2  }
0x67: {  	s20 =	simm.s32 $0x2600;
	p0 =	por $0x0, $0x0;
	s21 =	sadd.s32 $0xFFFFFFFF, s21  }
0x68: {  	(v2sf) =	vpush v4, $0x0;
	_ =	sdelay $0xe  }
0x69: {  	v4 =	vld [tilespmem:s20+$0x0];
	s22 =	spop (v2sf)  }
0x6a: {  	v5 =	vld [tilespmem:s22+$0x480]  }
0x6b: {  	v6 =	vld [tilespmem:s22+$0x900]  }
0x6c: {  	v7 =	vld [tilespmem:s22+$0x0];
	_ =	sdelay $0x2  }
0x6d: {  	v8 =	vnsel vm0, $0x0, v4;
	v4 =	vnsel vm0, $0xFF800000, v4  }
0x6e: {  	v5 =	vadd.f32 v5, v8;
	v4 =	vmax.f32 v6, v4  }
0x6f: {  	v6 =	vadd.f32 v3, v7;
	[tilespmem:s22+$0x900] =	vst v4  }
0x70: {  	[tilespmem:s22+$0x480] =	vst v5  }
0x71: {  	p1 =	sne.s32 s21, $0x1;
	[tilespmem:s22+$0x0] =	vst v6;
	s22 =	simm.s32 $0x1D81  }
.Ltmp6:
0x72: {  	v4 =	vld [tilespmem:s22+$0x0];
	(pc) =	sbr.rel @!p1 .LBB2_10-.Ltmp6, $2  }
0x73: {  	_ =	sdelay $0x2  }
0x74: {  	s23 =	sadd.s32 $0xFFFFFFFF, s21;
	p0 =	por $0x1, $0x1;
	s21 =	simm.s32 $0x2600  }
.LBB2_11:
0x75: {  	p1 =	sne.s32 s23, $0x1;
	_ =	sdelay $0x3  }
0x76: {  	(v2sf) =	vpush v4, $0x0;
	_ =	sdelay $0xd  }
0x77: {  	s21 =	sadd.s32 $0x1, s21  }
0x78: {  	v4 =	vld [tilespmem:s21+$0x0];
	s24 =	spop (v2sf)  }
0x79: {  	v5 =	vld [tilespmem:s24+$0x480]  }
0x7a: {  	v6 =	vld [tilespmem:s24+$0x900]  }
0x7b: {  	v7 =	vld [tilespmem:s24+$0x0];
	_ =	sdelay $0x1  }
0x7c: {  	v8 =	vnsel vm0, $0x0, v4;
	v4 =	vnsel vm0, $0xFF800000, v4  }
0x7d: {  	v5 =	vadd.f32 v5, v8  }
.Ltmp7:
0x7e: {  	v4 =	vmax.f32 v6, v4;
	(pc) =	sbr.rel @p1 .LBB2_11-.Ltmp7, $4  }
0x7f: {  	v6 =	vadd.f32 v3, v7;
	[tilespmem:s24+$0x480] =	vst v5  }
0x80: {  	[tilespmem:s24+$0x900] =	vst v4  }
0x81: {  	s22 =	sadd.s32 $0x1, s22;
	[tilespmem:s24+$0x0] =	vst v6  }
0x82: {  	s23 =	sadd.s32 $0xFFFFFFFF, s23;
	v4 =	vld [tilespmem:s22+$0x0]  }
.Ltmp8:
0x83: {  	_ = 	snop;
	(pc) =	sbr.rel .LBB2_12-.Ltmp8, $1  }
0x84: {  	_ =	sdelay $0x3  }
.LBB2_10:
.Ltmp9:
0x85: {  	(pc) =	sbr.rel .LBB2_12-.Ltmp9, $2  }
0x86: {  	_ =	sdelay $0x2  }
0x87: {  	s21 =	simm.s32 $0x2600  }
.LBB2_14:
0x88: {  	s19 =	simm.s32 $0x0  }
0x89: {  	v4 =	vld [tilespmem:s19+$0x0];
	_ =	sdelay $0x4  }
0x8a: {  	v4 =	vmax.f32 v4, $1.000000000e+00  }
0x8b: {  	(erf) = vrcp.f32 v4;
	_ =	sdelay $0x1  }
0x8c: {  	s18 =	simm.s32 $0x10;
	v5 =	vld [tilespmem:s19+$0x900]  }
0x8d: {  	v4 =	vld [tilespmem:s18+$0x0];
	_ =	sdelay $0x3  }
0x8e: {  	v6 =	vld [tilespmem:s18+$0x900]  }
0x8f: {  	s20 =	simm.s32 $0x20;
	v7 =	vld [tilespmem:s19+$0x480];
	[tilespmem:s19+$0x3280] =	vst v5;
	v8 =	vmax.f32 v4, $1.000000000e+00  }
0x90: {  	v5 =	vld [tilespmem:s20+$0x0];
	v9 =	vpop (erf);
	(erf) = vrcp.f32 v8;
	_ =	sdelay $0x1  }
0x91: {  	v4 =	vld [tilespmem:s20+$0x900];
	_ =	sdelay $0x1  }
0x92: {  	s21 =	simm.s32 $0xC0;
	[tilespmem:s18+$0x3280] =	vst v6;
	v6 =	vmul.f32 v9, v7  }
.LBB2_15:
0x93: {  	s22 =	sshra.s32 s21, $0x2;
	p0 =	sne.s32 s21, $0xFC0;
	s21 =	sadd.s32 $0x40, s21;
	v7 =	vmax.f32 v5, $1.000000000e+00;
	v8 =	vld [tilespmem:s18+$0x480]  }
.Ltmp10:
0x94: {  	v5 =	vld [tilespmem:s22+$0x0];
	(erf) = vrcp.f32 v7;
	[tilespmem:s19+$0x2E80] =	vst v6;
	s19 =	smov.u32 s18;
	s18 =	smov.u32 s20;
	(pc) =	sbr.rel @p0 .LBB2_15-.Ltmp10, $3  }
0x95: {  	s20 =	smov.u32 s22;
	[tilespmem:s18+$0x3280] =	vst v4;
	v4 =	vld [tilespmem:s22+$0x900];
	_ =	sdelay $0x1  }
0x96: {  	v6 =	vpop (erf)  }
0x97: {  	v6 =	vmul.f32 v6, v8  }
0x98: {  	v5 =	vmax.f32 v5, $1.000000000e+00  }
0x99: {  	(erf) = vrcp.f32 v5;
	_ =	sdelay $0x3  }
0x9a: {  	v5 =	vld [tilespmem:s18+$0x480];
	[tilespmem:s19+$0x2E80] =	vst v6  }
0x9b: {  	[tilespmem:s20+$0x3280] =	vst v4;
	v4 =	vld [tilespmem:s20+$0x480];
	_ =	sdelay $0x2  }
0x9c: {  	v62 =	vpop (erf)  }
0x9d: {  	v5 =	vmul.f32 v62, v5;
	v63 =	vpop (erf)  }
0x9e: {  	v4 =	vmul.f32 v63, v4  }
0x9f: {  	[tilespmem:s18+$0x2E80] =	vst v5  }
0xa0: {  	[tilespmem:s20+$0x2E80] =	vst v4  }
0xa1: {  	[hbm4b:s7+s2] =	stream.linear.scatter [tilespmem:s15], [sflag:$0x1], $0x400, $0x38;
	[tilespmem:$0x3680] =	vst v63  }
0xa2: {  	s17 =	sadd.s32 $0x1, s17;
	_ =	swait.ge [sflag:s11], $0x400  }
0xa3: {  	p0 =	sne.s32 s17, s9;
	[sflag:s11] =	ssyncset.done $0x0  }
.Ltmp11:
0xa4: {  	[sflag:s11] =	ssyncadd.s32 $0xFFFFFC00;
	(pc) =	sbr.rel @p0 .LBB2_1-.Ltmp11, $4  }
0xa5: {  	[hbm4b:s8+s2] =	stream.linear.scatter [tilespmem:s16], [sflag:$0x1], $0x400, $0x38;
	[tilespmem:$0x3680] =	vst v63  }
0xa6: {  	_ =	swait.ge [sflag:s11], $0x400  }
0xa7: {  	[sflag:s11] =	ssyncset.done $0x0  }
0xa8: {  	[sflag:s11] =	ssyncadd.s32 $0xFFFFFC00  }
0xa9: {  	_ =	sfence.sel $0x180000  }
0xaa: {  	[bflag:$0x0] =	sbarrier.arrive $0xFFFF  }
0xab: {  	p0 =	sne.s32 s0, $0x0;
	_ =	strace $0x90000047  }
0xac: {  	s0 =	sadd.s32 @!p0 $0x100000, s1;
	[bflag:$0x2] =	sbarrier.arrive $0xFFFF  }
0xad: {  	[sflag:s0] =	ssyncadd.tile.s32 @!p0 $0x1;
	_ =	shalt  }
.Lfunc_end2:
_tile_overlayer_lowered:
.L_overlay_start_2:
0xae: {  	(tag) =	ssettag $0x2  }
0xaf: {  	s0 =	rddreg [dreg:$0x0];
	s2 =	stileid.u32  }
0xb0: {  	s1 =	rddreg [dreg:$0x1];
	p0 =	sne.s32 s2, $0x0  }
0xb1: {  	s3 =	rddreg [dreg:$0x2];
	[bflag:$0x3] =	sbarrier.arrive $0xFFFF;
	s2 =	simm.s32 @!p0 $0x1C01  }
0xb2: {  	[timem:s3], [sflag:s2] =	dma.local @!p0 [hbm:s0], s1  }
0xb3: {  	s0 =	simm.s32 @!p0 $0x1  }
0xb4: {  	_ =	swait.ge @!p0 [sflag:s0], s1  }
0xb5: {  	s1 =	ssub.s32 @!p0 $0x0, s1;
	[sflag:s0] =	ssyncset.done @!p0 $0x0  }
0xb6: {  	[sflag:s0] =	ssyncadd.s32 @!p0 s1  }
0xb7: {  	[bflag:$0x3] =	sbarrier.arrive $0xFFFF  }
0xb8: {  	_ =	shalt  }

// kernel: kernel.13.cloned.1.call-start
scs
__scs_entry_jumppad:
0x0: {  	(pc) =	sbr.rel $0x88, $3  }
0x1: {  	(tag) =	ssettag $0x0;
	lr =	simm.s32 $0x1  }
0x2: {  	[smem:$0x3F79] =	sst lr;
	_ =	strace $0xD0000000  }
0x3: {  	_ = 	snop  }
0x4: {  	_ = 	snop  }
0x5: {  	_ = 	snop  }
0x6: {  	_ = 	snop  }
0x7: {  	_ = 	snop  }
__scs_overlays_trampoline_lowered:
0x8: {  	[smem:$0x3F88] =	sst s0  }
0x9: {  	[smem:$0x3F89] =	sst s1  }
0xa: {  	[smem:$0x3F8A] =	sst s2  }
0xb: {  	[smem:$0x3F8B] =	sst s3  }
0xc: {  	[smem:$0x3F8C] =	sst s4  }
0xd: {  	[smem:$0x3F8D] =	sst s5  }
0xe: {  	[smem:$0x3F8E] =	sst s6  }
0xf: {  	[smem:$0x3F8F] =	sst s7  }
0x10: {  	[smem:$0x3F90] =	sst s8  }
0x11: {  	[smem:$0x3F91] =	sst s9;
	s0 =	simm.s32 @!p0 $0x0  }
0x12: {  	s1 =	sld [smem:$0x3F77];
	s0 =	simm.s32 @p0 $0x1  }
0x13: {  	[smem:$0x3F92] =	sst s0;
	s0 =	simm.s32 @!p1 $0x0  }
0x14: {  	s2 =	sld [smem:$0x3F76];
	s0 =	simm.s32 @p1 $0x1  }
0x15: {  	[smem:$0x3F93] =	sst s0;
	s0 =	simm.s32 @!p2 $0x0  }
0x16: {  	s3 =	sld [smem:$0x3FDB];
	s0 =	simm.s32 @p2 $0x1  }
0x17: {  	s4 =	simm.s32 $0x1BF5;
	[smem:$0x3F95] =	sst s0  }
0x18: {  	s0 =	sld [smem:$0x3F78];
	_ =	swait.ge [sflag:s4], $0x0  }
0x19: {  	s7 =	sld [smem:$0x3F79]  }
0x1a: {  	s8 =	sadd.s32 $0xFFFFE003, lr  }
0x1b: {  	s9 =	sadd.s32 $0xFFFFFEF7, lr;
	s5 =	simm.s32 $0xFFFFFFFF;
	p2 =	slt.u32 s8, $0xFFFFF086  }
0x1c: {  	p1 =	slt.u32 s9, $0xF7A;
	s5 =	simm.s32 @!p2 $0x0  }
0x1d: {  	s5 =	simm.s32 @p1 $0x1;
	p0 =	seq.s32 s7, s2  }
0x1e: {  	s7 =	smul.u32 @!p0 $0xF7A, s2;
	p2 =	seq.s32 @!p0 s5, $0x0  }
0x1f: {  	s9 =	smul.u32 $0xF7A, s1;
	s8 =	simm.s32 @!p0 $0x1BF5;
	p2 =	por !p2, p0  }
0x20: {  	[sflag:s8] =	ssyncset.s32 @!p0 $0xFFFFF086;
	s6 =	sadd.s32 @!p0 s3, s7;
	s7 =	simm.s32 @!p0 $0x108  }
0x21: {  	s3 =	sadd.s32 s3, s9;
	s6 =	sadd.s32 @!p0 $0x88, s6;
	s7 =	simm.s32 @p2 $0x1082  }
0x22: {  	[simem:s7], [sflag:s8] =	dma.local @!p0 [hbm:s6], $0xF7A  }
0x23: {  	s9 =	sor.u32 $0xD0000000, s2;
	s6 =	simm.s32 $0x108;
	_ =	swait.ge @!p0 [sflag:s8], $0x0  }
0x24: {  	s3 =	sadd.s32 $0x88, s3;
	s6 =	simm.s32 @!p1 $0x1082;
	[sflag:s4] =	ssyncset.s32 $0xFFFFF086  }
0x25: {  	[simem:s6], [sflag:s4] =	dma.local [hbm:s3], $0xF7A  }
0x26: {  	[smem:$0x3F79] =	sst s1;
	(tag) =	ssettag s2;
	_ =	strace s9  }
0x27: {  	s1 =	sld [smem:$0x3F89]  }
0x28: {  	s2 =	sld [smem:$0x3F8A]  }
0x29: {  	s4 =	sld [smem:$0x3F8C]  }
0x2a: {  	p0 =	seq.s32 s5, $0x0;
	s5 =	sld [smem:$0x3F8D]  }
0x2b: {  	s6 =	sld [smem:$0x3F8E]  }
0x2c: {  	s7 =	sld [smem:$0x3F8F]  }
0x2d: {  	s3 =	simm.s32 $0x108;
	s8 =	sld [smem:$0x3F90]  }
0x2e: {  	s3 =	simm.s32 @!p0 $0x1082;
	s9 =	sld [smem:$0x3F91]  }
0x2f: {  	lr =	sadd.s32 s0, s3;
	s0 =	sld [smem:$0x3F88]  }
0x30: {  	s3 =	sld [smem:$0x3F8B]  }
0x31: {  	[smem:$0x3F94] =	sst s10  }
0x32: {  	s10 =	sld [smem:$0x3F92];
	_ =	sdelay $0x3  }
0x33: {  	p0 =	seq.s32 s10, $0x1;
	s10 =	sld [smem:$0x3F94];
	_ =	sdelay $0x3  }
0x34: {  	[smem:$0x3F94] =	sst s10  }
0x35: {  	s10 =	sld [smem:$0x3F93];
	_ =	sdelay $0x3  }
0x36: {  	p1 =	seq.s32 s10, $0x1;
	s10 =	sld [smem:$0x3F94];
	_ =	sdelay $0x3  }
0x37: {  	[smem:$0x3F94] =	sst s10  }
0x38: {  	s10 =	sld [smem:$0x3F95]  }
0x39: {  	_ = 	snop;
	(pc) =	sbr.ind lr, $3  }
0x3a: {  	_ = 	snop  }
0x3b: {  	_ = 	snop  }
0x3c: {  	p2 =	seq.s32 s10, $0x1;
	s10 =	sld [smem:$0x3F94]  }
0x3d: {  	_ =	shalt  }
0x3e: {  	_ =	shalt  }
0x3f: {  	_ =	shalt  }
0x40: {  	_ =	shalt  }
0x41: {  	_ =	shalt  }
0x42: {  	_ =	shalt  }
0x43: {  	_ =	shalt  }
0x44: {  	_ =	shalt  }
0x45: {  	_ =	shalt  }
0x46: {  	_ =	shalt  }
0x47: {  	_ =	shalt  }
0x48: {  	_ =	shalt  }
0x49: {  	_ =	shalt  }
0x4a: {  	_ =	shalt  }
0x4b: {  	_ =	shalt  }
0x4c: {  	_ =	shalt  }
0x4d: {  	_ =	shalt  }
0x4e: {  	_ =	shalt  }
0x4f: {  	_ =	shalt  }
0x50: {  	_ =	shalt  }
0x51: {  	_ =	shalt  }
0x52: {  	_ =	shalt  }
0x53: {  	_ =	shalt  }
0x54: {  	_ =	shalt  }
0x55: {  	_ =	shalt  }
0x56: {  	_ =	shalt  }
0x57: {  	_ =	shalt  }
0x58: {  	_ =	shalt  }
0x59: {  	_ =	shalt  }
0x5a: {  	_ =	shalt  }
0x5b: {  	_ =	shalt  }
0x5c: {  	_ =	shalt  }
0x5d: {  	_ =	shalt  }
0x5e: {  	_ =	shalt  }
0x5f: {  	_ =	shalt  }
0x60: {  	_ =	shalt  }
0x61: {  	_ =	shalt  }
0x62: {  	_ =	shalt  }
0x63: {  	_ =	shalt  }
0x64: {  	_ =	shalt  }
0x65: {  	_ =	shalt  }
0x66: {  	_ =	shalt  }
0x67: {  	_ =	shalt  }
0x68: {  	_ =	shalt  }
0x69: {  	_ =	shalt  }
0x6a: {  	_ =	shalt  }
0x6b: {  	_ =	shalt  }
0x6c: {  	_ =	shalt  }
0x6d: {  	_ =	shalt  }
0x6e: {  	_ =	shalt  }
0x6f: {  	_ =	shalt  }
0x70: {  	_ =	shalt  }
0x71: {  	_ =	shalt  }
0x72: {  	_ =	shalt  }
0x73: {  	_ =	shalt  }
0x74: {  	_ =	shalt  }
0x75: {  	_ =	shalt  }
0x76: {  	_ =	shalt  }
0x77: {  	_ =	shalt  }
0x78: {  	_ =	shalt  }
0x79: {  	_ =	shalt  }
0x7a: {  	_ =	shalt  }
0x7b: {  	_ =	shalt  }
0x7c: {  	_ =	shalt  }
0x7d: {  	_ =	shalt  }
0x7e: {  	_ =	shalt  }
0x7f: {  	_ =	shalt  }
0x80: {  	_ =	shalt  }
0x81: {  	_ =	shalt  }
0x82: {  	_ =	shalt  }
0x83: {  	_ =	shalt  }
0x84: {  	_ =	shalt  }
0x85: {  	_ =	shalt  }
0x86: {  	_ =	shalt  }
0x87: {  	_ =	shalt  }
.Lfunc_end0:
.L_simem_size_0:
called_computation.1_lowered:
.L_overlay_start_0:
0x88: {  	s2 =	sld [smem:$0x3FD9]  }
0x89: {  	s3 =	sld [smem:$0x3FFE];
	_ =	sdelay $0x1  }
0x8a: {  	s1 =	srdreg.scid  }
0x8b: {  	s0 =	sand.u32 $0x1, s1  }
0x8c: {  	s15 =	sshll.u32 s0, $0xA;
	s2 =	sadd.s32 s3, s2  }
0x8d: {  	s2 =	sadd.s32 s2, s15  }
0x8e: {  	[smem:$0x3FA0] =	sst s2  }
0x8f: {  	_ = 	snop  }
0x90: {  	s2 =	sld [smem:$0x3FD0];
	_ =	sdelay $0x2  }
0x91: {  	s16 =	simm.s32 $0xB;
	s4 =	simm.s32 $0x10  }
0x92: {  	[smem:s4], [sflag:s16] =	dma.local [hbm:s2], $0x1  }
0x93: {  	_ =	swait.eq [sflag:s16], $0x1  }
0x94: {  	[sflag:s16] =	ssyncset.done $0x0  }
0x95: {  	[sflag:s16] =	ssyncadd.s32 $0xFFFFFFFF  }
0x96: {  	s17 =	sld [smem:$0x10];
	(tm) =	ssettm $0x1  }
0x97: {  	s18 =	sld [smem:$0x3FFB];
	_ =	sdelay $0x3  }
0x98: {  	_ =	strace s18  }
0x99: {  	s2 =	sld [smem:$0x3FFC];
	_ =	sdelay $0x3  }
0x9a: {  	_ =	strace s2  }
0x9b: {  	s2 =	sld [smem:$0x3FFD];
	_ =	sdelay $0x3  }
0x9c: {  	_ =	strace s2  }
0x9d: {  	_ =	strace $0x8FFFFFFF  }
0x9e: {  	s19 =	sld [smem:$0x3FDB];
	_ =	sdelay $0x1  }
0x9f: {  	s20 =	simm.s32 $_scs_section_size  }
0xa0: {  	s5 =	simm.s32 $_size__tile_overlayer_lowered;
	s6 =	simm.s32 $_tile_overlayer_lowered  }
0xa1: {  	s7 =	simm.s32 $0x1BFF;
	s21 =	sshll.u32 s6, $0x1;
	s4 =	sadd.s32 s20, s19  }
0xa2: {  	s22 =	simm.s32 $0x0;
	s5 =	sshll.u32 s5, $0x1;
	s6 =	sadd.s32 s21, s4  }
0xa3: {  	[timem:s22], [sflag:s7] =	dma.local [hbm:s6], s5  }
0xa4: {  	_ =	swait.ge [sflag:s7], s5  }
0xa5: {  	s5 =	ssub.s32 $0x0, s5;
	[sflag:s7] =	ssyncset.done $0x0  }
0xa6: {  	[sflag:s7] =	ssyncadd.s32 s5;
	_ =	sdelay $0x1  }
0xa7: {  	s23 =	simm.s32 $0x1B8B  }
0xa8: {  	_ =	swait.ge [sflag:s23], $0x1  }
0xa9: {  	[sflag:s23] =	ssyncset.done $0x0  }
0xaa: {  	[sflag:s23] =	ssyncadd.s32 $0xFFFFFFFF  }
0xab: {  	s5 =	sld [smem:$0x0]  }
0xac: {  	s6 =	sand.u32 $0xFFFFFFFE, s1  }
0xad: {  	p0 =	sne.s32 s1, s6  }
0xae: {  	s6 =	sshll.u32 @p0 s6, $0xE  }
0xaf: {  	s6 =	sadd.s32 @p0 $0x11B8D, s6;
	s7 =	sshll.u32 @p0 s5, $0x11  }
0xb0: {  	s6 =	sor.u32 @p0 s7, s6  }
0xb1: {  	[sflag:s6] =	ssyncadd.remote.s32 @p0 $0x1;
	_ =	sdelay $0x1  }
0xb2: {  	s6 =	simm.s32 @p0 $0x1B8D  }
0xb3: {  	_ =	swait.eq @p0 [sflag:s6], $0x1  }
0xb4: {  	[sflag:s6] =	ssyncadd.s32 @p0 $0xFFFFFFFF  }
0xb5: {  	s7 =	sshll.u32 @!p0 s1, $0xE  }
0xb6: {  	s7 =	sor.u32 @!p0 $0x4000, s7;
	s6 =	simm.s32 @!p0 $0x1B8D  }
0xb7: {  	s5 =	sshll.u32 @!p0 s5, $0x11;
	s7 =	sadd.s32 @!p0 $0x11B8D, s7;
	_ =	swait.eq @!p0 [sflag:s6], $0x1  }
0xb8: {  	s5 =	sor.u32 @!p0 s5, s7;
	[sflag:s6] =	ssyncadd.s32 @!p0 $0xFFFFFFFF  }
0xb9: {  	s25 =	simm.s32 $0x1B8E;
	s24 =	sld [smem:$0x3FFE];
	[sflag:s5] =	ssyncadd.remote.s32 @!p0 $0x1  }
0xba: {  	s26 =	simm.s32 $execute0_lowered;
	[smem:$0x3FD2] =	sst s25  }
0xbb: {  	s6 =	sshll.u32 s26, $0x1;
	_ =	strace $0x80000049;
	[dreg:$0x1] =	wrdreg $0xFFFFFFFF  }
0xbc: {  	s28 =	simm.s32 $_size_execute0_lowered;
	s4 =	sadd.s32 s4, s6;
	[dreg:$0x0] =	wrdreg $0x0  }
0xbd: {  	s6 =	sshll.u32 s28, $0x1;
	[dreg:$0x2] =	wrdreg s4  }
0xbe: {  	[dreg:$0x3] =	wrdreg s6  }
0xbf: {  	[dreg:$0x4] =	wrdreg $0xC0  }
0xc0: {  	_ =	task [dreg:s22], $0x5FFFF  }
0xc1: {  	[dreg:$0x1] =	wrdreg $0xFFFFFFFF  }
0xc2: {  	[dreg:$0x0] =	wrdreg $0x60  }
0xc3: {  	[dreg:$0x2] =	wrdreg s24  }
0xc4: {  	[dreg:$0x3] =	wrdreg s17  }
0xc5: {  	[dreg:$0x4] =	wrdreg $0xA  }
0xc6: {  	_ =	task.clear_ibuf [dreg:s22], $0x5FFFF;
	_ =	strace $0x90000049  }
0xc7: {  	s29 =	simm.s32 $0xA;
	_ =	strace $0x8000004B  }
0xc8: {  	_ =	swait.ge [sflag:s29], $0x1  }
0xc9: {  	[sflag:s29] =	ssyncadd.s32 $0xFFFFFFFF  }
0xca: {  	_ =	strace $0x9000004B  }
0xcb: {  	_ =	sfence  }
0xcc: {  	s30 =	sld [smem:$0x0];
	_ =	sdelay $0x2  }
0xcd: {  	s31 =	sshll.u32 s1, $0xD;
	s1 =	sshrl.u32 s1, $0x2  }
0xce: {  	s4 =	sand.u32 $0x4000, s31;
	s1 =	sadd.s32 s1, s30  }
0xcf: {  	s0 =	sor.u32 s4, s0;
	s1 =	sshll.u32 s1, $0x11  }
0xd0: {  	s0 =	sor.u32 s1, s0  }
0xd1: {  	s0 =	sadd.s32 $0x8F2B, s0  }
0xd2: {  	[sflag:s0] =	ssyncadd.remote.s32 $0x1  }
0xd3: {  	_ =	sfence.sel $0xFFFF  }
0xd4: {  	[dreg:$0x0] =	wrdreg $0xFFFFFFFF;
	(pc) =	sbr.abs _section_cstart, $3  }
0xd5: {  	[dreg:$0x1] =	wrdreg $0xFFFFFFFF  }
0xd6: {  	_ =	task.clear_ibuf [dreg:s22], $0x2FFFF;
	_ =	strace $0x9FFFFFFF  }
0xd7: {  	(tm) =	ssettm $0x7FFFFFFF  }
tec
execute0_lowered:
.L_overlay_start_1:
0x0: {  	(tag) =	ssettag $0x1  }
0x1: {  	s4 =	rddreg [dreg:$0x0]  }
0x2: {  	s8 =	rddreg [dreg:$0x1]  }
0x3: {  	s0 =	rddreg [dreg:$0x2]  }
0x4: {  	s2 =	simm.s32 $0x0;
	s1 =	stileid.u32;
	s3 =	srdreg.scid  }
0x5: {  	s15 =	simm.s32 $0x20;
	s16 =	simm.s32 $0x11900;
	s17 =	simm.s32 $0x0  }
0x6: {  	[smem:$0x7FF] =	sst s2;
	s5 =	sshll.u32 s1, $0x1;
	s6 =	sand.u32 $0x1, s3  }
0x7: {  	s3 =	sadd.s32 $0xA3200, s4;
	s4 =	sadd.s32 $0x6E00, s4;
	s5 =	sand.u32 $0x2, s5  }
0x8: {  	s31 =	sshrl.u32 s1, $0x3;
	_ =	strace $0x8000004A;
	s7 =	sor.u32 s6, s5  }
0x9: {  	s6 =	ssub.s32 $0x2, s6;
	s5 =	sshrl.u32 s1, $0x1;
	s12 =	sshll.u32 s7, $0x9  }
0xa: {  	s28 =	sshrl.u32 s6, $0x1;
	s9 =	sshll.u32 s5, $0xC;
	s13 =	sor.u32 $0x800, s12  }
.Ltmp0:
0xb: {  	s10 =	ssub.s32 s6, s28;
	s29 =	sor.u32 s9, s12;
	(pc) =	sbr.rel .LBB2_1-.Ltmp0, $4  }
0xc: {  	s6 =	smul.u32 $0x4E20, s31;
	v0 =	vmov s12;
	s12 =	simm.s32 $0x10800;
	s30 =	sor.u32 s9, s13  }
0xd: {  	s11 =	sshll.u32 s29, $0x4;
	s9 =	smax.u32 s10, $0x1;
	s10 =	simm.s32 $0x10000  }
0xe: {  	v1 =	vmov s13;
	s13 =	simm.s32 $0x11080;
	s14 =	sshll.u32 s30, $0x4;
	s7 =	sadd.s32 s8, s11  }
0xf: {  	v2 =	vimm.f32 $0.0e+00;
	v3 =	vimm.s32 $0x0;
	v4 =	vlaneseq.u32;
	s11 =	simm.s32 $0x2;
	s8 =	sadd.s32 s8, s14;
	s14 =	simm.s32 $0x1  }
.LBB2_27:
0x10: {  	s17 =	sadd.s32 $0x1, s17  }
0x11: {  	p0 =	sne.s32 s17, s9  }
.Ltmp1:
0x12: {  	_ = 	snop;
	(pc) =	sbr.rel @!p0 .LBB2_28-.Ltmp1, $4  }
0x13: {  	[hbm4b:s8+s2] =	stream.linear.scatter [tilespmem:s2], [sflag:$0x2], $0x10000, $0x38;
	[tilespmem:$0x13900] =	vst v63  }
0x14: {  	_ =	swait.ge [sflag:s11], $0x10000  }
0x15: {  	[sflag:s11] =	ssyncset.done $0x0  }
0x16: {  	[sflag:s11] =	ssyncadd.s32 $0xFFFF0000  }
.LBB2_1:
0x17: {  	s18 =	simm.s32 $0x40;
	s19 =	simm.s32 $0x0  }
.LBB2_2:
0x18: {  	p0 =	sne.s32 s18, $0x3FFC0;
	[tilespmem:s19+$0x0] =	vst v2;
	s19 =	smov.u32 s18;
	s18 =	sadd.s32 $0x40, s18  }
.Ltmp2:
0x19: {  	(pc) =	sbr.rel @p0 .LBB2_2-.Ltmp2, $2  }
0x1a: {  	_ =	sdelay $0x2  }
0x1b: {  	s19 =	sshra.s32 s19, $0x2  }
.Ltmp3:
0x1c: {  	(pc) =	sbr.rel .LBB2_4-.Ltmp3, $2  }
0x1d: {  	_ =	sdelay $0x2  }
0x1e: {  	[tilespmem:s19+$0x0] =	vst v2;
	s18 =	simm.s32 $0x0;
	s19 =	smov.u32 s6;
	s20 =	simm.s32 $0x0  }
.LBB2_13:
0x1f: {  	s20 =	sadd.s32 $0x1, s20  }
0x20: {  	p0 =	sne.s32 s20, $0xA  }
.Ltmp4:
0x21: {  	_ = 	snop;
	(pc) =	sbr.rel @!p0 .LBB2_14-.Ltmp4, $2  }
0x22: {  	_ =	sdelay $0x2  }
0x23: {  	s19 =	sadd.s32 $0x7D0, s19  }
.LBB2_4:
0x24: {  	s21 =	sshll.u32 s20, $0x3  }
0x25: {  	s21 =	sor.u32 s5, s21  }
0x26: {  	s21 =	smul.u32 $0xFA, s21;
	_ =	sdelay $0x1  }
0x27: {  	s21 =	sadd.s32 s3, s21  }
0x28: {  	[tilespmem:s10], [sflag:$0x2] =	stream.linear.gather [hbm4b:s21+s18], $0x7D0, $0x38;
	[tilespmem:$0x13900] =	vst v63  }
0x29: {  	_ =	swait.ge [sflag:s11], $0x7D0  }
0x2a: {  	[sflag:s11] =	ssyncset.done $0x0  }
0x2b: {  	s30 =	simm.s32 $0x0;
	[sflag:s11] =	ssyncadd.s32 $0xFFFFF830  }
0x2c: {  	v5 =	vld [tilespmem:s30+$0x10000];
	_ =	sdelay $0x4  }
0x2d: {  	v5 =	vsub.s32 v5, v0  }
0x2e: {  	vm0 =	vlt.u32 v5, $0x200  }
0x2f: {  	v6 =	vsel vm0, $0x1, v3  }
0x30: {  	(xrf0) =	vadd.scan.msk.s32 $0xffff, v6;
	_ =	sdelay $0x2  }
0x31: {  	v6 =	vmov s18  }
0x32: {  	v6 =	vadd.s32 $0xFFFFFFFF, v6  }
0x33: {  	v6 =	vbroadcast v6, $0x0  }
0x34: {  	v7, _, _ =	vpop (xrf0)  }
0x35: {  	v6 =	vadd.s32 v7, v6;
	(v2sf) =	vpush v7, $0xF;
	_ =	sdelay $0x3  }
0x36: {  	s31 =	smul.u32 $0x7D0, s20;
	v8 =	vor.u32 s19, v4  }
0x37: {  	s25 =	simm.s32 $0x10;
	s24 =	simm.s32 $0x80;
	[tilespmem:v6+s12+$0x0] =	vst.idx.msk vm0, v8  }
0x38: {  	s23 =	smov.u32 s19;
	s22 =	sadd.s32 s6, s31;
	s21 =	simm.s32 $0x0;
	[tilespmem:v6+s13+$0x0] =	vst.idx.msk vm0, v5  }
.LBB2_5:
0x39: {  	p0 =	sne.s32 s24, $0x1F00;
	v5 =	vld [tilespmem:s25+$0x10000];
	_ =	sdelay $0x4  }
0x3a: {  	v5 =	vsub.s32 v5, v0  }
0x3b: {  	vm0 =	vlt.u32 v5, $0x200  }
0x3c: {  	v6 =	vsel vm0, $0x1, v3  }
0x3d: {  	(xrf0) =	vadd.scan.msk.s32 $0xffff, v6;
	s25 =	spop (v2sf)  }
0x3e: {  	s21 =	sadd.s32 s21, s25  }
0x3f: {  	v6 =	vmov s21  }
0x40: {  	v6 =	vadd.s32 $0xFFFFFFFF, v6  }
0x41: {  	v6 =	vbroadcast v6, $0x0;
	_ =	sdelay $0x1  }
0x42: {  	v7, _, _ =	vpop (xrf0)  }
0x43: {  	v6 =	vadd.s32 v7, v6;
	(v2sf) =	vpush v7, $0xF;
	_ =	sdelay $0x1  }
.Ltmp5:
0x44: {  	(pc) =	sbr.rel @p0 .LBB2_5-.Ltmp5, $4  }
0x45: {  	s23 =	sadd.s32 $0x10, s23  }
0x46: {  	v7 =	vor.u32 s23, v4  }
0x47: {  	[tilespmem:v6+s12+$0x0] =	vst.idx.msk vm0, v7  }
0x48: {  	s25 =	sshra.s32 s24, $0x2;
	s24 =	sadd.s32 $0x40, s24;
	[tilespmem:v6+s13+$0x0] =	vst.idx.msk vm0, v5  }
0x49: {  	v5 =	vld [tilespmem:s25+$0x10000];
	_ =	sdelay $0x4  }
0x4a: {  	v5 =	vsub.s32 v5, v0  }
0x4b: {  	vm0 =	vlt.u32 v5, $0x200  }
0x4c: {  	v6 =	vsel vm0, $0x1, v3  }
0x4d: {  	(xrf0) =	vadd.scan.msk.s32 $0xffff, v6;
	_ =	sdelay $0x5  }
0x4e: {  	v6, _, _ =	vpop (xrf0)  }
0x4f: {  	(v2sf) =	vpush v6, $0xF;
	_ =	sdelay $0xa  }
0x50: {  	s24 =	spop (v2sf)  }
0x51: {  	s21 =	sadd.s32 s21, s24  }
0x52: {  	v7 =	vmov s21  }
0x53: {  	v7 =	vadd.s32 $0xFFFFFFFF, v7  }
0x54: {  	v7 =	vbroadcast v7, $0x0;
	s26 =	spop (v2sf)  }
0x55: {  	s21 =	sadd.s32 s21, s26  }
0x56: {  	v6 =	vadd.s32 v6, v7;
	s24 =	sadd.s32 $0x1F, s21  }
0x57: {  	s26 =	sand.u32 $0x1F, s24  }
0x58: {  	s29 =	sshra.s32 s24, $0x1F;
	p1 =	slt.s32 s24, $0x1;
	p0 =	sne.s32 s26, $0x0  }
0x59: {  	s23 =	sadd.s32 $0x10, s23;
	s30 =	sshrl.u32 s29, $0x1B;
	p0 =	por !p1, !p0  }
0x5a: {  	v9 =	vor.u32 s23, v4;
	s31 =	sadd.s32 s30, s24;
	s24 =	simm.s32 $0x1;
	p0 =	por !p0, !p0  }
0x5b: {  	[tilespmem:v6+s12+$0x0] =	vst.idx.msk vm0, v9;
	s23 =	sshra.s32 s31, $0x5;
	s24 =	simm.s32 @!p0 $0x0  }
0x5c: {  	[tilespmem:v6+s13+$0x0] =	vst.idx.msk vm0, v5;
	v5 =	vmov s22;
	s28 =	sadd.s32 $0x10, s21;
	v7 =	vadd.s32 s21, v4;
	s22 =	ssub.s32 s23, s24  }
0x5d: {  	v8 =	vadd.s32 s28, v4;
	p0 =	slt.s32 s22, $0x1  }
.Ltmp6:
0x5e: {  	_ = 	snop;
	(pc) =	sbr.rel @p0 .LBB2_13-.Ltmp6, $3  }
0x5f: {  	_ =	sdelay $0x1  }
0x60: {  	[tilespmem:v7+s12+$0x0] =	vst.idx.msk $0xffff, v5  }
0x61: {  	[tilespmem:v8+s12+$0x0] =	vst.idx.msk $0xffff, v5  }
.Ltmp7:
0x62: {  	(pc) =	sbr.rel .LBB2_9-.Ltmp7, $4  }
0x63: {  	_ = 	snop  }
0x64: {  	[tilespmem:s16], [sflag:$0x1] =	stream.indirect.gather [hbm4b:s4+s15], $0x80, s12, s15, $0xb8;
	[tilespmem:$0x13900] =	vst v63  }
0x65: {  	s24 =	simm.s32 $0x0  }
0x66: {  	s23 =	simm.s32 $0x11080;
	p0 =	por $0x0, $0x0;
	s25 =	smov.u32 s21  }
.LBB2_12:
0x67: {  	[tilespmem:s28+$0x70] =	vst v5  }
.LBB2_8:
0x68: {  	p1 =	seq.s32 s24, s22  }
.Ltmp8:
0x69: {  	_ = 	snop;
	(pc) =	sbr.rel @p1 .LBB2_13-.Ltmp8, $2  }
0x6a: {  	_ =	sdelay $0x2  }
0x6b: {  	s25 =	sadd.s32 $0xFFFFFFE0, s25;
	s23 =	sadd.s32 $0x20, s23;
	p0 =	por !p0, !p0  }
.LBB2_9:
0x6c: {  	s26 =	smov.u32 s24;
	s24 =	sadd.s32 $0x1, s24  }
0x6d: {  	p1 =	sge.s32 s24, s22  }
0x6e: {  	s26 =	sshll.u32 s26, $0x5;
	s28 =	sshll.u32 @!p1 s24, $0xC;
	s29 =	sshll.u32 @!p1 s24, $0x7  }
0x6f: {  	s30 =	simm.s32 @!p1 $0x20;
	s28 =	sand.u32 @!p1 $0x1000, s28;
	s29 =	sshra.s32 @!p1 s29, $0x2  }
0x70: {  	s26 =	ssub.s32 s21, s26;
	s28 =	sadd.s32 @!p1 $0x11900, s28;
	s29 =	sadd.s32 @!p1 $0x10800, s29  }
0x71: {  	[tilespmem:s28], [sflag:$0x1] =	stream.indirect.gather @!p1 [hbm4b:s4+s30], $0x80, s29, s30, $0xb8;
	[tilespmem:$0x13900] =	vst v63  }
0x72: {  	p1 =	slt.s32 s26, $0x1  }
.Ltmp9:
0x73: {  	_ = 	snop;
	(pc) =	sbr.rel @p1 .LBB2_8-.Ltmp9, $4  }
0x74: {  	_ = 	snop  }
0x75: {  	_ =	swait.ge [sflag:s14], $0x1000  }
0x76: {  	[sflag:s14] =	ssyncset.done $0x0  }
0x77: {  	[sflag:s14] =	ssyncadd.s32 $0xFFFFF000  }
0x78: {  	v5 =	vld [tilespmem:s23+$0x0];
	_ =	sdelay $0x4  }
0x79: {  	(v2sf) =	vpush v5, $0x0;
	_ =	sdelay $0xc  }
0x7a: {  	s26 =	simm.s32 $0x1  }
0x7b: {  	s26 =	simm.s32 @!p0 $0x0  }
0x7c: {  	s26 =	sshll.u32 s26, $0xC;
	s28 =	spop (v2sf)  }
0x7d: {  	s26 =	sadd.s32 $0x11940, s26;
	s28 =	sshll.u32 s28, $0x9  }
0x7e: {  	v5 =	vld [tilespmem:s26+$0xFFFFFFC0];
	s28 =	sshra.s32 s28, $0x2  }
0x7f: {  	v6 =	vld [tilespmem:s28+$0x0];
	_ =	sdelay $0x4  }
0x80: {  	v5 =	vmax.f32 v6, v5  }
0x81: {  	[tilespmem:s28+$0x0] =	vst v5;
	v5 =	vld [tilespmem:s28+$0x10]  }
0x82: {  	v6 =	vld [tilespmem:s26+$0xFFFFFFD0];
	_ =	sdelay $0x4  }
0x83: {  	v5 =	vmax.f32 v5, v6  }
0x84: {  	[tilespmem:s28+$0x10] =	vst v5;
	v5 =	vld [tilespmem:s28+$0x20]  }
0x85: {  	v6 =	vld [tilespmem:s26+$0xFFFFFFE0];
	_ =	sdelay $0x4  }
0x86: {  	v5 =	vmax.f32 v5, v6  }
0x87: {  	[tilespmem:s28+$0x20] =	vst v5;
	v5 =	vld [tilespmem:s28+$0x30]  }
0x88: {  	v6 =	vld [tilespmem:s26+$0xFFFFFFF0];
	_ =	sdelay $0x4  }
0x89: {  	v5 =	vmax.f32 v5, v6  }
0x8a: {  	[tilespmem:s28+$0x30] =	vst v5;
	v5 =	vld [tilespmem:s28+$0x40]  }
0x8b: {  	v6 =	vld [tilespmem:s26+$0x0];
	_ =	sdelay $0x4  }
0x8c: {  	v5 =	vmax.f32 v5, v6  }
0x8d: {  	[tilespmem:s28+$0x40] =	vst v5;
	v5 =	vld [tilespmem:s28+$0x50]  }
0x8e: {  	v6 =	vld [tilespmem:s26+$0x10];
	_ =	sdelay $0x4  }
0x8f: {  	v5 =	vmax.f32 v5, v6  }
0x90: {  	[tilespmem:s28+$0x50] =	vst v5;
	v5 =	vld [tilespmem:s28+$0x60]  }
0x91: {  	v6 =	vld [tilespmem:s26+$0x20];
	_ =	sdelay $0x3  }
0x92: {  	p1 =	sgt.s32 s25, $0x1;
	s29 =	smov.u32 s25  }
0x93: {  	s29 =	simm.s32 @!p1 $0x1;
	v5 =	vmax.f32 v5, v6  }
0x94: {  	s29 =	smin.u32 s29, $0x20;
	[tilespmem:s28+$0x60] =	vst v5;
	v5 =	vld [tilespmem:s28+$0x70]  }
0x95: {  	p1 =	seq.s32 s29, $0x1;
	v6 =	vld [tilespmem:s26+$0x30]  }
.Ltmp10:
0x96: {  	_ = 	snop;
	(pc) =	sbr.rel @p1 .LBB2_12-.Ltmp10, $2  }
0x97: {  	_ =	sdelay $0x2  }
0x98: {  	s30 =	smov.u32 s23;
	s29 =	sadd.s32 $0xFFFFFFFF, s29;
	v5 =	vmax.f32 v5, v6  }
.LBB2_11:
0x99: {  	p1 =	seq.s32 s29, $0x1;
	[tilespmem:s28+$0x70] =	vst v5;
	s30 =	sadd.s32 $0x1, s30;
	s26 =	sadd.s32 $0x80, s26  }
0x9a: {  	s29 =	sadd.s32 $0xFFFFFFFF, s29;
	v5 =	vld [tilespmem:s30+$0x0];
	_ =	sdelay $0x4  }
0x9b: {  	(v2sf) =	vpush v5, $0x0;
	_ =	sdelay $0xe  }
0x9c: {  	s28 =	spop (v2sf)  }
0x9d: {  	s28 =	sshll.u32 s28, $0x9  }
0x9e: {  	s28 =	sshra.s32 s28, $0x2;
	v5 =	vld [tilespmem:s26+$0xFFFFFFC0]  }
0x9f: {  	v6 =	vld [tilespmem:s28+$0x0];
	_ =	sdelay $0x4  }
0xa0: {  	v5 =	vmax.f32 v6, v5  }
0xa1: {  	[tilespmem:s28+$0x0] =	vst v5;
	v5 =	vld [tilespmem:s28+$0x10]  }
0xa2: {  	v6 =	vld [tilespmem:s26+$0xFFFFFFD0];
	_ =	sdelay $0x4  }
0xa3: {  	v5 =	vmax.f32 v5, v6  }
0xa4: {  	[tilespmem:s28+$0x10] =	vst v5;
	v5 =	vld [tilespmem:s28+$0x20]  }
0xa5: {  	v6 =	vld [tilespmem:s26+$0xFFFFFFE0];
	_ =	sdelay $0x4  }
0xa6: {  	v5 =	vmax.f32 v5, v6  }
0xa7: {  	[tilespmem:s28+$0x20] =	vst v5;
	v5 =	vld [tilespmem:s28+$0x30]  }
0xa8: {  	v6 =	vld [tilespmem:s26+$0xFFFFFFF0];
	_ =	sdelay $0x4  }
0xa9: {  	v5 =	vmax.f32 v5, v6  }
0xaa: {  	[tilespmem:s28+$0x30] =	vst v5;
	v5 =	vld [tilespmem:s28+$0x40]  }
0xab: {  	v6 =	vld [tilespmem:s26+$0x0];
	_ =	sdelay $0x4  }
0xac: {  	v5 =	vmax.f32 v5, v6  }
0xad: {  	[tilespmem:s28+$0x40] =	vst v5;
	v5 =	vld [tilespmem:s28+$0x50]  }
0xae: {  	v6 =	vld [tilespmem:s26+$0x10];
	_ =	sdelay $0x4  }
0xaf: {  	v5 =	vmax.f32 v5, v6  }
0xb0: {  	[tilespmem:s28+$0x50] =	vst v5;
	v5 =	vld [tilespmem:s28+$0x60]  }
0xb1: {  	v6 =	vld [tilespmem:s26+$0x20];
	_ =	sdelay $0x4  }
0xb2: {  	v5 =	vmax.f32 v5, v6  }
0xb3: {  	[tilespmem:s28+$0x60] =	vst v5;
	v5 =	vld [tilespmem:s28+$0x70]  }
0xb4: {  	v6 =	vld [tilespmem:s26+$0x30]  }
.Ltmp11:
0xb5: {  	(pc) =	sbr.rel @!p1 .LBB2_11-.Ltmp11, $2  }
0xb6: {  	_ =	sdelay $0x2  }
0xb7: {  	v5 =	vmax.f32 v5, v6  }
.Ltmp12:
0xb8: {  	_ = 	snop;
	(pc) =	sbr.rel .LBB2_12-.Ltmp12, $1  }
0xb9: {  	_ =	sdelay $0x3  }
.LBB2_14:
0xba: {  	s18 =	simm.s32 $0x0  }
0xbb: {  	[hbm4b:s7+s18] =	stream.linear.scatter [tilespmem:s18], [sflag:$0x2], $0x10000, $0x38;
	[tilespmem:$0x13900] =	vst v63  }
0xbc: {  	_ =	swait.ge [sflag:s11], $0x10000  }
0xbd: {  	[sflag:s11] =	ssyncset.done $0x0  }
0xbe: {  	s19 =	simm.s32 $0x40;
	s20 =	simm.s32 $0x0;
	[sflag:s11] =	ssyncadd.s32 $0xFFFF0000  }
.LBB2_15:
0xbf: {  	p0 =	sne.s32 s19, $0x3FFC0;
	[tilespmem:s20+$0x0] =	vst v2;
	s20 =	smov.u32 s19;
	s19 =	sadd.s32 $0x40, s19  }
.Ltmp13:
0xc0: {  	(pc) =	sbr.rel @p0 .LBB2_15-.Ltmp13, $2  }
0xc1: {  	_ =	sdelay $0x2  }
0xc2: {  	s20 =	sshra.s32 s20, $0x2  }
.Ltmp14:
0xc3: {  	(pc) =	sbr.rel .LBB2_17-.Ltmp14, $2  }
0xc4: {  	_ =	sdelay $0x2  }
0xc5: {  	[tilespmem:s20+$0x0] =	vst v2;
	s19 =	smov.u32 s6  }
.LBB2_26:
0xc6: {  	s18 =	sadd.s32 $0x1, s18  }
0xc7: {  	p0 =	sne.s32 s18, $0xA  }
.Ltmp15:
0xc8: {  	_ = 	snop;
	(pc) =	sbr.rel @!p0 .LBB2_27-.Ltmp15, $2  }
0xc9: {  	_ =	sdelay $0x2  }
0xca: {  	s19 =	sadd.s32 $0x7D0, s19  }
.LBB2_17:
0xcb: {  	s20 =	sshll.u32 s18, $0x3  }
0xcc: {  	s20 =	sor.u32 s5, s20  }
0xcd: {  	s20 =	smul.u32 $0xFA, s20;
	_ =	sdelay $0x1  }
0xce: {  	s21 =	sadd.s32 s3, s20;
	s20 =	simm.s32 $0x0  }
0xcf: {  	[tilespmem:s10], [sflag:$0x2] =	stream.linear.gather [hbm4b:s21+s20], $0x7D0, $0x38;
	[tilespmem:$0x13900] =	vst v63  }
0xd0: {  	_ =	swait.ge [sflag:s11], $0x7D0  }
0xd1: {  	[sflag:s11] =	ssyncset.done $0x0  }
0xd2: {  	s30 =	simm.s32 $0x0;
	[sflag:s11] =	ssyncadd.s32 $0xFFFFF830  }
0xd3: {  	v5 =	vld [tilespmem:s30+$0x10000];
	_ =	sdelay $0x4  }
0xd4: {  	v5 =	vsub.s32 v5, v1  }
0xd5: {  	vm0 =	vlt.u32 v5, $0x200  }
0xd6: {  	v6 =	vsel vm0, $0x1, v3  }
0xd7: {  	(xrf0) =	vadd.scan.msk.s32 $0xffff, v6;
	_ =	sdelay $0x2  }
0xd8: {  	v6 =	vmov s20  }
0xd9: {  	v6 =	vadd.s32 $0xFFFFFFFF, v6  }
0xda: {  	v6 =	vbroadcast v6, $0x0  }
0xdb: {  	v7, _, _ =	vpop (xrf0)  }
0xdc: {  	v6 =	vadd.s32 v7, v6;
	(v2sf) =	vpush v7, $0xF;
	_ =	sdelay $0x3  }
0xdd: {  	s31 =	smul.u32 $0x7D0, s18;
	v8 =	vor.u32 s19, v4  }
0xde: {  	s24 =	simm.s32 $0x10;
	[tilespmem:v6+s12+$0x0] =	vst.idx.msk vm0, v8  }
0xdf: {  	s23 =	simm.s32 $0x80;
	s22 =	smov.u32 s19;
	s21 =	sadd.s32 s6, s31;
	[tilespmem:v6+s13+$0x0] =	vst.idx.msk vm0, v5  }
.LBB2_18:
0xe0: {  	p0 =	sne.s32 s23, $0x1F00;
	v5 =	vld [tilespmem:s24+$0x10000];
	_ =	sdelay $0x4  }
0xe1: {  	v5 =	vsub.s32 v5, v1  }
0xe2: {  	vm0 =	vlt.u32 v5, $0x200  }
0xe3: {  	v6 =	vsel vm0, $0x1, v3  }
0xe4: {  	(xrf0) =	vadd.scan.msk.s32 $0xffff, v6;
	s24 =	spop (v2sf)  }
0xe5: {  	s20 =	sadd.s32 s20, s24  }
0xe6: {  	v6 =	vmov s20  }
0xe7: {  	v6 =	vadd.s32 $0xFFFFFFFF, v6  }
0xe8: {  	v6 =	vbroadcast v6, $0x0;
	_ =	sdelay $0x1  }
0xe9: {  	v7, _, _ =	vpop (xrf0)  }
0xea: {  	v6 =	vadd.s32 v7, v6;
	(v2sf) =	vpush v7, $0xF;
	_ =	sdelay $0x1  }
.Ltmp16:
0xeb: {  	(pc) =	sbr.rel @p0 .LBB2_18-.Ltmp16, $4  }
0xec: {  	s22 =	sadd.s32 $0x10, s22  }
0xed: {  	v7 =	vor.u32 s22, v4  }
0xee: {  	[tilespmem:v6+s12+$0x0] =	vst.idx.msk vm0, v7  }
0xef: {  	s24 =	sshra.s32 s23, $0x2;
	s23 =	sadd.s32 $0x40, s23;
	[tilespmem:v6+s13+$0x0] =	vst.idx.msk vm0, v5  }
0xf0: {  	v5 =	vld [tilespmem:s24+$0x10000];
	_ =	sdelay $0x4  }
0xf1: {  	v5 =	vsub.s32 v5, v1  }
0xf2: {  	vm0 =	vlt.u32 v5, $0x200  }
0xf3: {  	v6 =	vsel vm0, $0x1, v3  }
0xf4: {  	(xrf0) =	vadd.scan.msk.s32 $0xffff, v6;
	_ =	sdelay $0x5  }
0xf5: {  	v6, _, _ =	vpop (xrf0)  }
0xf6: {  	(v2sf) =	vpush v6, $0xF;
	_ =	sdelay $0xa  }
0xf7: {  	s23 =	spop (v2sf)  }
0xf8: {  	s20 =	sadd.s32 s20, s23  }
0xf9: {  	v7 =	vmov s20  }
0xfa: {  	v7 =	vadd.s32 $0xFFFFFFFF, v7  }
0xfb: {  	v7 =	vbroadcast v7, $0x0;
	s26 =	spop (v2sf)  }
0xfc: {  	s20 =	sadd.s32 s20, s26  }
0xfd: {  	v6 =	vadd.s32 v6, v7;
	s23 =	sadd.s32 $0x1F, s20  }
0xfe: {  	s25 =	sand.u32 $0x1F, s23  }
0xff: {  	s29 =	sshra.s32 s23, $0x1F;
	p1 =	slt.s32 s23, $0x1;
	p0 =	sne.s32 s25, $0x0  }
0x100: {  	s22 =	sadd.s32 $0x10, s22;
	s30 =	sshrl.u32 s29, $0x1B;
	p0 =	por !p1, !p0  }
0x101: {  	v9 =	vor.u32 s22, v4;
	s31 =	sadd.s32 s30, s23;
	s23 =	simm.s32 $0x1;
	p0 =	por !p0, !p0  }
0x102: {  	[tilespmem:v6+s12+$0x0] =	vst.idx.msk vm0, v9;
	s22 =	sshra.s32 s31, $0x5;
	s23 =	simm.s32 @!p0 $0x0  }
0x103: {  	[tilespmem:v6+s13+$0x0] =	vst.idx.msk vm0, v5;
	v5 =	vmov s21;
	s28 =	sadd.s32 $0x10, s20;
	v7 =	vadd.s32 s20, v4;
	s21 =	ssub.s32 s22, s23  }
0x104: {  	v8 =	vadd.s32 s28, v4;
	p0 =	slt.s32 s21, $0x1  }
.Ltmp17:
0x105: {  	_ = 	snop;
	(pc) =	sbr.rel @p0 .LBB2_26-.Ltmp17, $3  }
0x106: {  	_ =	sdelay $0x1  }
0x107: {  	[tilespmem:v7+s12+$0x0] =	vst.idx.msk $0xffff, v5  }
0x108: {  	[tilespmem:v8+s12+$0x0] =	vst.idx.msk $0xffff, v5  }
.Ltmp18:
0x109: {  	(pc) =	sbr.rel .LBB2_22-.Ltmp18, $4  }
0x10a: {  	_ = 	snop  }
0x10b: {  	[tilespmem:s16], [sflag:$0x1] =	stream.indirect.gather [hbm4b:s4+s15], $0x80, s12, s15, $0xb8;
	[tilespmem:$0x13900] =	vst v63  }
0x10c: {  	s23 =	simm.s32 $0x0  }
0x10d: {  	s22 =	simm.s32 $0x11080;
	p0 =	por $0x0, $0x0;
	s24 =	smov.u32 s20  }
.LBB2_25:
0x10e: {  	[tilespmem:s26+$0x70] =	vst v5  }
.LBB2_21:
0x10f: {  	p1 =	seq.s32 s23, s21  }
.Ltmp19:
0x110: {  	_ = 	snop;
	(pc) =	sbr.rel @p1 .LBB2_26-.Ltmp19, $2  }
0x111: {  	_ =	sdelay $0x2  }
0x112: {  	s24 =	sadd.s32 $0xFFFFFFE0, s24;
	s22 =	sadd.s32 $0x20, s22;
	p0 =	por !p0, !p0  }
.LBB2_22:
0x113: {  	s25 =	smov.u32 s23;
	s23 =	sadd.s32 $0x1, s23  }
0x114: {  	p1 =	sge.s32 s23, s21  }
0x115: {  	s25 =	sshll.u32 s25, $0x5;
	s26 =	sshll.u32 @!p1 s23, $0xC;
	s28 =	sshll.u32 @!p1 s23, $0x7  }
0x116: {  	s29 =	simm.s32 @!p1 $0x20;
	s26 =	sand.u32 @!p1 $0x1000, s26;
	s28 =	sshra.s32 @!p1 s28, $0x2  }
0x117: {  	s25 =	ssub.s32 s20, s25;
	s26 =	sadd.s32 @!p1 $0x11900, s26;
	s28 =	sadd.s32 @!p1 $0x10800, s28  }
0x118: {  	[tilespmem:s26], [sflag:$0x1] =	stream.indirect.gather @!p1 [hbm4b:s4+s29], $0x80, s28, s29, $0xb8;
	[tilespmem:$0x13900] =	vst v63  }
0x119: {  	p1 =	slt.s32 s25, $0x1  }
.Ltmp20:
0x11a: {  	_ = 	snop;
	(pc) =	sbr.rel @p1 .LBB2_21-.Ltmp20, $4  }
0x11b: {  	_ = 	snop  }
0x11c: {  	_ =	swait.ge [sflag:s14], $0x1000  }
0x11d: {  	[sflag:s14] =	ssyncset.done $0x0  }
0x11e: {  	[sflag:s14] =	ssyncadd.s32 $0xFFFFF000  }
0x11f: {  	v5 =	vld [tilespmem:s22+$0x0];
	_ =	sdelay $0x4  }
0x120: {  	(v2sf) =	vpush v5, $0x0;
	_ =	sdelay $0xc  }
0x121: {  	s25 =	simm.s32 $0x1  }
0x122: {  	s25 =	simm.s32 @!p0 $0x0  }
0x123: {  	s25 =	sshll.u32 s25, $0xC;
	s26 =	spop (v2sf)  }
0x124: {  	s25 =	sadd.s32 $0x11940, s25;
	s26 =	sshll.u32 s26, $0x9  }
0x125: {  	v5 =	vld [tilespmem:s25+$0xFFFFFFC0];
	s26 =	sshra.s32 s26, $0x2  }
0x126: {  	v6 =	vld [tilespmem:s26+$0x0];
	_ =	sdelay $0x4  }
0x127: {  	v5 =	vmax.f32 v6, v5  }
0x128: {  	[tilespmem:s26+$0x0] =	vst v5;
	v5 =	vld [tilespmem:s26+$0x10]  }
0x129: {  	v6 =	vld [tilespmem:s25+$0xFFFFFFD0];
	_ =	sdelay $0x4  }
0x12a: {  	v5 =	vmax.f32 v5, v6  }
0x12b: {  	[tilespmem:s26+$0x10] =	vst v5;
	v5 =	vld [tilespmem:s26+$0x20]  }
0x12c: {  	v6 =	vld [tilespmem:s25+$0xFFFFFFE0];
	_ =	sdelay $0x4  }
0x12d: {  	v5 =	vmax.f32 v5, v6  }
0x12e: {  	[tilespmem:s26+$0x20] =	vst v5;
	v5 =	vld [tilespmem:s26+$0x30]  }
0x12f: {  	v6 =	vld [tilespmem:s25+$0xFFFFFFF0];
	_ =	sdelay $0x4  }
0x130: {  	v5 =	vmax.f32 v5, v6  }
0x131: {  	[tilespmem:s26+$0x30] =	vst v5;
	v5 =	vld [tilespmem:s26+$0x40]  }
0x132: {  	v6 =	vld [tilespmem:s25+$0x0];
	_ =	sdelay $0x4  }
0x133: {  	v5 =	vmax.f32 v5, v6  }
0x134: {  	[tilespmem:s26+$0x40] =	vst v5;
	v5 =	vld [tilespmem:s26+$0x50]  }
0x135: {  	v6 =	vld [tilespmem:s25+$0x10];
	_ =	sdelay $0x4  }
0x136: {  	v5 =	vmax.f32 v5, v6  }
0x137: {  	[tilespmem:s26+$0x50] =	vst v5;
	v5 =	vld [tilespmem:s26+$0x60]  }
0x138: {  	v6 =	vld [tilespmem:s25+$0x20];
	_ =	sdelay $0x3  }
0x139: {  	p1 =	sgt.s32 s24, $0x1;
	s28 =	smov.u32 s24  }
0x13a: {  	s28 =	simm.s32 @!p1 $0x1;
	v5 =	vmax.f32 v5, v6  }
0x13b: {  	s28 =	smin.u32 s28, $0x20;
	[tilespmem:s26+$0x60] =	vst v5;
	v5 =	vld [tilespmem:s26+$0x70]  }
0x13c: {  	p1 =	seq.s32 s28, $0x1;
	v6 =	vld [tilespmem:s25+$0x30]  }
.Ltmp21:
0x13d: {  	_ = 	snop;
	(pc) =	sbr.rel @p1 .LBB2_25-.Ltmp21, $2  }
0x13e: {  	_ =	sdelay $0x2  }
0x13f: {  	s29 =	smov.u32 s22;
	s28 =	sadd.s32 $0xFFFFFFFF, s28;
	v5 =	vmax.f32 v5, v6  }
.LBB2_24:
0x140: {  	p1 =	seq.s32 s28, $0x1;
	[tilespmem:s26+$0x70] =	vst v5;
	s29 =	sadd.s32 $0x1, s29;
	s25 =	sadd.s32 $0x80, s25  }
0x141: {  	s28 =	sadd.s32 $0xFFFFFFFF, s28;
	v5 =	vld [tilespmem:s29+$0x0];
	_ =	sdelay $0x4  }
0x142: {  	(v2sf) =	vpush v5, $0x0;
	_ =	sdelay $0xe  }
0x143: {  	s26 =	spop (v2sf)  }
0x144: {  	s26 =	sshll.u32 s26, $0x9  }
0x145: {  	s26 =	sshra.s32 s26, $0x2;
	v5 =	vld [tilespmem:s25+$0xFFFFFFC0]  }
0x146: {  	v6 =	vld [tilespmem:s26+$0x0];
	_ =	sdelay $0x4  }
0x147: {  	v5 =	vmax.f32 v6, v5  }
0x148: {  	[tilespmem:s26+$0x0] =	vst v5;
	v5 =	vld [tilespmem:s26+$0x10]  }
0x149: {  	v6 =	vld [tilespmem:s25+$0xFFFFFFD0];
	_ =	sdelay $0x4  }
0x14a: {  	v5 =	vmax.f32 v5, v6  }
0x14b: {  	[tilespmem:s26+$0x10] =	vst v5;
	v5 =	vld [tilespmem:s26+$0x20]  }
0x14c: {  	v6 =	vld [tilespmem:s25+$0xFFFFFFE0];
	_ =	sdelay $0x4  }
0x14d: {  	v5 =	vmax.f32 v5, v6  }
0x14e: {  	[tilespmem:s26+$0x20] =	vst v5;
	v5 =	vld [tilespmem:s26+$0x30]  }
0x14f: {  	v6 =	vld [tilespmem:s25+$0xFFFFFFF0];
	_ =	sdelay $0x4  }
0x150: {  	v5 =	vmax.f32 v5, v6  }
0x151: {  	[tilespmem:s26+$0x30] =	vst v5;
	v5 =	vld [tilespmem:s26+$0x40]  }
0x152: {  	v6 =	vld [tilespmem:s25+$0x0];
	_ =	sdelay $0x4  }
0x153: {  	v5 =	vmax.f32 v5, v6  }
0x154: {  	[tilespmem:s26+$0x40] =	vst v5;
	v5 =	vld [tilespmem:s26+$0x50]  }
0x155: {  	v6 =	vld [tilespmem:s25+$0x10];
	_ =	sdelay $0x4  }
0x156: {  	v5 =	vmax.f32 v5, v6  }
0x157: {  	[tilespmem:s26+$0x50] =	vst v5;
	v5 =	vld [tilespmem:s26+$0x60]  }
0x158: {  	v6 =	vld [tilespmem:s25+$0x20];
	_ =	sdelay $0x4  }
0x159: {  	v5 =	vmax.f32 v5, v6  }
0x15a: {  	[tilespmem:s26+$0x60] =	vst v5;
	v5 =	vld [tilespmem:s26+$0x70]  }
0x15b: {  	v6 =	vld [tilespmem:s25+$0x30]  }
.Ltmp22:
0x15c: {  	(pc) =	sbr.rel @!p1 .LBB2_24-.Ltmp22, $2  }
0x15d: {  	_ =	sdelay $0x2  }
0x15e: {  	v5 =	vmax.f32 v5, v6  }
.Ltmp23:
0x15f: {  	_ = 	snop;
	(pc) =	sbr.rel .LBB2_25-.Ltmp23, $1  }
0x160: {  	_ =	sdelay $0x3  }
.LBB2_28:
0x161: {  	_ =	sfence.sel $0x180000  }
0x162: {  	[bflag:$0x0] =	sbarrier.arrive $0xFFFF  }
0x163: {  	p0 =	sne.s32 s1, $0x0;
	_ =	strace $0x9000004A  }
0x164: {  	s0 =	sadd.s32 @!p0 $0x100000, s0;
	[bflag:$0x2] =	sbarrier.arrive $0xFFFF  }
0x165: {  	[sflag:s0] =	ssyncadd.tile.s32 @!p0 $0x1;
	_ =	shalt  }
.Lfunc_end2:
_tile_overlayer_lowered:
.L_overlay_start_2:
0x166: {  	(tag) =	ssettag $0x2  }
0x167: {  	s0 =	rddreg [dreg:$0x0];
	s2 =	stileid.u32  }
0x168: {  	s1 =	rddreg [dreg:$0x1];
	p0 =	sne.s32 s2, $0x0  }
0x169: {  	s3 =	rddreg [dreg:$0x2];
	[bflag:$0x3] =	sbarrier.arrive $0xFFFF;
	s2 =	simm.s32 @!p0 $0x1C02  }
0x16a: {  	[timem:s3], [sflag:s2] =	dma.local @!p0 [hbm:s0], s1  }
0x16b: {  	s0 =	simm.s32 @!p0 $0x2  }
0x16c: {  	_ =	swait.ge @!p0 [sflag:s0], s1  }
0x16d: {  	s1 =	ssub.s32 @!p0 $0x0, s1;
	[sflag:s0] =	ssyncset.done @!p0 $0x0  }
0x16e: {  	[sflag:s0] =	ssyncadd.s32 @!p0 s1  }
0x16f: {  	[bflag:$0x3] =	sbarrier.arrive $0xFFFF  }
0x170: {  	_ =	shalt  }

</sc_bundles>
